<compile_context>
chip_gen: v7x
topology: tpu7x:2x2x1
jax: 0.10.2.dev20260603
libtpu: 0.0.44.dev20260713+nightly
codegen_flags: <defaults>
</compile_context>

<pallas_src>
import functools

import jax
import jax.numpy as jnp
from jax import lax
from jax.experimental import pallas as pl
from jax.experimental.pallas import tpu as pltpu
from jax.experimental.pallas import tpu_sc as plsc

N_NODES = 10000
D_FEAT = 128
N_EDGES = 320000

NC = 2
NS = 16
NW = NC * NS
FPT = D_FEAT // NW
FLAT = N_NODES * FPT
FPAD = 40064
FROW = FPAD // 128
EB = 2048
EROW = 16
NBLK = 160
E_PAD = NBLK * EB
GPR = 8

_mesh = plsc.VectorSubcoreMesh(core_axis_name="c", subcore_axis_name="s")


@functools.partial(
    pl.kernel,
    out_type=jax.ShapeDtypeStruct((NC, NS, FROW, 128), jnp.float32),
    mesh=_mesh,
    compiler_params=pltpu.CompilerParams(needs_layout_passes=False),
    scratch_types=[
        pltpu.VMEM((FROW, 128), jnp.float32),
        pltpu.VMEM((FROW, 128), jnp.float32),
        pltpu.VMEM((EROW, 128), jnp.int32),
        pltpu.VMEM((EROW, 128), jnp.int32),
        pltpu.VMEM((EROW, 128), jnp.int32),
        pltpu.VMEM((EROW, 128), jnp.int32),
        pltpu.VMEM((EROW, 128), jnp.float32),
        pltpu.VMEM((EROW, 128), jnp.float32),
        pltpu.SemaphoreType.DMA,
        pltpu.SemaphoreType.DMA,
    ],
)
def _mp_sc_kernel(xt_hbm, idxj_hbm, idxi_hbm, val_hbm, out_hbm,
                  xloc, acc, jb0, jb1, ib0, ib1, vb0, vb1, sem0, sem1):
    c = lax.axis_index("c")
    s = lax.axis_index("s")
    jbs = (jb0, jb1)
    ibs = (ib0, ib1)
    vbs = (vb0, vb1)
    sems = (sem0, sem1)

    pltpu.sync_copy(xt_hbm.at[c].at[s], xloc)
    zeros16 = jnp.zeros((16,), jnp.float32)

    def zero_row(r, carry):
        for q in range(8):
            acc[r, pl.ds(q * 16, 16)] = zeros16
        return carry

    lax.fori_loop(0, FROW, zero_row, 0)

    def issue_block(b, u):
        pltpu.async_copy(idxj_hbm.at[b], jbs[u], sems[u])
        pltpu.async_copy(idxi_hbm.at[b], ibs[u], sems[u])
        pltpu.async_copy(val_hbm.at[b], vbs[u], sems[u])

    def wait_block(u):
        pltpu.make_async_copy(idxj_hbm.at[0], jbs[u], sems[u]).wait()
        pltpu.make_async_copy(idxi_hbm.at[0], ibs[u], sems[u]).wait()
        pltpu.make_async_copy(val_hbm.at[0], vbs[u], sems[u]).wait()

    issue_block(0, 0)
    issue_block(1, 1)

    def process_block(u):
        jb, ib, vb = jbs[u], ibs[u], vbs[u]

        def row_body(r, carry):
            for g in range(GPR):
                j16 = jb[r, pl.ds(g * 16, 16)]
                i16 = ib[r, pl.ds(g * 16, 16)]
                v16 = vb[r, pl.ds(g * 16, 16)]
                jflat = j16 * FPT
                iflat = i16 * FPT
                for q in range(FPT):
                    jq = jflat + q
                    iq = iflat + q
                    feat = plsc.load_gather(
                        xloc, [lax.shift_right_logical(jq, 7),
                               lax.bitwise_and(jq, 127)])
                    prod = feat * v16
                    plsc.addupdate_scatter(
                        acc, [lax.shift_right_logical(iq, 7),
                              lax.bitwise_and(iq, 127)], prod)
            return carry

        lax.fori_loop(0, EROW, row_body, 0)

    def pair_body(p, carry):
        for u in range(2):
            wait_block(u)
            process_block(u)
            issue_block(2 * p + u + 2, u)
        return carry

    lax.fori_loop(0, NBLK // 2, pair_body, 0)
    wait_block(0)
    wait_block(1)

    pltpu.sync_copy(acc, out_hbm.at[c].at[s])


def kernel(x, a_indices, a_values):
    pad = E_PAD - N_EDGES
    xtra = 2 * EB
    idx_i = jnp.pad(a_indices[0].astype(jnp.int32), (0, pad + xtra))
    idx_j = jnp.pad(a_indices[1].astype(jnp.int32), (0, pad + xtra))
    vals = jnp.pad(a_values.astype(jnp.float32), (0, pad + xtra))
    idx_i = idx_i.reshape(NBLK + 2, EROW, 128)
    idx_j = idx_j.reshape(NBLK + 2, EROW, 128)
    vals = vals.reshape(NBLK + 2, EROW, 128)
    xt = x.reshape(N_NODES, NW, FPT).transpose(1, 0, 2).reshape(NW, FLAT)
    xt = jnp.pad(xt, ((0, 0), (0, FPAD - FLAT)))
    xt = xt.reshape(NC, NS, FROW, 128)
    out_t = _mp_sc_kernel(xt, idx_j, idx_i, vals)
    out_t = out_t.reshape(NW, FPAD)[:, :FLAT]
    return out_t.reshape(NW, N_NODES, FPT).transpose(1, 0, 2).reshape(
        N_NODES, D_FEAT)

# --- scband reference (transcript-rebuilt; emitter-appended) ---
"""Pipeline reference for scband-message-passing-20822001451734 (READ-ONLY COPY).

The authoritative reference and input builder live on the scoring server;
editing this copy changes nothing except your own understanding.
"""

import jax, jax.numpy as jnp
import numpy as np

N_NODES = 10000
N_EDGES = 320000
D_FEAT = 128


def setup_inputs(seed: int = 0) -> dict:
    key = jax.random.key(seed)
    k1, k2, k3 = jax.random.split(key, 3)
    x = jax.random.normal(k1, (N_NODES, D_FEAT), dtype=jnp.float32)
    a_indices = jax.random.randint(k2, (2, N_EDGES), 0, N_NODES, dtype=jnp.int64)
    a_values = jax.random.normal(k3, (N_EDGES,), dtype=jnp.float32)
    return {"x": x, "a_indices": a_indices, "a_values": a_values}


def reference(x, a_indices, a_values):
    # a is a sparse COO matrix [N, N]: row=target (index_i), col=source (index_j)
    index_i = a_indices[0]
    index_j = a_indices[1]
    # message: gather source-cell features
    messages = jnp.take(x, index_j, axis=0)
    # aggregate_sign=True and aggregate_value=True -> multiply by values
    messages = a_values[:, None] * messages
    # aggregate: scatter-sum by target index
    out = jax.ops.segment_sum(messages, index_i, num_segments=N_NODES)
    # update: identity
    return out

if __name__ == "__main__":
    import jax
    _d = setup_inputs()
    print(jax.jit(kernel)(*tuple(_d.values())))

</pallas_src>

<mosaic_0001>
#map = affine_map<(d0, d1) -> (0, 0, 0, 0)>
#map1 = affine_map<(d0, d1) -> (0, 0, 0)>
module attributes {stable_mosaic.version = 14 : i64} {
  func.func @_mp_sc_kernel(%arg0: i32, %arg1: i32, %arg2: memref<2x16x313x128xf32, #tpu.memory_space<hbm>>, %arg3: memref<162x16x128xi32, #tpu.memory_space<hbm>>, %arg4: memref<162x16x128xi32, #tpu.memory_space<hbm>>, %arg5: memref<162x16x128xf32, #tpu.memory_space<hbm>>, %arg6: memref<2x16x313x128xf32, #tpu.memory_space<hbm>>, %arg7: memref<313x128xf32, #tpu.memory_space<vmem>>, %arg8: memref<313x128xf32, #tpu.memory_space<vmem>>, %arg9: memref<16x128xi32, #tpu.memory_space<vmem>>, %arg10: memref<16x128xi32, #tpu.memory_space<vmem>>, %arg11: memref<16x128xi32, #tpu.memory_space<vmem>>, %arg12: memref<16x128xi32, #tpu.memory_space<vmem>>, %arg13: memref<16x128xf32, #tpu.memory_space<vmem>>, %arg14: memref<16x128xf32, #tpu.memory_space<vmem>>, %arg15: memref<!tpu.dma_semaphore, #tpu.memory_space<semaphore_mem>>, %arg16: memref<!tpu.dma_semaphore, #tpu.memory_space<semaphore_mem>>) attributes {dimension_semantics = [#tpu.dimension_semantics<core_parallel>, #tpu.dimension_semantics<subcore_parallel>], iteration_bounds = array<i64: 2, 16>, scalar_prefetch = 0 : i64, scratch_operands = 10 : i64, tpu.core_type = #tpu.core_type<sc_vector_subcore>, window_params = [{transform_indices = #map}, {transform_indices = #map1}, {transform_indices = #map1}, {transform_indices = #map1}, {transform_indices = #map}]} {
    "tpu.region"() ({
      %run_scoped3A = tpu.sem_alloc : memref<!tpu.dma_semaphore, #tpu.memory_space<semaphore_mem>>
      %dma_start3A_118 = arith.constant 0 : i32
      %dma_start3A_119 = arith.constant 0 : i32
      %dma_start3A_120 = arith.constant 0 : i32
      %dma_start3A_121 = tpu.memref_slice %arg2[%arg0, %dma_start3A_118, %dma_start3A_119, %dma_start3A_120] : memref<2x16x313x128xf32, #tpu.memory_space<hbm>> -> memref<1x16x313x128xf32, #tpu.memory_space<hbm>>
      %dma_start3A_122 = tpu.memref_squeeze %dma_start3A_121 : memref<1x16x313x128xf32, #tpu.memory_space<hbm>> -> memref<16x313x128xf32, #tpu.memory_space<hbm>>
      %dma_start3A_123 = arith.constant 0 : i32
      %dma_start3A_124 = arith.constant 0 : i32
      %dma_start3A_125 = tpu.memref_slice %dma_start3A_122[%arg1, %dma_start3A_123, %dma_start3A_124] : memref<16x313x128xf32, #tpu.memory_space<hbm>> -> memref<1x313x128xf32, #tpu.memory_space<hbm>>
      %dma_start3A_126 = tpu.memref_squeeze %dma_start3A_125 : memref<1x313x128xf32, #tpu.memory_space<hbm>> -> memref<313x128xf32, #tpu.memory_space<hbm>>
      %dma_start3A_127 = arith.constant 0 : i32
      %dma_start3A_128 = arith.constant 0 : i32
      %dma_start3A_129 = arith.constant 0 : i32
      %dma_start3A_130 = tpu.memref_slice %arg2[%arg0, %dma_start3A_127, %dma_start3A_128, %dma_start3A_129] : memref<2x16x313x128xf32, #tpu.memory_space<hbm>> -> memref<1x16x313x128xf32, #tpu.memory_space<hbm>>
      %dma_start3A_131 = tpu.memref_squeeze %dma_start3A_130 : memref<1x16x313x128xf32, #tpu.memory_space<hbm>> -> memref<16x313x128xf32, #tpu.memory_space<hbm>>
      %dma_start3A_132 = arith.constant 0 : i32
      %dma_start3A_133 = arith.constant 0 : i32
      %dma_start3A_134 = tpu.memref_slice %dma_start3A_131[%arg1, %dma_start3A_132, %dma_start3A_133] : memref<16x313x128xf32, #tpu.memory_space<hbm>> -> memref<1x313x128xf32, #tpu.memory_space<hbm>>
      %dma_start3A_135 = tpu.memref_squeeze %dma_start3A_134 : memref<1x313x128xf32, #tpu.memory_space<hbm>> -> memref<313x128xf32, #tpu.memory_space<hbm>>
      tpu.enqueue_dma source(%dma_start3A_135 : memref<313x128xf32, #tpu.memory_space<hbm>>) target(%arg7 : memref<313x128xf32, #tpu.memory_space<vmem>>) target_semaphore(%run_scoped3A : memref<!tpu.dma_semaphore, #tpu.memory_space<semaphore_mem>>)
      %dma_wait3A_136 = arith.constant 0 : i32
      %dma_wait3A_137 = arith.constant 0 : i32
      %dma_wait3A_138 = arith.constant 0 : i32
      %dma_wait3A_139 = tpu.memref_slice %arg2[%arg0, %dma_wait3A_136, %dma_wait3A_137, %dma_wait3A_138] : memref<2x16x313x128xf32, #tpu.memory_space<hbm>> -> memref<1x16x313x128xf32, #tpu.memory_space<hbm>>
      %dma_wait3A_140 = tpu.memref_squeeze %dma_wait3A_139 : memref<1x16x313x128xf32, #tpu.memory_space<hbm>> -> memref<16x313x128xf32, #tpu.memory_space<hbm>>
      %dma_wait3A_141 = arith.constant 0 : i32
      %dma_wait3A_142 = arith.constant 0 : i32
      %dma_wait3A_143 = tpu.memref_slice %dma_wait3A_140[%arg1, %dma_wait3A_141, %dma_wait3A_142] : memref<16x313x128xf32, #tpu.memory_space<hbm>> -> memref<1x313x128xf32, #tpu.memory_space<hbm>>
      %dma_wait3A_144 = tpu.memref_squeeze %dma_wait3A_143 : memref<1x313x128xf32, #tpu.memory_space<hbm>> -> memref<313x128xf32, #tpu.memory_space<hbm>>
      %dma_wait3A_145 = arith.constant 0 : i32
      %dma_wait3A_146 = arith.constant 0 : i32
      %dma_wait3A_147 = arith.constant 0 : i32
      %dma_wait3A_148 = tpu.memref_slice %arg2[%arg0, %dma_wait3A_145, %dma_wait3A_146, %dma_wait3A_147] : memref<2x16x313x128xf32, #tpu.memory_space<hbm>> -> memref<1x16x313x128xf32, #tpu.memory_space<hbm>>
      %dma_wait3A_149 = tpu.memref_squeeze %dma_wait3A_148 : memref<1x16x313x128xf32, #tpu.memory_space<hbm>> -> memref<16x313x128xf32, #tpu.memory_space<hbm>>
      %dma_wait3A_150 = arith.constant 0 : i32
      %dma_wait3A_151 = arith.constant 0 : i32
      %dma_wait3A_152 = tpu.memref_slice %dma_wait3A_149[%arg1, %dma_wait3A_150, %dma_wait3A_151] : memref<16x313x128xf32, #tpu.memory_space<hbm>> -> memref<1x313x128xf32, #tpu.memory_space<hbm>>
      %dma_wait3A_153 = tpu.memref_squeeze %dma_wait3A_152 : memref<1x313x128xf32, #tpu.memory_space<hbm>> -> memref<313x128xf32, #tpu.memory_space<hbm>>
      tpu.wait_dma2 semaphore(%run_scoped3A : memref<!tpu.dma_semaphore, #tpu.memory_space<semaphore_mem>>) src(%dma_wait3A_153 : memref<313x128xf32, #tpu.memory_space<hbm>>) dst(%arg7 : memref<313x128xf32, #tpu.memory_space<vmem>>)
      tpu.yield
    }) : () -> ()
    %broadcast_in_dim3A = arith.constant 0.000000e+00 : f32
    %broadcast_in_dim3A_0 = vector.broadcast %broadcast_in_dim3A : f32 to vector<16xf32>
    %scan3A = arith.constant 0 : i32
    %scan3A_1 = arith.constant 0 : i32
    %scan3A_2 = arith.constant 313 : i32
    %scan3A_3 = arith.addi %scan3A_1, %scan3A_2 : i32
    %scan3A_4 = arith.constant 1 : i32
    scf.for %scan3A_118 = %scan3A_1 to %scan3A_3 step %scan3A_4  : i32 {
      %swap3A = arith.index_cast %scan3A_118 : i32 to index
      %swap3A_119 = arith.constant 0 : index
      %swap3A_120 = tpu.vector_load %arg8[%swap3A, %swap3A_119] {strides = array<i32>} : memref<313x128xf32, #tpu.memory_space<vmem>>, vector<16xf32>,
      tpu.vector_store %arg8[%swap3A, %swap3A_119], %broadcast_in_dim3A_0 {strides = array<i32>} : memref<313x128xf32, #tpu.memory_space<vmem>>, vector<16xf32>,
      %swap3A_121 = arith.index_cast %scan3A_118 : i32 to index
      %swap3A_122 = arith.constant 16 : index
      %swap3A_123 = tpu.vector_load %arg8[%swap3A_121, %swap3A_122] {strides = array<i32>} : memref<313x128xf32, #tpu.memory_space<vmem>>, vector<16xf32>,
      tpu.vector_store %arg8[%swap3A_121, %swap3A_122], %broadcast_in_dim3A_0 {strides = array<i32>} : memref<313x128xf32, #tpu.memory_space<vmem>>, vector<16xf32>,
      %swap3A_124 = arith.index_cast %scan3A_118 : i32 to index
      %swap3A_125 = arith.constant 32 : index
      %swap3A_126 = tpu.vector_load %arg8[%swap3A_124, %swap3A_125] {strides = array<i32>} : memref<313x128xf32, #tpu.memory_space<vmem>>, vector<16xf32>,
      tpu.vector_store %arg8[%swap3A_124, %swap3A_125], %broadcast_in_dim3A_0 {strides = array<i32>} : memref<313x128xf32, #tpu.memory_space<vmem>>, vector<16xf32>,
      %swap3A_127 = arith.index_cast %scan3A_118 : i32 to index
      %swap3A_128 = arith.constant 48 : index
      %swap3A_129 = tpu.vector_load %arg8[%swap3A_127, %swap3A_128] {strides = array<i32>} : memref<313x128xf32, #tpu.memory_space<vmem>>, vector<16xf32>,
      tpu.vector_store %arg8[%swap3A_127, %swap3A_128], %broadcast_in_dim3A_0 {strides = array<i32>} : memref<313x128xf32, #tpu.memory_space<vmem>>, vector<16xf32>,
      %swap3A_130 = arith.index_cast %scan3A_118 : i32 to index
      %swap3A_131 = arith.constant 64 : index
      %swap3A_132 = tpu.vector_load %arg8[%swap3A_130, %swap3A_131] {strides = array<i32>} : memref<313x128xf32, #tpu.memory_space<vmem>>, vector<16xf32>,
      tpu.vector_store %arg8[%swap3A_130, %swap3A_131], %broadcast_in_dim3A_0 {strides = array<i32>} : memref<313x128xf32, #tpu.memory_space<vmem>>, vector<16xf32>,
      %swap3A_133 = arith.index_cast %scan3A_118 : i32 to index
      %swap3A_134 = arith.constant 80 : index
      %swap3A_135 = tpu.vector_load %arg8[%swap3A_133, %swap3A_134] {strides = array<i32>} : memref<313x128xf32, #tpu.memory_space<vmem>>, vector<16xf32>,
      tpu.vector_store %arg8[%swap3A_133, %swap3A_134], %broadcast_in_dim3A_0 {strides = array<i32>} : memref<313x128xf32, #tpu.memory_space<vmem>>, vector<16xf32>,
      %swap3A_136 = arith.index_cast %scan3A_118 : i32 to index
      %swap3A_137 = arith.constant 96 : index
      %swap3A_138 = tpu.vector_load %arg8[%swap3A_136, %swap3A_137] {strides = array<i32>} : memref<313x128xf32, #tpu.memory_space<vmem>>, vector<16xf32>,
      tpu.vector_store %arg8[%swap3A_136, %swap3A_137], %broadcast_in_dim3A_0 {strides = array<i32>} : memref<313x128xf32, #tpu.memory_space<vmem>>, vector<16xf32>,
      %swap3A_139 = arith.index_cast %scan3A_118 : i32 to index
      %swap3A_140 = arith.constant 112 : index
      %swap3A_141 = tpu.vector_load %arg8[%swap3A_139, %swap3A_140] {strides = array<i32>} : memref<313x128xf32, #tpu.memory_space<vmem>>, vector<16xf32>,
      tpu.vector_store %arg8[%swap3A_139, %swap3A_140], %broadcast_in_dim3A_0 {strides = array<i32>} : memref<313x128xf32, #tpu.memory_space<vmem>>, vector<16xf32>,
    }
    %scan3A_5 = arith.constant 313 : i32
    %dma_start3A = arith.constant 0 : i32
    %dma_start3A_6 = arith.constant 0 : i32
    %dma_start3A_7 = arith.constant 0 : i32
    %dma_start3A_8 = tpu.memref_slice %arg3[%dma_start3A, %dma_start3A_6, %dma_start3A_7] : memref<162x16x128xi32, #tpu.memory_space<hbm>> -> memref<1x16x128xi32, #tpu.memory_space<hbm>>
    %dma_start3A_9 = tpu.memref_squeeze %dma_start3A_8 : memref<1x16x128xi32, #tpu.memory_space<hbm>> -> memref<16x128xi32, #tpu.memory_space<hbm>>
    %dma_start3A_10 = arith.constant 0 : i32
    %dma_start3A_11 = arith.constant 0 : i32
    %dma_start3A_12 = tpu.memref_slice %arg3[%dma_start3A, %dma_start3A_10, %dma_start3A_11] : memref<162x16x128xi32, #tpu.memory_space<hbm>> -> memref<1x16x128xi32, #tpu.memory_space<hbm>>
    %dma_start3A_13 = tpu.memref_squeeze %dma_start3A_12 : memref<1x16x128xi32, #tpu.memory_space<hbm>> -> memref<16x128xi32, #tpu.memory_space<hbm>>
    tpu.enqueue_dma source(%dma_start3A_13 : memref<16x128xi32, #tpu.memory_space<hbm>>) target(%arg9 : memref<16x128xi32, #tpu.memory_space<vmem>>) target_semaphore(%arg15 : memref<!tpu.dma_semaphore, #tpu.memory_space<semaphore_mem>>)
    %dma_start3A_14 = arith.constant 0 : i32
    %dma_start3A_15 = arith.constant 0 : i32
    %dma_start3A_16 = arith.constant 0 : i32
    %dma_start3A_17 = tpu.memref_slice %arg4[%dma_start3A_14, %dma_start3A_15, %dma_start3A_16] : memref<162x16x128xi32, #tpu.memory_space<hbm>> -> memref<1x16x128xi32, #tpu.memory_space<hbm>>
    %dma_start3A_18 = tpu.memref_squeeze %dma_start3A_17 : memref<1x16x128xi32, #tpu.memory_space<hbm>> -> memref<16x128xi32, #tpu.memory_space<hbm>>
    %dma_start3A_19 = arith.constant 0 : i32
    %dma_start3A_20 = arith.constant 0 : i32
    %dma_start3A_21 = tpu.memref_slice %arg4[%dma_start3A_14, %dma_start3A_19, %dma_start3A_20] : memref<162x16x128xi32, #tpu.memory_space<hbm>> -> memref<1x16x128xi32, #tpu.memory_space<hbm>>
    %dma_start3A_22 = tpu.memref_squeeze %dma_start3A_21 : memref<1x16x128xi32, #tpu.memory_space<hbm>> -> memref<16x128xi32, #tpu.memory_space<hbm>>
    tpu.enqueue_dma source(%dma_start3A_22 : memref<16x128xi32, #tpu.memory_space<hbm>>) target(%arg11 : memref<16x128xi32, #tpu.memory_space<vmem>>) target_semaphore(%arg15 : memref<!tpu.dma_semaphore, #tpu.memory_space<semaphore_mem>>)
    %dma_start3A_23 = arith.constant 0 : i32
    %dma_start3A_24 = arith.constant 0 : i32
    %dma_start3A_25 = arith.constant 0 : i32
    %dma_start3A_26 = tpu.memref_slice %arg5[%dma_start3A_23, %dma_start3A_24, %dma_start3A_25] : memref<162x16x128xf32, #tpu.memory_space<hbm>> -> memref<1x16x128xf32, #tpu.memory_space<hbm>>
    %dma_start3A_27 = tpu.memref_squeeze %dma_start3A_26 : memref<1x16x128xf32, #tpu.memory_space<hbm>> -> memref<16x128xf32, #tpu.memory_space<hbm>>
    %dma_start3A_28 = arith.constant 0 : i32
    %dma_start3A_29 = arith.constant 0 : i32
    %dma_start3A_30 = tpu.memref_slice %arg5[%dma_start3A_23, %dma_start3A_28, %dma_start3A_29] : memref<162x16x128xf32, #tpu.memory_space<hbm>> -> memref<1x16x128xf32, #tpu.memory_space<hbm>>
    %dma_start3A_31 = tpu.memref_squeeze %dma_start3A_30 : memref<1x16x128xf32, #tpu.memory_space<hbm>> -> memref<16x128xf32, #tpu.memory_space<hbm>>
    tpu.enqueue_dma source(%dma_start3A_31 : memref<16x128xf32, #tpu.memory_space<hbm>>) target(%arg13 : memref<16x128xf32, #tpu.memory_space<vmem>>) target_semaphore(%arg15 : memref<!tpu.dma_semaphore, #tpu.memory_space<semaphore_mem>>)
    %dma_start3A_32 = arith.constant 1 : i32
    %dma_start3A_33 = arith.constant 0 : i32
    %dma_start3A_34 = arith.constant 0 : i32
    %dma_start3A_35 = tpu.memref_slice %arg3[%dma_start3A_32, %dma_start3A_33, %dma_start3A_34] : memref<162x16x128xi32, #tpu.memory_space<hbm>> -> memref<1x16x128xi32, #tpu.memory_space<hbm>>
    %dma_start3A_36 = tpu.memref_squeeze %dma_start3A_35 : memref<1x16x128xi32, #tpu.memory_space<hbm>> -> memref<16x128xi32, #tpu.memory_space<hbm>>
    %dma_start3A_37 = arith.constant 0 : i32
    %dma_start3A_38 = arith.constant 0 : i32
    %dma_start3A_39 = tpu.memref_slice %arg3[%dma_start3A_32, %dma_start3A_37, %dma_start3A_38] : memref<162x16x128xi32, #tpu.memory_space<hbm>> -> memref<1x16x128xi32, #tpu.memory_space<hbm>>
    %dma_start3A_40 = tpu.memref_squeeze %dma_start3A_39 : memref<1x16x128xi32, #tpu.memory_space<hbm>> -> memref<16x128xi32, #tpu.memory_space<hbm>>
    tpu.enqueue_dma source(%dma_start3A_40 : memref<16x128xi32, #tpu.memory_space<hbm>>) target(%arg10 : memref<16x128xi32, #tpu.memory_space<vmem>>) target_semaphore(%arg16 : memref<!tpu.dma_semaphore, #tpu.memory_space<semaphore_mem>>)
    %dma_start3A_41 = arith.constant 1 : i32
    %dma_start3A_42 = arith.constant 0 : i32
    %dma_start3A_43 = arith.constant 0 : i32
    %dma_start3A_44 = tpu.memref_slice %arg4[%dma_start3A_41, %dma_start3A_42, %dma_start3A_43] : memref<162x16x128xi32, #tpu.memory_space<hbm>> -> memref<1x16x128xi32, #tpu.memory_space<hbm>>
    %dma_start3A_45 = tpu.memref_squeeze %dma_start3A_44 : memref<1x16x128xi32, #tpu.memory_space<hbm>> -> memref<16x128xi32, #tpu.memory_space<hbm>>
    %dma_start3A_46 = arith.constant 0 : i32
    %dma_start3A_47 = arith.constant 0 : i32
    %dma_start3A_48 = tpu.memref_slice %arg4[%dma_start3A_41, %dma_start3A_46, %dma_start3A_47] : memref<162x16x128xi32, #tpu.memory_space<hbm>> -> memref<1x16x128xi32, #tpu.memory_space<hbm>>
    %dma_start3A_49 = tpu.memref_squeeze %dma_start3A_48 : memref<1x16x128xi32, #tpu.memory_space<hbm>> -> memref<16x128xi32, #tpu.memory_space<hbm>>
    tpu.enqueue_dma source(%dma_start3A_49 : memref<16x128xi32, #tpu.memory_space<hbm>>) target(%arg12 : memref<16x128xi32, #tpu.memory_space<vmem>>) target_semaphore(%arg16 : memref<!tpu.dma_semaphore, #tpu.memory_space<semaphore_mem>>)
    %dma_start3A_50 = arith.constant 1 : i32
    %dma_start3A_51 = arith.constant 0 : i32
    %dma_start3A_52 = arith.constant 0 : i32
    %dma_start3A_53 = tpu.memref_slice %arg5[%dma_start3A_50, %dma_start3A_51, %dma_start3A_52] : memref<162x16x128xf32, #tpu.memory_space<hbm>> -> memref<1x16x128xf32, #tpu.memory_space<hbm>>
    %dma_start3A_54 = tpu.memref_squeeze %dma_start3A_53 : memref<1x16x128xf32, #tpu.memory_space<hbm>> -> memref<16x128xf32, #tpu.memory_space<hbm>>
    %dma_start3A_55 = arith.constant 0 : i32
    %dma_start3A_56 = arith.constant 0 : i32
    %dma_start3A_57 = tpu.memref_slice %arg5[%dma_start3A_50, %dma_start3A_55, %dma_start3A_56] : memref<162x16x128xf32, #tpu.memory_space<hbm>> -> memref<1x16x128xf32, #tpu.memory_space<hbm>>
    %dma_start3A_58 = tpu.memref_squeeze %dma_start3A_57 : memref<1x16x128xf32, #tpu.memory_space<hbm>> -> memref<16x128xf32, #tpu.memory_space<hbm>>
    tpu.enqueue_dma source(%dma_start3A_58 : memref<16x128xf32, #tpu.memory_space<hbm>>) target(%arg14 : memref<16x128xf32, #tpu.memory_space<vmem>>) target_semaphore(%arg16 : memref<!tpu.dma_semaphore, #tpu.memory_space<semaphore_mem>>)
    %scan3A_59 = arith.constant 0 : i32
    %scan3A_60 = arith.constant 0 : i32
    %scan3A_61 = arith.constant 80 : i32
    %scan3A_62 = arith.addi %scan3A_60, %scan3A_61 : i32
    %scan3A_63 = arith.constant 1 : i32
    scf.for %scan3A_118 = %scan3A_60 to %scan3A_62 step %scan3A_63  : i32 {
      %dma_wait3A_119 = arith.constant 0 : i32
      %dma_wait3A_120 = arith.constant 0 : i32
      %dma_wait3A_121 = arith.constant 0 : i32
      %dma_wait3A_122 = tpu.memref_slice %arg3[%dma_wait3A_119, %dma_wait3A_120, %dma_wait3A_121] : memref<162x16x128xi32, #tpu.memory_space<hbm>> -> memref<1x16x128xi32, #tpu.memory_space<hbm>>
      %dma_wait3A_123 = tpu.memref_squeeze %dma_wait3A_122 : memref<1x16x128xi32, #tpu.memory_space<hbm>> -> memref<16x128xi32, #tpu.memory_space<hbm>>
      %dma_wait3A_124 = arith.constant 0 : i32
      %dma_wait3A_125 = arith.constant 0 : i32
      %dma_wait3A_126 = tpu.memref_slice %arg3[%dma_wait3A_119, %dma_wait3A_124, %dma_wait3A_125] : memref<162x16x128xi32, #tpu.memory_space<hbm>> -> memref<1x16x128xi32, #tpu.memory_space<hbm>>
      %dma_wait3A_127 = tpu.memref_squeeze %dma_wait3A_126 : memref<1x16x128xi32, #tpu.memory_space<hbm>> -> memref<16x128xi32, #tpu.memory_space<hbm>>
      tpu.wait_dma2 semaphore(%arg15 : memref<!tpu.dma_semaphore, #tpu.memory_space<semaphore_mem>>) src(%dma_wait3A_127 : memref<16x128xi32, #tpu.memory_space<hbm>>) dst(%arg9 : memref<16x128xi32, #tpu.memory_space<vmem>>)
      %dma_wait3A_128 = arith.constant 0 : i32
      %dma_wait3A_129 = arith.constant 0 : i32
      %dma_wait3A_130 = arith.constant 0 : i32
      %dma_wait3A_131 = tpu.memref_slice %arg4[%dma_wait3A_128, %dma_wait3A_129, %dma_wait3A_130] : memref<162x16x128xi32, #tpu.memory_space<hbm>> -> memref<1x16x128xi32, #tpu.memory_space<hbm>>
      %dma_wait3A_132 = tpu.memref_squeeze %dma_wait3A_131 : memref<1x16x128xi32, #tpu.memory_space<hbm>> -> memref<16x128xi32, #tpu.memory_space<hbm>>
      %dma_wait3A_133 = arith.constant 0 : i32
      %dma_wait3A_134 = arith.constant 0 : i32
      %dma_wait3A_135 = tpu.memref_slice %arg4[%dma_wait3A_128, %dma_wait3A_133, %dma_wait3A_134] : memref<162x16x128xi32, #tpu.memory_space<hbm>> -> memref<1x16x128xi32, #tpu.memory_space<hbm>>
      %dma_wait3A_136 = tpu.memref_squeeze %dma_wait3A_135 : memref<1x16x128xi32, #tpu.memory_space<hbm>> -> memref<16x128xi32, #tpu.memory_space<hbm>>
      tpu.wait_dma2 semaphore(%arg15 : memref<!tpu.dma_semaphore, #tpu.memory_space<semaphore_mem>>) src(%dma_wait3A_136 : memref<16x128xi32, #tpu.memory_space<hbm>>) dst(%arg11 : memref<16x128xi32, #tpu.memory_space<vmem>>)
      %dma_wait3A_137 = arith.constant 0 : i32
      %dma_wait3A_138 = arith.constant 0 : i32
      %dma_wait3A_139 = arith.constant 0 : i32
      %dma_wait3A_140 = tpu.memref_slice %arg5[%dma_wait3A_137, %dma_wait3A_138, %dma_wait3A_139] : memref<162x16x128xf32, #tpu.memory_space<hbm>> -> memref<1x16x128xf32, #tpu.memory_space<hbm>>
      %dma_wait3A_141 = tpu.memref_squeeze %dma_wait3A_140 : memref<1x16x128xf32, #tpu.memory_space<hbm>> -> memref<16x128xf32, #tpu.memory_space<hbm>>
      %dma_wait3A_142 = arith.constant 0 : i32
      %dma_wait3A_143 = arith.constant 0 : i32
      %dma_wait3A_144 = tpu.memref_slice %arg5[%dma_wait3A_137, %dma_wait3A_142, %dma_wait3A_143] : memref<162x16x128xf32, #tpu.memory_space<hbm>> -> memref<1x16x128xf32, #tpu.memory_space<hbm>>
      %dma_wait3A_145 = tpu.memref_squeeze %dma_wait3A_144 : memref<1x16x128xf32, #tpu.memory_space<hbm>> -> memref<16x128xf32, #tpu.memory_space<hbm>>
      tpu.wait_dma2 semaphore(%arg15 : memref<!tpu.dma_semaphore, #tpu.memory_space<semaphore_mem>>) src(%dma_wait3A_145 : memref<16x128xf32, #tpu.memory_space<hbm>>) dst(%arg13 : memref<16x128xf32, #tpu.memory_space<vmem>>)
      %scan3A_146 = arith.constant 0 : i32
      %scan3A_147 = arith.constant 0 : i32
      %scan3A_148 = arith.constant 16 : i32
      %scan3A_149 = arith.addi %scan3A_147, %scan3A_148 : i32
      %scan3A_150 = arith.constant 1 : i32
      scf.for %scan3A_243 = %scan3A_147 to %scan3A_149 step %scan3A_150  : i32 {
        %get3A = arith.index_cast %scan3A_243 : i32 to index
        %get3A_244 = arith.constant 0 : index
        %get3A_245 = tpu.vector_load %arg9[%get3A, %get3A_244] {strides = array<i32>} : memref<16x128xi32, #tpu.memory_space<vmem>>, vector<16xi32>,
        %get3A_246 = arith.index_cast %scan3A_243 : i32 to index
        %get3A_247 = arith.constant 0 : index
        %get3A_248 = tpu.vector_load %arg11[%get3A_246, %get3A_247] {strides = array<i32>} : memref<16x128xi32, #tpu.memory_space<vmem>>, vector<16xi32>,
        %get3A_249 = arith.index_cast %scan3A_243 : i32 to index
        %get3A_250 = arith.constant 0 : index
        %get3A_251 = tpu.vector_load %arg13[%get3A_249, %get3A_250] {strides = array<i32>} : memref<16x128xf32, #tpu.memory_space<vmem>>, vector<16xf32>,
        %mul3A_252 = arith.constant 4 : i32
        %mul3A_253 = vector.broadcast %mul3A_252 : i32 to vector<16xi32>
        %mul3A_254 = arith.muli %get3A_245, %mul3A_253 : vector<16xi32>
        %mul3A_255 = arith.constant 4 : i32
        %mul3A_256 = vector.broadcast %mul3A_255 : i32 to vector<16xi32>
        %mul3A_257 = arith.muli %get3A_248, %mul3A_256 : vector<16xi32>
        %add3A_258 = arith.constant 0 : i32
        %add3A_259 = vector.broadcast %add3A_258 : i32 to vector<16xi32>
        %add3A_260 = arith.addi %mul3A_254, %add3A_259 : vector<16xi32>
        %add3A_261 = arith.constant 0 : i32
        %add3A_262 = vector.broadcast %add3A_261 : i32 to vector<16xi32>
        %add3A_263 = arith.addi %mul3A_257, %add3A_262 : vector<16xi32>
        %shift_right_logical3A = arith.constant 7 : i32
        %shift_right_logical3A_264 = vector.broadcast %shift_right_logical3A : i32 to vector<16xi32>
        %shift_right_logical3A_265 = arith.shrui %add3A_260, %shift_right_logical3A_264 : vector<16xi32>
        %and3A = arith.constant 127 : i32
        %and3A_266 = vector.broadcast %and3A : i32 to vector<16xi32>
        %and3A_267 = arith.andi %add3A_260, %and3A_266 : vector<16xi32>
        %gather3A = tpu.vector_load_idx %arg7[%shift_right_logical3A_265, %and3A_267] : memref<313x128xf32, #tpu.memory_space<vmem>>[vector<16xi32>, vector<16xi32>], vector<16xf32>,
        %mul3A_268 = arith.mulf %gather3A, %get3A_251 : vector<16xf32>
        %shift_right_logical3A_269 = arith.constant 7 : i32
        %shift_right_logical3A_270 = vector.broadcast %shift_right_logical3A_269 : i32 to vector<16xi32>
        %shift_right_logical3A_271 = arith.shrui %add3A_263, %shift_right_logical3A_270 : vector<16xi32>
        %and3A_272 = arith.constant 127 : i32
        %and3A_273 = vector.broadcast %and3A_272 : i32 to vector<16xi32>
        %and3A_274 = arith.andi %add3A_263, %and3A_273 : vector<16xi32>
        tpu.vector_store_idx %arg8[%shift_right_logical3A_271, %and3A_274], %mul3A_268 {add = true} : memref<313x128xf32, #tpu.memory_space<vmem>>[vector<16xi32>, vector<16xi32>], vector<16xf32>,
        %add3A_275 = arith.constant 1 : i32
        %add3A_276 = vector.broadcast %add3A_275 : i32 to vector<16xi32>
        %add3A_277 = arith.addi %mul3A_254, %add3A_276 : vector<16xi32>
        %add3A_278 = arith.constant 1 : i32
        %add3A_279 = vector.broadcast %add3A_278 : i32 to vector<16xi32>
        %add3A_280 = arith.addi %mul3A_257, %add3A_279 : vector<16xi32>
        %shift_right_logical3A_281 = arith.constant 7 : i32
        %shift_right_logical3A_282 = vector.broadcast %shift_right_logical3A_281 : i32 to vector<16xi32>
        %shift_right_logical3A_283 = arith.shrui %add3A_277, %shift_right_logical3A_282 : vector<16xi32>
        %and3A_284 = arith.constant 127 : i32
        %and3A_285 = vector.broadcast %and3A_284 : i32 to vector<16xi32>
        %and3A_286 = arith.andi %add3A_277, %and3A_285 : vector<16xi32>
        %gather3A_287 = tpu.vector_load_idx %arg7[%shift_right_logical3A_283, %and3A_286] : memref<313x128xf32, #tpu.memory_space<vmem>>[vector<16xi32>, vector<16xi32>], vector<16xf32>,
        %mul3A_288 = arith.mulf %gather3A_287, %get3A_251 : vector<16xf32>
        %shift_right_logical3A_289 = arith.constant 7 : i32
        %shift_right_logical3A_290 = vector.broadcast %shift_right_logical3A_289 : i32 to vector<16xi32>
        %shift_right_logical3A_291 = arith.shrui %add3A_280, %shift_right_logical3A_290 : vector<16xi32>
        %and3A_292 = arith.constant 127 : i32
        %and3A_293 = vector.broadcast %and3A_292 : i32 to vector<16xi32>
        %and3A_294 = arith.andi %add3A_280, %and3A_293 : vector<16xi32>
        tpu.vector_store_idx %arg8[%shift_right_logical3A_291, %and3A_294], %mul3A_288 {add = true} : memref<313x128xf32, #tpu.memory_space<vmem>>[vector<16xi32>, vector<16xi32>], vector<16xf32>,
        %add3A_295 = arith.constant 2 : i32
        %add3A_296 = vector.broadcast %add3A_295 : i32 to vector<16xi32>
        %add3A_297 = arith.addi %mul3A_254, %add3A_296 : vector<16xi32>
        %add3A_298 = arith.constant 2 : i32
        %add3A_299 = vector.broadcast %add3A_298 : i32 to vector<16xi32>
        %add3A_300 = arith.addi %mul3A_257, %add3A_299 : vector<16xi32>
        %shift_right_logical3A_301 = arith.constant 7 : i32
        %shift_right_logical3A_302 = vector.broadcast %shift_right_logical3A_301 : i32 to vector<16xi32>
        %shift_right_logical3A_303 = arith.shrui %add3A_297, %shift_right_logical3A_302 : vector<16xi32>
        %and3A_304 = arith.constant 127 : i32
        %and3A_305 = vector.broadcast %and3A_304 : i32 to vector<16xi32>
        %and3A_306 = arith.andi %add3A_297, %and3A_305 : vector<16xi32>
        %gather3A_307 = tpu.vector_load_idx %arg7[%shift_right_logical3A_303, %and3A_306] : memref<313x128xf32, #tpu.memory_space<vmem>>[vector<16xi32>, vector<16xi32>], vector<16xf32>,
        %mul3A_308 = arith.mulf %gather3A_307, %get3A_251 : vector<16xf32>
        %shift_right_logical3A_309 = arith.constant 7 : i32
        %shift_right_logical3A_310 = vector.broadcast %shift_right_logical3A_309 : i32 to vector<16xi32>
        %shift_right_logical3A_311 = arith.shrui %add3A_300, %shift_right_logical3A_310 : vector<16xi32>
        %and3A_312 = arith.constant 127 : i32
        %and3A_313 = vector.broadcast %and3A_312 : i32 to vector<16xi32>
        %and3A_314 = arith.andi %add3A_300, %and3A_313 : vector<16xi32>
        tpu.vector_store_idx %arg8[%shift_right_logical3A_311, %and3A_314], %mul3A_308 {add = true} : memref<313x128xf32, #tpu.memory_space<vmem>>[vector<16xi32>, vector<16xi32>], vector<16xf32>,
        %add3A_315 = arith.constant 3 : i32
        %add3A_316 = vector.broadcast %add3A_315 : i32 to vector<16xi32>
        %add3A_317 = arith.addi %mul3A_254, %add3A_316 : vector<16xi32>
        %add3A_318 = arith.constant 3 : i32
        %add3A_319 = vector.broadcast %add3A_318 : i32 to vector<16xi32>
        %add3A_320 = arith.addi %mul3A_257, %add3A_319 : vector<16xi32>
        %shift_right_logical3A_321 = arith.constant 7 : i32
        %shift_right_logical3A_322 = vector.broadcast %shift_right_logical3A_321 : i32 to vector<16xi32>
        %shift_right_logical3A_323 = arith.shrui %add3A_317, %shift_right_logical3A_322 : vector<16xi32>
        %and3A_324 = arith.constant 127 : i32
        %and3A_325 = vector.broadcast %and3A_324 : i32 to vector<16xi32>
        %and3A_326 = arith.andi %add3A_317, %and3A_325 : vector<16xi32>
        %gather3A_327 = tpu.vector_load_idx %arg7[%shift_right_logical3A_323, %and3A_326] : memref<313x128xf32, #tpu.memory_space<vmem>>[vector<16xi32>, vector<16xi32>], vector<16xf32>,
        %mul3A_328 = arith.mulf %gather3A_327, %get3A_251 : vector<16xf32>
        %shift_right_logical3A_329 = arith.constant 7 : i32
        %shift_right_logical3A_330 = vector.broadcast %shift_right_logical3A_329 : i32 to vector<16xi32>
        %shift_right_logical3A_331 = arith.shrui %add3A_320, %shift_right_logical3A_330 : vector<16xi32>
        %and3A_332 = arith.constant 127 : i32
        %and3A_333 = vector.broadcast %and3A_332 : i32 to vector<16xi32>
        %and3A_334 = arith.andi %add3A_320, %and3A_333 : vector<16xi32>
        tpu.vector_store_idx %arg8[%shift_right_logical3A_331, %and3A_334], %mul3A_328 {add = true} : memref<313x128xf32, #tpu.memory_space<vmem>>[vector<16xi32>, vector<16xi32>], vector<16xf32>,
        %get3A_335 = arith.index_cast %scan3A_243 : i32 to index
        %get3A_336 = arith.constant 16 : index
        %get3A_337 = tpu.vector_load %arg9[%get3A_335, %get3A_336] {strides = array<i32>} : memref<16x128xi32, #tpu.memory_space<vmem>>, vector<16xi32>,
        %get3A_338 = arith.index_cast %scan3A_243 : i32 to index
        %get3A_339 = arith.constant 16 : index
        %get3A_340 = tpu.vector_load %arg11[%get3A_338, %get3A_339] {strides = array<i32>} : memref<16x128xi32, #tpu.memory_space<vmem>>, vector<16xi32>,
        %get3A_341 = arith.index_cast %scan3A_243 : i32 to index
        %get3A_342 = arith.constant 16 : index
        %get3A_343 = tpu.vector_load %arg13[%get3A_341, %get3A_342] {strides = array<i32>} : memref<16x128xf32, #tpu.memory_space<vmem>>, vector<16xf32>,
        %mul3A_344 = arith.constant 4 : i32
        %mul3A_345 = vector.broadcast %mul3A_344 : i32 to vector<16xi32>
        %mul3A_346 = arith.muli %get3A_337, %mul3A_345 : vector<16xi32>
        %mul3A_347 = arith.constant 4 : i32
        %mul3A_348 = vector.broadcast %mul3A_347 : i32 to vector<16xi32>
        %mul3A_349 = arith.muli %get3A_340, %mul3A_348 : vector<16xi32>
        %add3A_350 = arith.constant 0 : i32
        %add3A_351 = vector.broadcast %add3A_350 : i32 to vector<16xi32>
        %add3A_352 = arith.addi %mul3A_346, %add3A_351 : vector<16xi32>
        %add3A_353 = arith.constant 0 : i32
        %add3A_354 = vector.broadcast %add3A_353 : i32 to vector<16xi32>
        %add3A_355 = arith.addi %mul3A_349, %add3A_354 : vector<16xi32>
        %shift_right_logical3A_356 = arith.constant 7 : i32
        %shift_right_logical3A_357 = vector.broadcast %shift_right_logical3A_356 : i32 to vector<16xi32>
        %shift_right_logical3A_358 = arith.shrui %add3A_352, %shift_right_logical3A_357 : vector<16xi32>
        %and3A_359 = arith.constant 127 : i32
        %and3A_360 = vector.broadcast %and3A_359 : i32 to vector<16xi32>
        %and3A_361 = arith.andi %add3A_352, %and3A_360 : vector<16xi32>
        %gather3A_362 = tpu.vector_load_idx %arg7[%shift_right_logical3A_358, %and3A_361] : memref<313x128xf32, #tpu.memory_space<vmem>>[vector<16xi32>, vector<16xi32>], vector<16xf32>,
        %mul3A_363 = arith.mulf %gather3A_362, %get3A_343 : vector<16xf32>
        %shift_right_logical3A_364 = arith.constant 7 : i32
        %shift_right_logical3A_365 = vector.broadcast %shift_right_logical3A_364 : i32 to vector<16xi32>
        %shift_right_logical3A_366 = arith.shrui %add3A_355, %shift_right_logical3A_365 : vector<16xi32>
        %and3A_367 = arith.constant 127 : i32
        %and3A_368 = vector.broadcast %and3A_367 : i32 to vector<16xi32>
        %and3A_369 = arith.andi %add3A_355, %and3A_368 : vector<16xi32>
        tpu.vector_store_idx %arg8[%shift_right_logical3A_366, %and3A_369], %mul3A_363 {add = true} : memref<313x128xf32, #tpu.memory_space<vmem>>[vector<16xi32>, vector<16xi32>], vector<16xf32>,
        %add3A_370 = arith.constant 1 : i32
        %add3A_371 = vector.broadcast %add3A_370 : i32 to vector<16xi32>
        %add3A_372 = arith.addi %mul3A_346, %add3A_371 : vector<16xi32>
        %add3A_373 = arith.constant 1 : i32
        %add3A_374 = vector.broadcast %add3A_373 : i32 to vector<16xi32>
        %add3A_375 = arith.addi %mul3A_349, %add3A_374 : vector<16xi32>
        %shift_right_logical3A_376 = arith.constant 7 : i32
        %shift_right_logical3A_377 = vector.broadcast %shift_right_logical3A_376 : i32 to vector<16xi32>
        %shift_right_logical3A_378 = arith.shrui %add3A_372, %shift_right_logical3A_377 : vector<16xi32>
        %and3A_379 = arith.constant 127 : i32
        %and3A_380 = vector.broadcast %and3A_379 : i32 to vector<16xi32>
        %and3A_381 = arith.andi %add3A_372, %and3A_380 : vector<16xi32>
        %gather3A_382 = tpu.vector_load_idx %arg7[%shift_right_logical3A_378, %and3A_381] : memref<313x128xf32, #tpu.memory_space<vmem>>[vector<16xi32>, vector<16xi32>], vector<16xf32>,
        %mul3A_383 = arith.mulf %gather3A_382, %get3A_343 : vector<16xf32>
        %shift_right_logical3A_384 = arith.constant 7 : i32
        %shift_right_logical3A_385 = vector.broadcast %shift_right_logical3A_384 : i32 to vector<16xi32>
        %shift_right_logical3A_386 = arith.shrui %add3A_375, %shift_right_logical3A_385 : vector<16xi32>
        %and3A_387 = arith.constant 127 : i32
        %and3A_388 = vector.broadcast %and3A_387 : i32 to vector<16xi32>
        %and3A_389 = arith.andi %add3A_375, %and3A_388 : vector<16xi32>
        tpu.vector_store_idx %arg8[%shift_right_logical3A_386, %and3A_389], %mul3A_383 {add = true} : memref<313x128xf32, #tpu.memory_space<vmem>>[vector<16xi32>, vector<16xi32>], vector<16xf32>,
        %add3A_390 = arith.constant 2 : i32
        %add3A_391 = vector.broadcast %add3A_390 : i32 to vector<16xi32>
        %add3A_392 = arith.addi %mul3A_346, %add3A_391 : vector<16xi32>
        %add3A_393 = arith.constant 2 : i32
        %add3A_394 = vector.broadcast %add3A_393 : i32 to vector<16xi32>
        %add3A_395 = arith.addi %mul3A_349, %add3A_394 : vector<16xi32>
        %shift_right_logical3A_396 = arith.constant 7 : i32
        %shift_right_logical3A_397 = vector.broadcast %shift_right_logical3A_396 : i32 to vector<16xi32>
        %shift_right_logical3A_398 = arith.shrui %add3A_392, %shift_right_logical3A_397 : vector<16xi32>
        %and3A_399 = arith.constant 127 : i32
        %and3A_400 = vector.broadcast %and3A_399 : i32 to vector<16xi32>
        %and3A_401 = arith.andi %add3A_392, %and3A_400 : vector<16xi32>
        %gather3A_402 = tpu.vector_load_idx %arg7[%shift_right_logical3A_398, %and3A_401] : memref<313x128xf32, #tpu.memory_space<vmem>>[vector<16xi32>, vector<16xi32>], vector<16xf32>,
        %mul3A_403 = arith.mulf %gather3A_402, %get3A_343 : vector<16xf32>
        %shift_right_logical3A_404 = arith.constant 7 : i32
        %shift_right_logical3A_405 = vector.broadcast %shift_right_logical3A_404 : i32 to vector<16xi32>
        %shift_right_logical3A_406 = arith.shrui %add3A_395, %shift_right_logical3A_405 : vector<16xi32>
        %and3A_407 = arith.constant 127 : i32
        %and3A_408 = vector.broadcast %and3A_407 : i32 to vector<16xi32>
        %and3A_409 = arith.andi %add3A_395, %and3A_408 : vector<16xi32>
        tpu.vector_store_idx %arg8[%shift_right_logical3A_406, %and3A_409], %mul3A_403 {add = true} : memref<313x128xf32, #tpu.memory_space<vmem>>[vector<16xi32>, vector<16xi32>], vector<16xf32>,
        %add3A_410 = arith.constant 3 : i32
        %add3A_411 = vector.broadcast %add3A_410 : i32 to vector<16xi32>
        %add3A_412 = arith.addi %mul3A_346, %add3A_411 : vector<16xi32>
        %add3A_413 = arith.constant 3 : i32
        %add3A_414 = vector.broadcast %add3A_413 : i32 to vector<16xi32>
        %add3A_415 = arith.addi %mul3A_349, %add3A_414 : vector<16xi32>
        %shift_right_logical3A_416 = arith.constant 7 : i32
        %shift_right_logical3A_417 = vector.broadcast %shift_right_logical3A_416 : i32 to vector<16xi32>
        %shift_right_logical3A_418 = arith.shrui %add3A_412, %shift_right_logical3A_417 : vector<16xi32>
        %and3A_419 = arith.constant 127 : i32
        %and3A_420 = vector.broadcast %and3A_419 : i32 to vector<16xi32>
        %and3A_421 = arith.andi %add3A_412, %and3A_420 : vector<16xi32>
        %gather3A_422 = tpu.vector_load_idx %arg7[%shift_right_logical3A_418, %and3A_421] : memref<313x128xf32, #tpu.memory_space<vmem>>[vector<16xi32>, vector<16xi32>], vector<16xf32>,
        %mul3A_423 = arith.mulf %gather3A_422, %get3A_343 : vector<16xf32>
        %shift_right_logical3A_424 = arith.constant 7 : i32
        %shift_right_logical3A_425 = vector.broadcast %shift_right_logical3A_424 : i32 to vector<16xi32>
        %shift_right_logical3A_426 = arith.shrui %add3A_415, %shift_right_logical3A_425 : vector<16xi32>
        %and3A_427 = arith.constant 127 : i32
        %and3A_428 = vector.broadcast %and3A_427 : i32 to vector<16xi32>
        %and3A_429 = arith.andi %add3A_415, %and3A_428 : vector<16xi32>
        tpu.vector_store_idx %arg8[%shift_right_logical3A_426, %and3A_429], %mul3A_423 {add = true} : memref<313x128xf32, #tpu.memory_space<vmem>>[vector<16xi32>, vector<16xi32>], vector<16xf32>,
        %get3A_430 = arith.index_cast %scan3A_243 : i32 to index
        %get3A_431 = arith.constant 32 : index
        %get3A_432 = tpu.vector_load %arg9[%get3A_430, %get3A_431] {strides = array<i32>} : memref<16x128xi32, #tpu.memory_space<vmem>>, vector<16xi32>,
        %get3A_433 = arith.index_cast %scan3A_243 : i32 to index
        %get3A_434 = arith.constant 32 : index
        %get3A_435 = tpu.vector_load %arg11[%get3A_433, %get3A_434] {strides = array<i32>} : memref<16x128xi32, #tpu.memory_space<vmem>>, vector<16xi32>,
        %get3A_436 = arith.index_cast %scan3A_243 : i32 to index
        %get3A_437 = arith.constant 32 : index
        %get3A_438 = tpu.vector_load %arg13[%get3A_436, %get3A_437] {strides = array<i32>} : memref<16x128xf32, #tpu.memory_space<vmem>>, vector<16xf32>,
        %mul3A_439 = arith.constant 4 : i32
        %mul3A_440 = vector.broadcast %mul3A_439 : i32 to vector<16xi32>
        %mul3A_441 = arith.muli %get3A_432, %mul3A_440 : vector<16xi32>
        %mul3A_442 = arith.constant 4 : i32
        %mul3A_443 = vector.broadcast %mul3A_442 : i32 to vector<16xi32>
        %mul3A_444 = arith.muli %get3A_435, %mul3A_443 : vector<16xi32>
        %add3A_445 = arith.constant 0 : i32
        %add3A_446 = vector.broadcast %add3A_445 : i32 to vector<16xi32>
        %add3A_447 = arith.addi %mul3A_441, %add3A_446 : vector<16xi32>
        %add3A_448 = arith.constant 0 : i32
        %add3A_449 = vector.broadcast %add3A_448 : i32 to vector<16xi32>
        %add3A_450 = arith.addi %mul3A_444, %add3A_449 : vector<16xi32>
        %shift_right_logical3A_451 = arith.constant 7 : i32
        %shift_right_logical3A_452 = vector.broadcast %shift_right_logical3A_451 : i32 to vector<16xi32>
        %shift_right_logical3A_453 = arith.shrui %add3A_447, %shift_right_logical3A_452 : vector<16xi32>
        %and3A_454 = arith.constant 127 : i32
        %and3A_455 = vector.broadcast %and3A_454 : i32 to vector<16xi32>
        %and3A_456 = arith.andi %add3A_447, %and3A_455 : vector<16xi32>
        %gather3A_457 = tpu.vector_load_idx %arg7[%shift_right_logical3A_453, %and3A_456] : memref<313x128xf32, #tpu.memory_space<vmem>>[vector<16xi32>, vector<16xi32>], vector<16xf32>,
        %mul3A_458 = arith.mulf %gather3A_457, %get3A_438 : vector<16xf32>
        %shift_right_logical3A_459 = arith.constant 7 : i32
        %shift_right_logical3A_460 = vector.broadcast %shift_right_logical3A_459 : i32 to vector<16xi32>
        %shift_right_logical3A_461 = arith.shrui %add3A_450, %shift_right_logical3A_460 : vector<16xi32>
        %and3A_462 = arith.constant 127 : i32
        %and3A_463 = vector.broadcast %and3A_462 : i32 to vector<16xi32>
        %and3A_464 = arith.andi %add3A_450, %and3A_463 : vector<16xi32>
        tpu.vector_store_idx %arg8[%shift_right_logical3A_461, %and3A_464], %mul3A_458 {add = true} : memref<313x128xf32, #tpu.memory_space<vmem>>[vector<16xi32>, vector<16xi32>], vector<16xf32>,
        %add3A_465 = arith.constant 1 : i32
        %add3A_466 = vector.broadcast %add3A_465 : i32 to vector<16xi32>
        %add3A_467 = arith.addi %mul3A_441, %add3A_466 : vector<16xi32>
        %add3A_468 = arith.constant 1 : i32
        %add3A_469 = vector.broadcast %add3A_468 : i32 to vector<16xi32>
        %add3A_470 = arith.addi %mul3A_444, %add3A_469 : vector<16xi32>
        %shift_right_logical3A_471 = arith.constant 7 : i32
        %shift_right_logical3A_472 = vector.broadcast %shift_right_logical3A_471 : i32 to vector<16xi32>
        %shift_right_logical3A_473 = arith.shrui %add3A_467, %shift_right_logical3A_472 : vector<16xi32>
        %and3A_474 = arith.constant 127 : i32
        %and3A_475 = vector.broadcast %and3A_474 : i32 to vector<16xi32>
        %and3A_476 = arith.andi %add3A_467, %and3A_475 : vector<16xi32>
        %gather3A_477 = tpu.vector_load_idx %arg7[%shift_right_logical3A_473, %and3A_476] : memref<313x128xf32, #tpu.memory_space<vmem>>[vector<16xi32>, vector<16xi32>], vector<16xf32>,
        %mul3A_478 = arith.mulf %gather3A_477, %get3A_438 : vector<16xf32>
        %shift_right_logical3A_479 = arith.constant 7 : i32
        %shift_right_logical3A_480 = vector.broadcast %shift_right_logical3A_479 : i32 to vector<16xi32>
        %shift_right_logical3A_481 = arith.shrui %add3A_470, %shift_right_logical3A_480 : vector<16xi32>
        %and3A_482 = arith.constant 127 : i32
        %and3A_483 = vector.broadcast %and3A_482 : i32 to vector<16xi32>
        %and3A_484 = arith.andi %add3A_470, %and3A_483 : vector<16xi32>
        tpu.vector_store_idx %arg8[%shift_right_logical3A_481, %and3A_484], %mul3A_478 {add = true} : memref<313x128xf32, #tpu.memory_space<vmem>>[vector<16xi32>, vector<16xi32>], vector<16xf32>,
        %add3A_485 = arith.constant 2 : i32
        %add3A_486 = vector.broadcast %add3A_485 : i32 to vector<16xi32>
        %add3A_487 = arith.addi %mul3A_441, %add3A_486 : vector<16xi32>
        %add3A_488 = arith.constant 2 : i32
        %add3A_489 = vector.broadcast %add3A_488 : i32 to vector<16xi32>
        %add3A_490 = arith.addi %mul3A_444, %add3A_489 : vector<16xi32>
        %shift_right_logical3A_491 = arith.constant 7 : i32
        %shift_right_logical3A_492 = vector.broadcast %shift_right_logical3A_491 : i32 to vector<16xi32>
        %shift_right_logical3A_493 = arith.shrui %add3A_487, %shift_right_logical3A_492 : vector<16xi32>
        %and3A_494 = arith.constant 127 : i32
        %and3A_495 = vector.broadcast %and3A_494 : i32 to vector<16xi32>
        %and3A_496 = arith.andi %add3A_487, %and3A_495 : vector<16xi32>
        %gather3A_497 = tpu.vector_load_idx %arg7[%shift_right_logical3A_493, %and3A_496] : memref<313x128xf32, #tpu.memory_space<vmem>>[vector<16xi32>, vector<16xi32>], vector<16xf32>,
        %mul3A_498 = arith.mulf %gather3A_497, %get3A_438 : vector<16xf32>
        %shift_right_logical3A_499 = arith.constant 7 : i32
        %shift_right_logical3A_500 = vector.broadcast %shift_right_logical3A_499 : i32 to vector<16xi32>
        %shift_right_logical3A_501 = arith.shrui %add3A_490, %shift_right_logical3A_500 : vector<16xi32>
        %and3A_502 = arith.constant 127 : i32
        %and3A_503 = vector.broadcast %and3A_502 : i32 to vector<16xi32>
        %and3A_504 = arith.andi %add3A_490, %and3A_503 : vector<16xi32>
        tpu.vector_store_idx %arg8[%shift_right_logical3A_501, %and3A_504], %mul3A_498 {add = true} : memref<313x128xf32, #tpu.memory_space<vmem>>[vector<16xi32>, vector<16xi32>], vector<16xf32>,
        %add3A_505 = arith.constant 3 : i32
        %add3A_506 = vector.broadcast %add3A_505 : i32 to vector<16xi32>
        %add3A_507 = arith.addi %mul3A_441, %add3A_506 : vector<16xi32>
        %add3A_508 = arith.constant 3 : i32
        %add3A_509 = vector.broadcast %add3A_508 : i32 to vector<16xi32>
        %add3A_510 = arith.addi %mul3A_444, %add3A_509 : vector<16xi32>
        %shift_right_logical3A_511 = arith.constant 7 : i32
        %shift_right_logical3A_512 = vector.broadcast %shift_right_logical3A_511 : i32 to vector<16xi32>
        %shift_right_logical3A_513 = arith.shrui %add3A_507, %shift_right_logical3A_512 : vector<16xi32>
        %and3A_514 = arith.constant 127 : i32
        %and3A_515 = vector.broadcast %and3A_514 : i32 to vector<16xi32>
        %and3A_516 = arith.andi %add3A_507, %and3A_515 : vector<16xi32>
        %gather3A_517 = tpu.vector_load_idx %arg7[%shift_right_logical3A_513, %and3A_516] : memref<313x128xf32, #tpu.memory_space<vmem>>[vector<16xi32>, vector<16xi32>], vector<16xf32>,
        %mul3A_518 = arith.mulf %gather3A_517, %get3A_438 : vector<16xf32>
        %shift_right_logical3A_519 = arith.constant 7 : i32
        %shift_right_logical3A_520 = vector.broadcast %shift_right_logical3A_519 : i32 to vector<16xi32>
        %shift_right_logical3A_521 = arith.shrui %add3A_510, %shift_right_logical3A_520 : vector<16xi32>
        %and3A_522 = arith.constant 127 : i32
        %and3A_523 = vector.broadcast %and3A_522 : i32 to vector<16xi32>
        %and3A_524 = arith.andi %add3A_510, %and3A_523 : vector<16xi32>
        tpu.vector_store_idx %arg8[%shift_right_logical3A_521, %and3A_524], %mul3A_518 {add = true} : memref<313x128xf32, #tpu.memory_space<vmem>>[vector<16xi32>, vector<16xi32>], vector<16xf32>,
        %get3A_525 = arith.index_cast %scan3A_243 : i32 to index
        %get3A_526 = arith.constant 48 : index
        %get3A_527 = tpu.vector_load %arg9[%get3A_525, %get3A_526] {strides = array<i32>} : memref<16x128xi32, #tpu.memory_space<vmem>>, vector<16xi32>,
        %get3A_528 = arith.index_cast %scan3A_243 : i32 to index
        %get3A_529 = arith.constant 48 : index
        %get3A_530 = tpu.vector_load %arg11[%get3A_528, %get3A_529] {strides = array<i32>} : memref<16x128xi32, #tpu.memory_space<vmem>>, vector<16xi32>,
        %get3A_531 = arith.index_cast %scan3A_243 : i32 to index
        %get3A_532 = arith.constant 48 : index
        %get3A_533 = tpu.vector_load %arg13[%get3A_531, %get3A_532] {strides = array<i32>} : memref<16x128xf32, #tpu.memory_space<vmem>>, vector<16xf32>,
        %mul3A_534 = arith.constant 4 : i32
        %mul3A_535 = vector.broadcast %mul3A_534 : i32 to vector<16xi32>
        %mul3A_536 = arith.muli %get3A_527, %mul3A_535 : vector<16xi32>
        %mul3A_537 = arith.constant 4 : i32
        %mul3A_538 = vector.broadcast %mul3A_537 : i32 to vector<16xi32>
        %mul3A_539 = arith.muli %get3A_530, %mul3A_538 : vector<16xi32>
        %add3A_540 = arith.constant 0 : i32
        %add3A_541 = vector.broadcast %add3A_540 : i32 to vector<16xi32>
        %add3A_542 = arith.addi %mul3A_536, %add3A_541 : vector<16xi32>
        %add3A_543 = arith.constant 0 : i32
        %add3A_544 = vector.broadcast %add3A_543 : i32 to vector<16xi32>
        %add3A_545 = arith.addi %mul3A_539, %add3A_544 : vector<16xi32>
        %shift_right_logical3A_546 = arith.constant 7 : i32
        %shift_right_logical3A_547 = vector.broadcast %shift_right_logical3A_546 : i32 to vector<16xi32>
        %shift_right_logical3A_548 = arith.shrui %add3A_542, %shift_right_logical3A_547 : vector<16xi32>
        %and3A_549 = arith.constant 127 : i32
        %and3A_550 = vector.broadcast %and3A_549 : i32 to vector<16xi32>
        %and3A_551 = arith.andi %add3A_542, %and3A_550 : vector<16xi32>
        %gather3A_552 = tpu.vector_load_idx %arg7[%shift_right_logical3A_548, %and3A_551] : memref<313x128xf32, #tpu.memory_space<vmem>>[vector<16xi32>, vector<16xi32>], vector<16xf32>,
        %mul3A_553 = arith.mulf %gather3A_552, %get3A_533 : vector<16xf32>
        %shift_right_logical3A_554 = arith.constant 7 : i32
        %shift_right_logical3A_555 = vector.broadcast %shift_right_logical3A_554 : i32 to vector<16xi32>
        %shift_right_logical3A_556 = arith.shrui %add3A_545, %shift_right_logical3A_555 : vector<16xi32>
        %and3A_557 = arith.constant 127 : i32
        %and3A_558 = vector.broadcast %and3A_557 : i32 to vector<16xi32>
        %and3A_559 = arith.andi %add3A_545, %and3A_558 : vector<16xi32>
        tpu.vector_store_idx %arg8[%shift_right_logical3A_556, %and3A_559], %mul3A_553 {add = true} : memref<313x128xf32, #tpu.memory_space<vmem>>[vector<16xi32>, vector<16xi32>], vector<16xf32>,
        %add3A_560 = arith.constant 1 : i32
        %add3A_561 = vector.broadcast %add3A_560 : i32 to vector<16xi32>
        %add3A_562 = arith.addi %mul3A_536, %add3A_561 : vector<16xi32>
        %add3A_563 = arith.constant 1 : i32
        %add3A_564 = vector.broadcast %add3A_563 : i32 to vector<16xi32>
        %add3A_565 = arith.addi %mul3A_539, %add3A_564 : vector<16xi32>
        %shift_right_logical3A_566 = arith.constant 7 : i32
        %shift_right_logical3A_567 = vector.broadcast %shift_right_logical3A_566 : i32 to vector<16xi32>
        %shift_right_logical3A_568 = arith.shrui %add3A_562, %shift_right_logical3A_567 : vector<16xi32>
        %and3A_569 = arith.constant 127 : i32
        %and3A_570 = vector.broadcast %and3A_569 : i32 to vector<16xi32>
        %and3A_571 = arith.andi %add3A_562, %and3A_570 : vector<16xi32>
        %gather3A_572 = tpu.vector_load_idx %arg7[%shift_right_logical3A_568, %and3A_571] : memref<313x128xf32, #tpu.memory_space<vmem>>[vector<16xi32>, vector<16xi32>], vector<16xf32>,
        %mul3A_573 = arith.mulf %gather3A_572, %get3A_533 : vector<16xf32>
        %shift_right_logical3A_574 = arith.constant 7 : i32
        %shift_right_logical3A_575 = vector.broadcast %shift_right_logical3A_574 : i32 to vector<16xi32>
        %shift_right_logical3A_576 = arith.shrui %add3A_565, %shift_right_logical3A_575 : vector<16xi32>
        %and3A_577 = arith.constant 127 : i32
        %and3A_578 = vector.broadcast %and3A_577 : i32 to vector<16xi32>
        %and3A_579 = arith.andi %add3A_565, %and3A_578 : vector<16xi32>
        tpu.vector_store_idx %arg8[%shift_right_logical3A_576, %and3A_579], %mul3A_573 {add = true} : memref<313x128xf32, #tpu.memory_space<vmem>>[vector<16xi32>, vector<16xi32>], vector<16xf32>,
        %add3A_580 = arith.constant 2 : i32
        %add3A_581 = vector.broadcast %add3A_580 : i32 to vector<16xi32>
        %add3A_582 = arith.addi %mul3A_536, %add3A_581 : vector<16xi32>
        %add3A_583 = arith.constant 2 : i32
        %add3A_584 = vector.broadcast %add3A_583 : i32 to vector<16xi32>
        %add3A_585 = arith.addi %mul3A_539, %add3A_584 : vector<16xi32>
        %shift_right_logical3A_586 = arith.constant 7 : i32
        %shift_right_logical3A_587 = vector.broadcast %shift_right_logical3A_586 : i32 to vector<16xi32>
        %shift_right_logical3A_588 = arith.shrui %add3A_582, %shift_right_logical3A_587 : vector<16xi32>
        %and3A_589 = arith.constant 127 : i32
        %and3A_590 = vector.broadcast %and3A_589 : i32 to vector<16xi32>
        %and3A_591 = arith.andi %add3A_582, %and3A_590 : vector<16xi32>
        %gather3A_592 = tpu.vector_load_idx %arg7[%shift_right_logical3A_588, %and3A_591] : memref<313x128xf32, #tpu.memory_space<vmem>>[vector<16xi32>, vector<16xi32>], vector<16xf32>,
        %mul3A_593 = arith.mulf %gather3A_592, %get3A_533 : vector<16xf32>
        %shift_right_logical3A_594 = arith.constant 7 : i32
        %shift_right_logical3A_595 = vector.broadcast %shift_right_logical3A_594 : i32 to vector<16xi32>
        %shift_right_logical3A_596 = arith.shrui %add3A_585, %shift_right_logical3A_595 : vector<16xi32>
        %and3A_597 = arith.constant 127 : i32
        %and3A_598 = vector.broadcast %and3A_597 : i32 to vector<16xi32>
        %and3A_599 = arith.andi %add3A_585, %and3A_598 : vector<16xi32>
        tpu.vector_store_idx %arg8[%shift_right_logical3A_596, %and3A_599], %mul3A_593 {add = true} : memref<313x128xf32, #tpu.memory_space<vmem>>[vector<16xi32>, vector<16xi32>], vector<16xf32>,
        %add3A_600 = arith.constant 3 : i32
        %add3A_601 = vector.broadcast %add3A_600 : i32 to vector<16xi32>
        %add3A_602 = arith.addi %mul3A_536, %add3A_601 : vector<16xi32>
        %add3A_603 = arith.constant 3 : i32
        %add3A_604 = vector.broadcast %add3A_603 : i32 to vector<16xi32>
        %add3A_605 = arith.addi %mul3A_539, %add3A_604 : vector<16xi32>
        %shift_right_logical3A_606 = arith.constant 7 : i32
        %shift_right_logical3A_607 = vector.broadcast %shift_right_logical3A_606 : i32 to vector<16xi32>
        %shift_right_logical3A_608 = arith.shrui %add3A_602, %shift_right_logical3A_607 : vector<16xi32>
        %and3A_609 = arith.constant 127 : i32
        %and3A_610 = vector.broadcast %and3A_609 : i32 to vector<16xi32>
        %and3A_611 = arith.andi %add3A_602, %and3A_610 : vector<16xi32>
        %gather3A_612 = tpu.vector_load_idx %arg7[%shift_right_logical3A_608, %and3A_611] : memref<313x128xf32, #tpu.memory_space<vmem>>[vector<16xi32>, vector<16xi32>], vector<16xf32>,
        %mul3A_613 = arith.mulf %gather3A_612, %get3A_533 : vector<16xf32>
        %shift_right_logical3A_614 = arith.constant 7 : i32
        %shift_right_logical3A_615 = vector.broadcast %shift_right_logical3A_614 : i32 to vector<16xi32>
        %shift_right_logical3A_616 = arith.shrui %add3A_605, %shift_right_logical3A_615 : vector<16xi32>
        %and3A_617 = arith.constant 127 : i32
        %and3A_618 = vector.broadcast %and3A_617 : i32 to vector<16xi32>
        %and3A_619 = arith.andi %add3A_605, %and3A_618 : vector<16xi32>
        tpu.vector_store_idx %arg8[%shift_right_logical3A_616, %and3A_619], %mul3A_613 {add = true} : memref<313x128xf32, #tpu.memory_space<vmem>>[vector<16xi32>, vector<16xi32>], vector<16xf32>,
        %get3A_620 = arith.index_cast %scan3A_243 : i32 to index
        %get3A_621 = arith.constant 64 : index
        %get3A_622 = tpu.vector_load %arg9[%get3A_620, %get3A_621] {strides = array<i32>} : memref<16x128xi32, #tpu.memory_space<vmem>>, vector<16xi32>,
        %get3A_623 = arith.index_cast %scan3A_243 : i32 to index
        %get3A_624 = arith.constant 64 : index
        %get3A_625 = tpu.vector_load %arg11[%get3A_623, %get3A_624] {strides = array<i32>} : memref<16x128xi32, #tpu.memory_space<vmem>>, vector<16xi32>,
        %get3A_626 = arith.index_cast %scan3A_243 : i32 to index
        %get3A_627 = arith.constant 64 : index
        %get3A_628 = tpu.vector_load %arg13[%get3A_626, %get3A_627] {strides = array<i32>} : memref<16x128xf32, #tpu.memory_space<vmem>>, vector<16xf32>,
        %mul3A_629 = arith.constant 4 : i32
        %mul3A_630 = vector.broadcast %mul3A_629 : i32 to vector<16xi32>
        %mul3A_631 = arith.muli %get3A_622, %mul3A_630 : vector<16xi32>
        %mul3A_632 = arith.constant 4 : i32
        %mul3A_633 = vector.broadcast %mul3A_632 : i32 to vector<16xi32>
        %mul3A_634 = arith.muli %get3A_625, %mul3A_633 : vector<16xi32>
        %add3A_635 = arith.constant 0 : i32
        %add3A_636 = vector.broadcast %add3A_635 : i32 to vector<16xi32>
        %add3A_637 = arith.addi %mul3A_631, %add3A_636 : vector<16xi32>
        %add3A_638 = arith.constant 0 : i32
        %add3A_639 = vector.broadcast %add3A_638 : i32 to vector<16xi32>
        %add3A_640 = arith.addi %mul3A_634, %add3A_639 : vector<16xi32>
        %shift_right_logical3A_641 = arith.constant 7 : i32
        %shift_right_logical3A_642 = vector.broadcast %shift_right_logical3A_641 : i32 to vector<16xi32>
        %shift_right_logical3A_643 = arith.shrui %add3A_637, %shift_right_logical3A_642 : vector<16xi32>
        %and3A_644 = arith.constant 127 : i32
        %and3A_645 = vector.broadcast %and3A_644 : i32 to vector<16xi32>
        %and3A_646 = arith.andi %add3A_637, %and3A_645 : vector<16xi32>
        %gather3A_647 = tpu.vector_load_idx %arg7[%shift_right_logical3A_643, %and3A_646] : memref<313x128xf32, #tpu.memory_space<vmem>>[vector<16xi32>, vector<16xi32>], vector<16xf32>,
        %mul3A_648 = arith.mulf %gather3A_647, %get3A_628 : vector<16xf32>
        %shift_right_logical3A_649 = arith.constant 7 : i32
        %shift_right_logical3A_650 = vector.broadcast %shift_right_logical3A_649 : i32 to vector<16xi32>
        %shift_right_logical3A_651 = arith.shrui %add3A_640, %shift_right_logical3A_650 : vector<16xi32>
        %and3A_652 = arith.constant 127 : i32
        %and3A_653 = vector.broadcast %and3A_652 : i32 to vector<16xi32>
        %and3A_654 = arith.andi %add3A_640, %and3A_653 : vector<16xi32>
        tpu.vector_store_idx %arg8[%shift_right_logical3A_651, %and3A_654], %mul3A_648 {add = true} : memref<313x128xf32, #tpu.memory_space<vmem>>[vector<16xi32>, vector<16xi32>], vector<16xf32>,
        %add3A_655 = arith.constant 1 : i32
        %add3A_656 = vector.broadcast %add3A_655 : i32 to vector<16xi32>
        %add3A_657 = arith.addi %mul3A_631, %add3A_656 : vector<16xi32>
        %add3A_658 = arith.constant 1 : i32
        %add3A_659 = vector.broadcast %add3A_658 : i32 to vector<16xi32>
        %add3A_660 = arith.addi %mul3A_634, %add3A_659 : vector<16xi32>
        %shift_right_logical3A_661 = arith.constant 7 : i32
        %shift_right_logical3A_662 = vector.broadcast %shift_right_logical3A_661 : i32 to vector<16xi32>
        %shift_right_logical3A_663 = arith.shrui %add3A_657, %shift_right_logical3A_662 : vector<16xi32>
        %and3A_664 = arith.constant 127 : i32
        %and3A_665 = vector.broadcast %and3A_664 : i32 to vector<16xi32>
        %and3A_666 = arith.andi %add3A_657, %and3A_665 : vector<16xi32>
        %gather3A_667 = tpu.vector_load_idx %arg7[%shift_right_logical3A_663, %and3A_666] : memref<313x128xf32, #tpu.memory_space<vmem>>[vector<16xi32>, vector<16xi32>], vector<16xf32>,
        %mul3A_668 = arith.mulf %gather3A_667, %get3A_628 : vector<16xf32>
        %shift_right_logical3A_669 = arith.constant 7 : i32
        %shift_right_logical3A_670 = vector.broadcast %shift_right_logical3A_669 : i32 to vector<16xi32>
        %shift_right_logical3A_671 = arith.shrui %add3A_660, %shift_right_logical3A_670 : vector<16xi32>
        %and3A_672 = arith.constant 127 : i32
        %and3A_673 = vector.broadcast %and3A_672 : i32 to vector<16xi32>
        %and3A_674 = arith.andi %add3A_660, %and3A_673 : vector<16xi32>
        tpu.vector_store_idx %arg8[%shift_right_logical3A_671, %and3A_674], %mul3A_668 {add = true} : memref<313x128xf32, #tpu.memory_space<vmem>>[vector<16xi32>, vector<16xi32>], vector<16xf32>,
        %add3A_675 = arith.constant 2 : i32
        %add3A_676 = vector.broadcast %add3A_675 : i32 to vector<16xi32>
        %add3A_677 = arith.addi %mul3A_631, %add3A_676 : vector<16xi32>
        %add3A_678 = arith.constant 2 : i32
        %add3A_679 = vector.broadcast %add3A_678 : i32 to vector<16xi32>
        %add3A_680 = arith.addi %mul3A_634, %add3A_679 : vector<16xi32>
        %shift_right_logical3A_681 = arith.constant 7 : i32
        %shift_right_logical3A_682 = vector.broadcast %shift_right_logical3A_681 : i32 to vector<16xi32>
        %shift_right_logical3A_683 = arith.shrui %add3A_677, %shift_right_logical3A_682 : vector<16xi32>
        %and3A_684 = arith.constant 127 : i32
        %and3A_685 = vector.broadcast %and3A_684 : i32 to vector<16xi32>
        %and3A_686 = arith.andi %add3A_677, %and3A_685 : vector<16xi32>
        %gather3A_687 = tpu.vector_load_idx %arg7[%shift_right_logical3A_683, %and3A_686] : memref<313x128xf32, #tpu.memory_space<vmem>>[vector<16xi32>, vector<16xi32>], vector<16xf32>,
        %mul3A_688 = arith.mulf %gather3A_687, %get3A_628 : vector<16xf32>
        %shift_right_logical3A_689 = arith.constant 7 : i32
        %shift_right_logical3A_690 = vector.broadcast %shift_right_logical3A_689 : i32 to vector<16xi32>
        %shift_right_logical3A_691 = arith.shrui %add3A_680, %shift_right_logical3A_690 : vector<16xi32>
        %and3A_692 = arith.constant 127 : i32
        %and3A_693 = vector.broadcast %and3A_692 : i32 to vector<16xi32>
        %and3A_694 = arith.andi %add3A_680, %and3A_693 : vector<16xi32>
        tpu.vector_store_idx %arg8[%shift_right_logical3A_691, %and3A_694], %mul3A_688 {add = true} : memref<313x128xf32, #tpu.memory_space<vmem>>[vector<16xi32>, vector<16xi32>], vector<16xf32>,
        %add3A_695 = arith.constant 3 : i32
        %add3A_696 = vector.broadcast %add3A_695 : i32 to vector<16xi32>
        %add3A_697 = arith.addi %mul3A_631, %add3A_696 : vector<16xi32>
        %add3A_698 = arith.constant 3 : i32
        %add3A_699 = vector.broadcast %add3A_698 : i32 to vector<16xi32>
        %add3A_700 = arith.addi %mul3A_634, %add3A_699 : vector<16xi32>
        %shift_right_logical3A_701 = arith.constant 7 : i32
        %shift_right_logical3A_702 = vector.broadcast %shift_right_logical3A_701 : i32 to vector<16xi32>
        %shift_right_logical3A_703 = arith.shrui %add3A_697, %shift_right_logical3A_702 : vector<16xi32>
        %and3A_704 = arith.constant 127 : i32
        %and3A_705 = vector.broadcast %and3A_704 : i32 to vector<16xi32>
        %and3A_706 = arith.andi %add3A_697, %and3A_705 : vector<16xi32>
        %gather3A_707 = tpu.vector_load_idx %arg7[%shift_right_logical3A_703, %and3A_706] : memref<313x128xf32, #tpu.memory_space<vmem>>[vector<16xi32>, vector<16xi32>], vector<16xf32>,
        %mul3A_708 = arith.mulf %gather3A_707, %get3A_628 : vector<16xf32>
        %shift_right_logical3A_709 = arith.constant 7 : i32
        %shift_right_logical3A_710 = vector.broadcast %shift_right_logical3A_709 : i32 to vector<16xi32>
        %shift_right_logical3A_711 = arith.shrui %add3A_700, %shift_right_logical3A_710 : vector<16xi32>
        %and3A_712 = arith.constant 127 : i32
        %and3A_713 = vector.broadcast %and3A_712 : i32 to vector<16xi32>
        %and3A_714 = arith.andi %add3A_700, %and3A_713 : vector<16xi32>
        tpu.vector_store_idx %arg8[%shift_right_logical3A_711, %and3A_714], %mul3A_708 {add = true} : memref<313x128xf32, #tpu.memory_space<vmem>>[vector<16xi32>, vector<16xi32>], vector<16xf32>,
        %get3A_715 = arith.index_cast %scan3A_243 : i32 to index
        %get3A_716 = arith.constant 80 : index
        %get3A_717 = tpu.vector_load %arg9[%get3A_715, %get3A_716] {strides = array<i32>} : memref<16x128xi32, #tpu.memory_space<vmem>>, vector<16xi32>,
        %get3A_718 = arith.index_cast %scan3A_243 : i32 to index
        %get3A_719 = arith.constant 80 : index
        %get3A_720 = tpu.vector_load %arg11[%get3A_718, %get3A_719] {strides = array<i32>} : memref<16x128xi32, #tpu.memory_space<vmem>>, vector<16xi32>,
        %get3A_721 = arith.index_cast %scan3A_243 : i32 to index
        %get3A_722 = arith.constant 80 : index
        %get3A_723 = tpu.vector_load %arg13[%get3A_721, %get3A_722] {strides = array<i32>} : memref<16x128xf32, #tpu.memory_space<vmem>>, vector<16xf32>,
        %mul3A_724 = arith.constant 4 : i32
        %mul3A_725 = vector.broadcast %mul3A_724 : i32 to vector<16xi32>
        %mul3A_726 = arith.muli %get3A_717, %mul3A_725 : vector<16xi32>
        %mul3A_727 = arith.constant 4 : i32
        %mul3A_728 = vector.broadcast %mul3A_727 : i32 to vector<16xi32>
        %mul3A_729 = arith.muli %get3A_720, %mul3A_728 : vector<16xi32>
        %add3A_730 = arith.constant 0 : i32
        %add3A_731 = vector.broadcast %add3A_730 : i32 to vector<16xi32>
        %add3A_732 = arith.addi %mul3A_726, %add3A_731 : vector<16xi32>
        %add3A_733 = arith.constant 0 : i32
        %add3A_734 = vector.broadcast %add3A_733 : i32 to vector<16xi32>
        %add3A_735 = arith.addi %mul3A_729, %add3A_734 : vector<16xi32>
        %shift_right_logical3A_736 = arith.constant 7 : i32
        %shift_right_logical3A_737 = vector.broadcast %shift_right_logical3A_736 : i32 to vector<16xi32>
        %shift_right_logical3A_738 = arith.shrui %add3A_732, %shift_right_logical3A_737 : vector<16xi32>
        %and3A_739 = arith.constant 127 : i32
        %and3A_740 = vector.broadcast %and3A_739 : i32 to vector<16xi32>
        %and3A_741 = arith.andi %add3A_732, %and3A_740 : vector<16xi32>
        %gather3A_742 = tpu.vector_load_idx %arg7[%shift_right_logical3A_738, %and3A_741] : memref<313x128xf32, #tpu.memory_space<vmem>>[vector<16xi32>, vector<16xi32>], vector<16xf32>,
        %mul3A_743 = arith.mulf %gather3A_742, %get3A_723 : vector<16xf32>
        %shift_right_logical3A_744 = arith.constant 7 : i32
        %shift_right_logical3A_745 = vector.broadcast %shift_right_logical3A_744 : i32 to vector<16xi32>
        %shift_right_logical3A_746 = arith.shrui %add3A_735, %shift_right_logical3A_745 : vector<16xi32>
        %and3A_747 = arith.constant 127 : i32
        %and3A_748 = vector.broadcast %and3A_747 : i32 to vector<16xi32>
        %and3A_749 = arith.andi %add3A_735, %and3A_748 : vector<16xi32>
        tpu.vector_store_idx %arg8[%shift_right_logical3A_746, %and3A_749], %mul3A_743 {add = true} : memref<313x128xf32, #tpu.memory_space<vmem>>[vector<16xi32>, vector<16xi32>], vector<16xf32>,
        %add3A_750 = arith.constant 1 : i32
        %add3A_751 = vector.broadcast %add3A_750 : i32 to vector<16xi32>
        %add3A_752 = arith.addi %mul3A_726, %add3A_751 : vector<16xi32>
        %add3A_753 = arith.constant 1 : i32
        %add3A_754 = vector.broadcast %add3A_753 : i32 to vector<16xi32>
        %add3A_755 = arith.addi %mul3A_729, %add3A_754 : vector<16xi32>
        %shift_right_logical3A_756 = arith.constant 7 : i32
        %shift_right_logical3A_757 = vector.broadcast %shift_right_logical3A_756 : i32 to vector<16xi32>
        %shift_right_logical3A_758 = arith.shrui %add3A_752, %shift_right_logical3A_757 : vector<16xi32>
        %and3A_759 = arith.constant 127 : i32
        %and3A_760 = vector.broadcast %and3A_759 : i32 to vector<16xi32>
        %and3A_761 = arith.andi %add3A_752, %and3A_760 : vector<16xi32>
        %gather3A_762 = tpu.vector_load_idx %arg7[%shift_right_logical3A_758, %and3A_761] : memref<313x128xf32, #tpu.memory_space<vmem>>[vector<16xi32>, vector<16xi32>], vector<16xf32>,
        %mul3A_763 = arith.mulf %gather3A_762, %get3A_723 : vector<16xf32>
        %shift_right_logical3A_764 = arith.constant 7 : i32
        %shift_right_logical3A_765 = vector.broadcast %shift_right_logical3A_764 : i32 to vector<16xi32>
        %shift_right_logical3A_766 = arith.shrui %add3A_755, %shift_right_logical3A_765 : vector<16xi32>
        %and3A_767 = arith.constant 127 : i32
        %and3A_768 = vector.broadcast %and3A_767 : i32 to vector<16xi32>
        %and3A_769 = arith.andi %add3A_755, %and3A_768 : vector<16xi32>
        tpu.vector_store_idx %arg8[%shift_right_logical3A_766, %and3A_769], %mul3A_763 {add = true} : memref<313x128xf32, #tpu.memory_space<vmem>>[vector<16xi32>, vector<16xi32>], vector<16xf32>,
        %add3A_770 = arith.constant 2 : i32
        %add3A_771 = vector.broadcast %add3A_770 : i32 to vector<16xi32>
        %add3A_772 = arith.addi %mul3A_726, %add3A_771 : vector<16xi32>
        %add3A_773 = arith.constant 2 : i32
        %add3A_774 = vector.broadcast %add3A_773 : i32 to vector<16xi32>
        %add3A_775 = arith.addi %mul3A_729, %add3A_774 : vector<16xi32>
        %shift_right_logical3A_776 = arith.constant 7 : i32
        %shift_right_logical3A_777 = vector.broadcast %shift_right_logical3A_776 : i32 to vector<16xi32>
        %shift_right_logical3A_778 = arith.shrui %add3A_772, %shift_right_logical3A_777 : vector<16xi32>
        %and3A_779 = arith.constant 127 : i32
        %and3A_780 = vector.broadcast %and3A_779 : i32 to vector<16xi32>
        %and3A_781 = arith.andi %add3A_772, %and3A_780 : vector<16xi32>
        %gather3A_782 = tpu.vector_load_idx %arg7[%shift_right_logical3A_778, %and3A_781] : memref<313x128xf32, #tpu.memory_space<vmem>>[vector<16xi32>, vector<16xi32>], vector<16xf32>,
        %mul3A_783 = arith.mulf %gather3A_782, %get3A_723 : vector<16xf32>
        %shift_right_logical3A_784 = arith.constant 7 : i32
        %shift_right_logical3A_785 = vector.broadcast %shift_right_logical3A_784 : i32 to vector<16xi32>
        %shift_right_logical3A_786 = arith.shrui %add3A_775, %shift_right_logical3A_785 : vector<16xi32>
        %and3A_787 = arith.constant 127 : i32
        %and3A_788 = vector.broadcast %and3A_787 : i32 to vector<16xi32>
        %and3A_789 = arith.andi %add3A_775, %and3A_788 : vector<16xi32>
        tpu.vector_store_idx %arg8[%shift_right_logical3A_786, %and3A_789], %mul3A_783 {add = true} : memref<313x128xf32, #tpu.memory_space<vmem>>[vector<16xi32>, vector<16xi32>], vector<16xf32>,
        %add3A_790 = arith.constant 3 : i32
        %add3A_791 = vector.broadcast %add3A_790 : i32 to vector<16xi32>
        %add3A_792 = arith.addi %mul3A_726, %add3A_791 : vector<16xi32>
        %add3A_793 = arith.constant 3 : i32
        %add3A_794 = vector.broadcast %add3A_793 : i32 to vector<16xi32>
        %add3A_795 = arith.addi %mul3A_729, %add3A_794 : vector<16xi32>
        %shift_right_logical3A_796 = arith.constant 7 : i32
        %shift_right_logical3A_797 = vector.broadcast %shift_right_logical3A_796 : i32 to vector<16xi32>
        %shift_right_logical3A_798 = arith.shrui %add3A_792, %shift_right_logical3A_797 : vector<16xi32>
        %and3A_799 = arith.constant 127 : i32
        %and3A_800 = vector.broadcast %and3A_799 : i32 to vector<16xi32>
        %and3A_801 = arith.andi %add3A_792, %and3A_800 : vector<16xi32>
        %gather3A_802 = tpu.vector_load_idx %arg7[%shift_right_logical3A_798, %and3A_801] : memref<313x128xf32, #tpu.memory_space<vmem>>[vector<16xi32>, vector<16xi32>], vector<16xf32>,
        %mul3A_803 = arith.mulf %gather3A_802, %get3A_723 : vector<16xf32>
        %shift_right_logical3A_804 = arith.constant 7 : i32
        %shift_right_logical3A_805 = vector.broadcast %shift_right_logical3A_804 : i32 to vector<16xi32>
        %shift_right_logical3A_806 = arith.shrui %add3A_795, %shift_right_logical3A_805 : vector<16xi32>
        %and3A_807 = arith.constant 127 : i32
        %and3A_808 = vector.broadcast %and3A_807 : i32 to vector<16xi32>
        %and3A_809 = arith.andi %add3A_795, %and3A_808 : vector<16xi32>
        tpu.vector_store_idx %arg8[%shift_right_logical3A_806, %and3A_809], %mul3A_803 {add = true} : memref<313x128xf32, #tpu.memory_space<vmem>>[vector<16xi32>, vector<16xi32>], vector<16xf32>,
        %get3A_810 = arith.index_cast %scan3A_243 : i32 to index
        %get3A_811 = arith.constant 96 : index
        %get3A_812 = tpu.vector_load %arg9[%get3A_810, %get3A_811] {strides = array<i32>} : memref<16x128xi32, #tpu.memory_space<vmem>>, vector<16xi32>,
        %get3A_813 = arith.index_cast %scan3A_243 : i32 to index
        %get3A_814 = arith.constant 96 : index
        %get3A_815 = tpu.vector_load %arg11[%get3A_813, %get3A_814] {strides = array<i32>} : memref<16x128xi32, #tpu.memory_space<vmem>>, vector<16xi32>,
        %get3A_816 = arith.index_cast %scan3A_243 : i32 to index
        %get3A_817 = arith.constant 96 : index
        %get3A_818 = tpu.vector_load %arg13[%get3A_816, %get3A_817] {strides = array<i32>} : memref<16x128xf32, #tpu.memory_space<vmem>>, vector<16xf32>,
        %mul3A_819 = arith.constant 4 : i32
        %mul3A_820 = vector.broadcast %mul3A_819 : i32 to vector<16xi32>
        %mul3A_821 = arith.muli %get3A_812, %mul3A_820 : vector<16xi32>
        %mul3A_822 = arith.constant 4 : i32
        %mul3A_823 = vector.broadcast %mul3A_822 : i32 to vector<16xi32>
        %mul3A_824 = arith.muli %get3A_815, %mul3A_823 : vector<16xi32>
        %add3A_825 = arith.constant 0 : i32
        %add3A_826 = vector.broadcast %add3A_825 : i32 to vector<16xi32>
        %add3A_827 = arith.addi %mul3A_821, %add3A_826 : vector<16xi32>
        %add3A_828 = arith.constant 0 : i32
        %add3A_829 = vector.broadcast %add3A_828 : i32 to vector<16xi32>
        %add3A_830 = arith.addi %mul3A_824, %add3A_829 : vector<16xi32>
        %shift_right_logical3A_831 = arith.constant 7 : i32
        %shift_right_logical3A_832 = vector.broadcast %shift_right_logical3A_831 : i32 to vector<16xi32>
        %shift_right_logical3A_833 = arith.shrui %add3A_827, %shift_right_logical3A_832 : vector<16xi32>
        %and3A_834 = arith.constant 127 : i32
        %and3A_835 = vector.broadcast %and3A_834 : i32 to vector<16xi32>
        %and3A_836 = arith.andi %add3A_827, %and3A_835 : vector<16xi32>
        %gather3A_837 = tpu.vector_load_idx %arg7[%shift_right_logical3A_833, %and3A_836] : memref<313x128xf32, #tpu.memory_space<vmem>>[vector<16xi32>, vector<16xi32>], vector<16xf32>,
        %mul3A_838 = arith.mulf %gather3A_837, %get3A_818 : vector<16xf32>
        %shift_right_logical3A_839 = arith.constant 7 : i32
        %shift_right_logical3A_840 = vector.broadcast %shift_right_logical3A_839 : i32 to vector<16xi32>
        %shift_right_logical3A_841 = arith.shrui %add3A_830, %shift_right_logical3A_840 : vector<16xi32>
        %and3A_842 = arith.constant 127 : i32
        %and3A_843 = vector.broadcast %and3A_842 : i32 to vector<16xi32>
        %and3A_844 = arith.andi %add3A_830, %and3A_843 : vector<16xi32>
        tpu.vector_store_idx %arg8[%shift_right_logical3A_841, %and3A_844], %mul3A_838 {add = true} : memref<313x128xf32, #tpu.memory_space<vmem>>[vector<16xi32>, vector<16xi32>], vector<16xf32>,
        %add3A_845 = arith.constant 1 : i32
        %add3A_846 = vector.broadcast %add3A_845 : i32 to vector<16xi32>
        %add3A_847 = arith.addi %mul3A_821, %add3A_846 : vector<16xi32>
        %add3A_848 = arith.constant 1 : i32
        %add3A_849 = vector.broadcast %add3A_848 : i32 to vector<16xi32>
        %add3A_850 = arith.addi %mul3A_824, %add3A_849 : vector<16xi32>
        %shift_right_logical3A_851 = arith.constant 7 : i32
        %shift_right_logical3A_852 = vector.broadcast %shift_right_logical3A_851 : i32 to vector<16xi32>
        %shift_right_logical3A_853 = arith.shrui %add3A_847, %shift_right_logical3A_852 : vector<16xi32>
        %and3A_854 = arith.constant 127 : i32
        %and3A_855 = vector.broadcast %and3A_854 : i32 to vector<16xi32>
        %and3A_856 = arith.andi %add3A_847, %and3A_855 : vector<16xi32>
        %gather3A_857 = tpu.vector_load_idx %arg7[%shift_right_logical3A_853, %and3A_856] : memref<313x128xf32, #tpu.memory_space<vmem>>[vector<16xi32>, vector<16xi32>], vector<16xf32>,
        %mul3A_858 = arith.mulf %gather3A_857, %get3A_818 : vector<16xf32>
        %shift_right_logical3A_859 = arith.constant 7 : i32
        %shift_right_logical3A_860 = vector.broadcast %shift_right_logical3A_859 : i32 to vector<16xi32>
        %shift_right_logical3A_861 = arith.shrui %add3A_850, %shift_right_logical3A_860 : vector<16xi32>
        %and3A_862 = arith.constant 127 : i32
        %and3A_863 = vector.broadcast %and3A_862 : i32 to vector<16xi32>
        %and3A_864 = arith.andi %add3A_850, %and3A_863 : vector<16xi32>
        tpu.vector_store_idx %arg8[%shift_right_logical3A_861, %and3A_864], %mul3A_858 {add = true} : memref<313x128xf32, #tpu.memory_space<vmem>>[vector<16xi32>, vector<16xi32>], vector<16xf32>,
        %add3A_865 = arith.constant 2 : i32
        %add3A_866 = vector.broadcast %add3A_865 : i32 to vector<16xi32>
        %add3A_867 = arith.addi %mul3A_821, %add3A_866 : vector<16xi32>
        %add3A_868 = arith.constant 2 : i32
        %add3A_869 = vector.broadcast %add3A_868 : i32 to vector<16xi32>
        %add3A_870 = arith.addi %mul3A_824, %add3A_869 : vector<16xi32>
        %shift_right_logical3A_871 = arith.constant 7 : i32
        %shift_right_logical3A_872 = vector.broadcast %shift_right_logical3A_871 : i32 to vector<16xi32>
        %shift_right_logical3A_873 = arith.shrui %add3A_867, %shift_right_logical3A_872 : vector<16xi32>
        %and3A_874 = arith.constant 127 : i32
        %and3A_875 = vector.broadcast %and3A_874 : i32 to vector<16xi32>
        %and3A_876 = arith.andi %add3A_867, %and3A_875 : vector<16xi32>
        %gather3A_877 = tpu.vector_load_idx %arg7[%shift_right_logical3A_873, %and3A_876] : memref<313x128xf32, #tpu.memory_space<vmem>>[vector<16xi32>, vector<16xi32>], vector<16xf32>,
        %mul3A_878 = arith.mulf %gather3A_877, %get3A_818 : vector<16xf32>
        %shift_right_logical3A_879 = arith.constant 7 : i32
        %shift_right_logical3A_880 = vector.broadcast %shift_right_logical3A_879 : i32 to vector<16xi32>
        %shift_right_logical3A_881 = arith.shrui %add3A_870, %shift_right_logical3A_880 : vector<16xi32>
        %and3A_882 = arith.constant 127 : i32
        %and3A_883 = vector.broadcast %and3A_882 : i32 to vector<16xi32>
        %and3A_884 = arith.andi %add3A_870, %and3A_883 : vector<16xi32>
        tpu.vector_store_idx %arg8[%shift_right_logical3A_881, %and3A_884], %mul3A_878 {add = true} : memref<313x128xf32, #tpu.memory_space<vmem>>[vector<16xi32>, vector<16xi32>], vector<16xf32>,
        %add3A_885 = arith.constant 3 : i32
        %add3A_886 = vector.broadcast %add3A_885 : i32 to vector<16xi32>
        %add3A_887 = arith.addi %mul3A_821, %add3A_886 : vector<16xi32>
        %add3A_888 = arith.constant 3 : i32
        %add3A_889 = vector.broadcast %add3A_888 : i32 to vector<16xi32>
        %add3A_890 = arith.addi %mul3A_824, %add3A_889 : vector<16xi32>
        %shift_right_logical3A_891 = arith.constant 7 : i32
        %shift_right_logical3A_892 = vector.broadcast %shift_right_logical3A_891 : i32 to vector<16xi32>
        %shift_right_logical3A_893 = arith.shrui %add3A_887, %shift_right_logical3A_892 : vector<16xi32>
        %and3A_894 = arith.constant 127 : i32
        %and3A_895 = vector.broadcast %and3A_894 : i32 to vector<16xi32>
        %and3A_896 = arith.andi %add3A_887, %and3A_895 : vector<16xi32>
        %gather3A_897 = tpu.vector_load_idx %arg7[%shift_right_logical3A_893, %and3A_896] : memref<313x128xf32, #tpu.memory_space<vmem>>[vector<16xi32>, vector<16xi32>], vector<16xf32>,
        %mul3A_898 = arith.mulf %gather3A_897, %get3A_818 : vector<16xf32>
        %shift_right_logical3A_899 = arith.constant 7 : i32
        %shift_right_logical3A_900 = vector.broadcast %shift_right_logical3A_899 : i32 to vector<16xi32>
        %shift_right_logical3A_901 = arith.shrui %add3A_890, %shift_right_logical3A_900 : vector<16xi32>
        %and3A_902 = arith.constant 127 : i32
        %and3A_903 = vector.broadcast %and3A_902 : i32 to vector<16xi32>
        %and3A_904 = arith.andi %add3A_890, %and3A_903 : vector<16xi32>
        tpu.vector_store_idx %arg8[%shift_right_logical3A_901, %and3A_904], %mul3A_898 {add = true} : memref<313x128xf32, #tpu.memory_space<vmem>>[vector<16xi32>, vector<16xi32>], vector<16xf32>,
        %get3A_905 = arith.index_cast %scan3A_243 : i32 to index
        %get3A_906 = arith.constant 112 : index
        %get3A_907 = tpu.vector_load %arg9[%get3A_905, %get3A_906] {strides = array<i32>} : memref<16x128xi32, #tpu.memory_space<vmem>>, vector<16xi32>,
        %get3A_908 = arith.index_cast %scan3A_243 : i32 to index
        %get3A_909 = arith.constant 112 : index
        %get3A_910 = tpu.vector_load %arg11[%get3A_908, %get3A_909] {strides = array<i32>} : memref<16x128xi32, #tpu.memory_space<vmem>>, vector<16xi32>,
        %get3A_911 = arith.index_cast %scan3A_243 : i32 to index
        %get3A_912 = arith.constant 112 : index
        %get3A_913 = tpu.vector_load %arg13[%get3A_911, %get3A_912] {strides = array<i32>} : memref<16x128xf32, #tpu.memory_space<vmem>>, vector<16xf32>,
        %mul3A_914 = arith.constant 4 : i32
        %mul3A_915 = vector.broadcast %mul3A_914 : i32 to vector<16xi32>
        %mul3A_916 = arith.muli %get3A_907, %mul3A_915 : vector<16xi32>
        %mul3A_917 = arith.constant 4 : i32
        %mul3A_918 = vector.broadcast %mul3A_917 : i32 to vector<16xi32>
        %mul3A_919 = arith.muli %get3A_910, %mul3A_918 : vector<16xi32>
        %add3A_920 = arith.constant 0 : i32
        %add3A_921 = vector.broadcast %add3A_920 : i32 to vector<16xi32>
        %add3A_922 = arith.addi %mul3A_916, %add3A_921 : vector<16xi32>
        %add3A_923 = arith.constant 0 : i32
        %add3A_924 = vector.broadcast %add3A_923 : i32 to vector<16xi32>
        %add3A_925 = arith.addi %mul3A_919, %add3A_924 : vector<16xi32>
        %shift_right_logical3A_926 = arith.constant 7 : i32
        %shift_right_logical3A_927 = vector.broadcast %shift_right_logical3A_926 : i32 to vector<16xi32>
        %shift_right_logical3A_928 = arith.shrui %add3A_922, %shift_right_logical3A_927 : vector<16xi32>
        %and3A_929 = arith.constant 127 : i32
        %and3A_930 = vector.broadcast %and3A_929 : i32 to vector<16xi32>
        %and3A_931 = arith.andi %add3A_922, %and3A_930 : vector<16xi32>
        %gather3A_932 = tpu.vector_load_idx %arg7[%shift_right_logical3A_928, %and3A_931] : memref<313x128xf32, #tpu.memory_space<vmem>>[vector<16xi32>, vector<16xi32>], vector<16xf32>,
        %mul3A_933 = arith.mulf %gather3A_932, %get3A_913 : vector<16xf32>
        %shift_right_logical3A_934 = arith.constant 7 : i32
        %shift_right_logical3A_935 = vector.broadcast %shift_right_logical3A_934 : i32 to vector<16xi32>
        %shift_right_logical3A_936 = arith.shrui %add3A_925, %shift_right_logical3A_935 : vector<16xi32>
        %and3A_937 = arith.constant 127 : i32
        %and3A_938 = vector.broadcast %and3A_937 : i32 to vector<16xi32>
        %and3A_939 = arith.andi %add3A_925, %and3A_938 : vector<16xi32>
        tpu.vector_store_idx %arg8[%shift_right_logical3A_936, %and3A_939], %mul3A_933 {add = true} : memref<313x128xf32, #tpu.memory_space<vmem>>[vector<16xi32>, vector<16xi32>], vector<16xf32>,
        %add3A_940 = arith.constant 1 : i32
        %add3A_941 = vector.broadcast %add3A_940 : i32 to vector<16xi32>
        %add3A_942 = arith.addi %mul3A_916, %add3A_941 : vector<16xi32>
        %add3A_943 = arith.constant 1 : i32
        %add3A_944 = vector.broadcast %add3A_943 : i32 to vector<16xi32>
        %add3A_945 = arith.addi %mul3A_919, %add3A_944 : vector<16xi32>
        %shift_right_logical3A_946 = arith.constant 7 : i32
        %shift_right_logical3A_947 = vector.broadcast %shift_right_logical3A_946 : i32 to vector<16xi32>
        %shift_right_logical3A_948 = arith.shrui %add3A_942, %shift_right_logical3A_947 : vector<16xi32>
        %and3A_949 = arith.constant 127 : i32
        %and3A_950 = vector.broadcast %and3A_949 : i32 to vector<16xi32>
        %and3A_951 = arith.andi %add3A_942, %and3A_950 : vector<16xi32>
        %gather3A_952 = tpu.vector_load_idx %arg7[%shift_right_logical3A_948, %and3A_951] : memref<313x128xf32, #tpu.memory_space<vmem>>[vector<16xi32>, vector<16xi32>], vector<16xf32>,
        %mul3A_953 = arith.mulf %gather3A_952, %get3A_913 : vector<16xf32>
        %shift_right_logical3A_954 = arith.constant 7 : i32
        %shift_right_logical3A_955 = vector.broadcast %shift_right_logical3A_954 : i32 to vector<16xi32>
        %shift_right_logical3A_956 = arith.shrui %add3A_945, %shift_right_logical3A_955 : vector<16xi32>
        %and3A_957 = arith.constant 127 : i32
        %and3A_958 = vector.broadcast %and3A_957 : i32 to vector<16xi32>
        %and3A_959 = arith.andi %add3A_945, %and3A_958 : vector<16xi32>
        tpu.vector_store_idx %arg8[%shift_right_logical3A_956, %and3A_959], %mul3A_953 {add = true} : memref<313x128xf32, #tpu.memory_space<vmem>>[vector<16xi32>, vector<16xi32>], vector<16xf32>,
        %add3A_960 = arith.constant 2 : i32
        %add3A_961 = vector.broadcast %add3A_960 : i32 to vector<16xi32>
        %add3A_962 = arith.addi %mul3A_916, %add3A_961 : vector<16xi32>
        %add3A_963 = arith.constant 2 : i32
        %add3A_964 = vector.broadcast %add3A_963 : i32 to vector<16xi32>
        %add3A_965 = arith.addi %mul3A_919, %add3A_964 : vector<16xi32>
        %shift_right_logical3A_966 = arith.constant 7 : i32
        %shift_right_logical3A_967 = vector.broadcast %shift_right_logical3A_966 : i32 to vector<16xi32>
        %shift_right_logical3A_968 = arith.shrui %add3A_962, %shift_right_logical3A_967 : vector<16xi32>
        %and3A_969 = arith.constant 127 : i32
        %and3A_970 = vector.broadcast %and3A_969 : i32 to vector<16xi32>
        %and3A_971 = arith.andi %add3A_962, %and3A_970 : vector<16xi32>
        %gather3A_972 = tpu.vector_load_idx %arg7[%shift_right_logical3A_968, %and3A_971] : memref<313x128xf32, #tpu.memory_space<vmem>>[vector<16xi32>, vector<16xi32>], vector<16xf32>,
        %mul3A_973 = arith.mulf %gather3A_972, %get3A_913 : vector<16xf32>
        %shift_right_logical3A_974 = arith.constant 7 : i32
        %shift_right_logical3A_975 = vector.broadcast %shift_right_logical3A_974 : i32 to vector<16xi32>
        %shift_right_logical3A_976 = arith.shrui %add3A_965, %shift_right_logical3A_975 : vector<16xi32>
        %and3A_977 = arith.constant 127 : i32
        %and3A_978 = vector.broadcast %and3A_977 : i32 to vector<16xi32>
        %and3A_979 = arith.andi %add3A_965, %and3A_978 : vector<16xi32>
        tpu.vector_store_idx %arg8[%shift_right_logical3A_976, %and3A_979], %mul3A_973 {add = true} : memref<313x128xf32, #tpu.memory_space<vmem>>[vector<16xi32>, vector<16xi32>], vector<16xf32>,
        %add3A_980 = arith.constant 3 : i32
        %add3A_981 = vector.broadcast %add3A_980 : i32 to vector<16xi32>
        %add3A_982 = arith.addi %mul3A_916, %add3A_981 : vector<16xi32>
        %add3A_983 = arith.constant 3 : i32
        %add3A_984 = vector.broadcast %add3A_983 : i32 to vector<16xi32>
        %add3A_985 = arith.addi %mul3A_919, %add3A_984 : vector<16xi32>
        %shift_right_logical3A_986 = arith.constant 7 : i32
        %shift_right_logical3A_987 = vector.broadcast %shift_right_logical3A_986 : i32 to vector<16xi32>
        %shift_right_logical3A_988 = arith.shrui %add3A_982, %shift_right_logical3A_987 : vector<16xi32>
        %and3A_989 = arith.constant 127 : i32
        %and3A_990 = vector.broadcast %and3A_989 : i32 to vector<16xi32>
        %and3A_991 = arith.andi %add3A_982, %and3A_990 : vector<16xi32>
        %gather3A_992 = tpu.vector_load_idx %arg7[%shift_right_logical3A_988, %and3A_991] : memref<313x128xf32, #tpu.memory_space<vmem>>[vector<16xi32>, vector<16xi32>], vector<16xf32>,
        %mul3A_993 = arith.mulf %gather3A_992, %get3A_913 : vector<16xf32>
        %shift_right_logical3A_994 = arith.constant 7 : i32
        %shift_right_logical3A_995 = vector.broadcast %shift_right_logical3A_994 : i32 to vector<16xi32>
        %shift_right_logical3A_996 = arith.shrui %add3A_985, %shift_right_logical3A_995 : vector<16xi32>
        %and3A_997 = arith.constant 127 : i32
        %and3A_998 = vector.broadcast %and3A_997 : i32 to vector<16xi32>
        %and3A_999 = arith.andi %add3A_985, %and3A_998 : vector<16xi32>
        tpu.vector_store_idx %arg8[%shift_right_logical3A_996, %and3A_999], %mul3A_993 {add = true} : memref<313x128xf32, #tpu.memory_space<vmem>>[vector<16xi32>, vector<16xi32>], vector<16xf32>,
      }
      %scan3A_151 = arith.constant 16 : i32
      %mul3A = arith.constant 2 : i32
      %mul3A_152 = arith.muli %mul3A, %scan3A_118 : i32
      %add3A = arith.constant 0 : i32
      %add3A_153 = arith.addi %mul3A_152, %add3A : i32
      %add3A_154 = arith.constant 2 : i32
      %add3A_155 = arith.addi %add3A_153, %add3A_154 : i32
      %dma_start3A_156 = arith.constant 0 : i32
      %dma_start3A_157 = arith.constant 0 : i32
      %dma_start3A_158 = tpu.memref_slice %arg3[%add3A_155, %dma_start3A_156, %dma_start3A_157] : memref<162x16x128xi32, #tpu.memory_space<hbm>> -> memref<1x16x128xi32, #tpu.memory_space<hbm>>
      %dma_start3A_159 = tpu.memref_squeeze %dma_start3A_158 : memref<1x16x128xi32, #tpu.memory_space<hbm>> -> memref<16x128xi32, #tpu.memory_space<hbm>>
      %dma_start3A_160 = arith.constant 0 : i32
      %dma_start3A_161 = arith.constant 0 : i32
      %dma_start3A_162 = tpu.memref_slice %arg3[%add3A_155, %dma_start3A_160, %dma_start3A_161] : memref<162x16x128xi32, #tpu.memory_space<hbm>> -> memref<1x16x128xi32, #tpu.memory_space<hbm>>
      %dma_start3A_163 = tpu.memref_squeeze %dma_start3A_162 : memref<1x16x128xi32, #tpu.memory_space<hbm>> -> memref<16x128xi32, #tpu.memory_space<hbm>>
      tpu.enqueue_dma source(%dma_start3A_163 : memref<16x128xi32, #tpu.memory_space<hbm>>) target(%arg9 : memref<16x128xi32, #tpu.memory_space<vmem>>) target_semaphore(%arg15 : memref<!tpu.dma_semaphore, #tpu.memory_space<semaphore_mem>>)
      %dma_start3A_164 = arith.constant 0 : i32
      %dma_start3A_165 = arith.constant 0 : i32
      %dma_start3A_166 = tpu.memref_slice %arg4[%add3A_155, %dma_start3A_164, %dma_start3A_165] : memref<162x16x128xi32, #tpu.memory_space<hbm>> -> memref<1x16x128xi32, #tpu.memory_space<hbm>>
      %dma_start3A_167 = tpu.memref_squeeze %dma_start3A_166 : memref<1x16x128xi32, #tpu.memory_space<hbm>> -> memref<16x128xi32, #tpu.memory_space<hbm>>
      %dma_start3A_168 = arith.constant 0 : i32
      %dma_start3A_169 = arith.constant 0 : i32
      %dma_start3A_170 = tpu.memref_slice %arg4[%add3A_155, %dma_start3A_168, %dma_start3A_169] : memref<162x16x128xi32, #tpu.memory_space<hbm>> -> memref<1x16x128xi32, #tpu.memory_space<hbm>>
      %dma_start3A_171 = tpu.memref_squeeze %dma_start3A_170 : memref<1x16x128xi32, #tpu.memory_space<hbm>> -> memref<16x128xi32, #tpu.memory_space<hbm>>
      tpu.enqueue_dma source(%dma_start3A_171 : memref<16x128xi32, #tpu.memory_space<hbm>>) target(%arg11 : memref<16x128xi32, #tpu.memory_space<vmem>>) target_semaphore(%arg15 : memref<!tpu.dma_semaphore, #tpu.memory_space<semaphore_mem>>)
      %dma_start3A_172 = arith.constant 0 : i32
      %dma_start3A_173 = arith.constant 0 : i32
      %dma_start3A_174 = tpu.memref_slice %arg5[%add3A_155, %dma_start3A_172, %dma_start3A_173] : memref<162x16x128xf32, #tpu.memory_space<hbm>> -> memref<1x16x128xf32, #tpu.memory_space<hbm>>
      %dma_start3A_175 = tpu.memref_squeeze %dma_start3A_174 : memref<1x16x128xf32, #tpu.memory_space<hbm>> -> memref<16x128xf32, #tpu.memory_space<hbm>>
      %dma_start3A_176 = arith.constant 0 : i32
      %dma_start3A_177 = arith.constant 0 : i32
      %dma_start3A_178 = tpu.memref_slice %arg5[%add3A_155, %dma_start3A_176, %dma_start3A_177] : memref<162x16x128xf32, #tpu.memory_space<hbm>> -> memref<1x16x128xf32, #tpu.memory_space<hbm>>
      %dma_start3A_179 = tpu.memref_squeeze %dma_start3A_178 : memref<1x16x128xf32, #tpu.memory_space<hbm>> -> memref<16x128xf32, #tpu.memory_space<hbm>>
      tpu.enqueue_dma source(%dma_start3A_179 : memref<16x128xf32, #tpu.memory_space<hbm>>) target(%arg13 : memref<16x128xf32, #tpu.memory_space<vmem>>) target_semaphore(%arg15 : memref<!tpu.dma_semaphore, #tpu.memory_space<semaphore_mem>>)
      %dma_wait3A_180 = arith.constant 0 : i32
      %dma_wait3A_181 = arith.constant 0 : i32
      %dma_wait3A_182 = arith.constant 0 : i32
      %dma_wait3A_183 = tpu.memref_slice %arg3[%dma_wait3A_180, %dma_wait3A_181, %dma_wait3A_182] : memref<162x16x128xi32, #tpu.memory_space<hbm>> -> memref<1x16x128xi32, #tpu.memory_space<hbm>>
      %dma_wait3A_184 = tpu.memref_squeeze %dma_wait3A_183 : memref<1x16x128xi32, #tpu.memory_space<hbm>> -> memref<16x128xi32, #tpu.memory_space<hbm>>
      %dma_wait3A_185 = arith.constant 0 : i32
      %dma_wait3A_186 = arith.constant 0 : i32
      %dma_wait3A_187 = tpu.memref_slice %arg3[%dma_wait3A_180, %dma_wait3A_185, %dma_wait3A_186] : memref<162x16x128xi32, #tpu.memory_space<hbm>> -> memref<1x16x128xi32, #tpu.memory_space<hbm>>
      %dma_wait3A_188 = tpu.memref_squeeze %dma_wait3A_187 : memref<1x16x128xi32, #tpu.memory_space<hbm>> -> memref<16x128xi32, #tpu.memory_space<hbm>>
      tpu.wait_dma2 semaphore(%arg16 : memref<!tpu.dma_semaphore, #tpu.memory_space<semaphore_mem>>) src(%dma_wait3A_188 : memref<16x128xi32, #tpu.memory_space<hbm>>) dst(%arg10 : memref<16x128xi32, #tpu.memory_space<vmem>>)
      %dma_wait3A_189 = arith.constant 0 : i32
      %dma_wait3A_190 = arith.constant 0 : i32
      %dma_wait3A_191 = arith.constant 0 : i32
      %dma_wait3A_192 = tpu.memref_slice %arg4[%dma_wait3A_189, %dma_wait3A_190, %dma_wait3A_191] : memref<162x16x128xi32, #tpu.memory_space<hbm>> -> memref<1x16x128xi32, #tpu.memory_space<hbm>>
      %dma_wait3A_193 = tpu.memref_squeeze %dma_wait3A_192 : memref<1x16x128xi32, #tpu.memory_space<hbm>> -> memref<16x128xi32, #tpu.memory_space<hbm>>
      %dma_wait3A_194 = arith.constant 0 : i32
      %dma_wait3A_195 = arith.constant 0 : i32
      %dma_wait3A_196 = tpu.memref_slice %arg4[%dma_wait3A_189, %dma_wait3A_194, %dma_wait3A_195] : memref<162x16x128xi32, #tpu.memory_space<hbm>> -> memref<1x16x128xi32, #tpu.memory_space<hbm>>
      %dma_wait3A_197 = tpu.memref_squeeze %dma_wait3A_196 : memref<1x16x128xi32, #tpu.memory_space<hbm>> -> memref<16x128xi32, #tpu.memory_space<hbm>>
      tpu.wait_dma2 semaphore(%arg16 : memref<!tpu.dma_semaphore, #tpu.memory_space<semaphore_mem>>) src(%dma_wait3A_197 : memref<16x128xi32, #tpu.memory_space<hbm>>) dst(%arg12 : memref<16x128xi32, #tpu.memory_space<vmem>>)
      %dma_wait3A_198 = arith.constant 0 : i32
      %dma_wait3A_199 = arith.constant 0 : i32
      %dma_wait3A_200 = arith.constant 0 : i32
      %dma_wait3A_201 = tpu.memref_slice %arg5[%dma_wait3A_198, %dma_wait3A_199, %dma_wait3A_200] : memref<162x16x128xf32, #tpu.memory_space<hbm>> -> memref<1x16x128xf32, #tpu.memory_space<hbm>>
      %dma_wait3A_202 = tpu.memref_squeeze %dma_wait3A_201 : memref<1x16x128xf32, #tpu.memory_space<hbm>> -> memref<16x128xf32, #tpu.memory_space<hbm>>
      %dma_wait3A_203 = arith.constant 0 : i32
      %dma_wait3A_204 = arith.constant 0 : i32
      %dma_wait3A_205 = tpu.memref_slice %arg5[%dma_wait3A_198, %dma_wait3A_203, %dma_wait3A_204] : memref<162x16x128xf32, #tpu.memory_space<hbm>> -> memref<1x16x128xf32, #tpu.memory_space<hbm>>
      %dma_wait3A_206 = tpu.memref_squeeze %dma_wait3A_205 : memref<1x16x128xf32, #tpu.memory_space<hbm>> -> memref<16x128xf32, #tpu.memory_space<hbm>>
      tpu.wait_dma2 semaphore(%arg16 : memref<!tpu.dma_semaphore, #tpu.memory_space<semaphore_mem>>) src(%dma_wait3A_206 : memref<16x128xf32, #tpu.memory_space<hbm>>) dst(%arg14 : memref<16x128xf32, #tpu.memory_space<vmem>>)
      %scan3A_207 = arith.constant 0 : i32
      %scan3A_208 = arith.constant 0 : i32
      %scan3A_209 = arith.constant 16 : i32
      %scan3A_210 = arith.addi %scan3A_208, %scan3A_209 : i32
      %scan3A_211 = arith.constant 1 : i32
      scf.for %scan3A_243 = %scan3A_208 to %scan3A_210 step %scan3A_211  : i32 {
        %get3A = arith.index_cast %scan3A_243 : i32 to index
        %get3A_244 = arith.constant 0 : index
        %get3A_245 = tpu.vector_load %arg10[%get3A, %get3A_244] {strides = array<i32>} : memref<16x128xi32, #tpu.memory_space<vmem>>, vector<16xi32>,
        %get3A_246 = arith.index_cast %scan3A_243 : i32 to index
        %get3A_247 = arith.constant 0 : index
        %get3A_248 = tpu.vector_load %arg12[%get3A_246, %get3A_247] {strides = array<i32>} : memref<16x128xi32, #tpu.memory_space<vmem>>, vector<16xi32>,
        %get3A_249 = arith.index_cast %scan3A_243 : i32 to index
        %get3A_250 = arith.constant 0 : index
        %get3A_251 = tpu.vector_load %arg14[%get3A_249, %get3A_250] {strides = array<i32>} : memref<16x128xf32, #tpu.memory_space<vmem>>, vector<16xf32>,
        %mul3A_252 = arith.constant 4 : i32
        %mul3A_253 = vector.broadcast %mul3A_252 : i32 to vector<16xi32>
        %mul3A_254 = arith.muli %get3A_245, %mul3A_253 : vector<16xi32>
        %mul3A_255 = arith.constant 4 : i32
        %mul3A_256 = vector.broadcast %mul3A_255 : i32 to vector<16xi32>
        %mul3A_257 = arith.muli %get3A_248, %mul3A_256 : vector<16xi32>
        %add3A_258 = arith.constant 0 : i32
        %add3A_259 = vector.broadcast %add3A_258 : i32 to vector<16xi32>
        %add3A_260 = arith.addi %mul3A_254, %add3A_259 : vector<16xi32>
        %add3A_261 = arith.constant 0 : i32
        %add3A_262 = vector.broadcast %add3A_261 : i32 to vector<16xi32>
        %add3A_263 = arith.addi %mul3A_257, %add3A_262 : vector<16xi32>
        %shift_right_logical3A = arith.constant 7 : i32
        %shift_right_logical3A_264 = vector.broadcast %shift_right_logical3A : i32 to vector<16xi32>
        %shift_right_logical3A_265 = arith.shrui %add3A_260, %shift_right_logical3A_264 : vector<16xi32>
        %and3A = arith.constant 127 : i32
        %and3A_266 = vector.broadcast %and3A : i32 to vector<16xi32>
        %and3A_267 = arith.andi %add3A_260, %and3A_266 : vector<16xi32>
        %gather3A = tpu.vector_load_idx %arg7[%shift_right_logical3A_265, %and3A_267] : memref<313x128xf32, #tpu.memory_space<vmem>>[vector<16xi32>, vector<16xi32>], vector<16xf32>,
        %mul3A_268 = arith.mulf %gather3A, %get3A_251 : vector<16xf32>
        %shift_right_logical3A_269 = arith.constant 7 : i32
        %shift_right_logical3A_270 = vector.broadcast %shift_right_logical3A_269 : i32 to vector<16xi32>
        %shift_right_logical3A_271 = arith.shrui %add3A_263, %shift_right_logical3A_270 : vector<16xi32>
        %and3A_272 = arith.constant 127 : i32
        %and3A_273 = vector.broadcast %and3A_272 : i32 to vector<16xi32>
        %and3A_274 = arith.andi %add3A_263, %and3A_273 : vector<16xi32>
        tpu.vector_store_idx %arg8[%shift_right_logical3A_271, %and3A_274], %mul3A_268 {add = true} : memref<313x128xf32, #tpu.memory_space<vmem>>[vector<16xi32>, vector<16xi32>], vector<16xf32>,
        %add3A_275 = arith.constant 1 : i32
        %add3A_276 = vector.broadcast %add3A_275 : i32 to vector<16xi32>
        %add3A_277 = arith.addi %mul3A_254, %add3A_276 : vector<16xi32>
        %add3A_278 = arith.constant 1 : i32
        %add3A_279 = vector.broadcast %add3A_278 : i32 to vector<16xi32>
        %add3A_280 = arith.addi %mul3A_257, %add3A_279 : vector<16xi32>
        %shift_right_logical3A_281 = arith.constant 7 : i32
        %shift_right_logical3A_282 = vector.broadcast %shift_right_logical3A_281 : i32 to vector<16xi32>
        %shift_right_logical3A_283 = arith.shrui %add3A_277, %shift_right_logical3A_282 : vector<16xi32>
        %and3A_284 = arith.constant 127 : i32
        %and3A_285 = vector.broadcast %and3A_284 : i32 to vector<16xi32>
        %and3A_286 = arith.andi %add3A_277, %and3A_285 : vector<16xi32>
        %gather3A_287 = tpu.vector_load_idx %arg7[%shift_right_logical3A_283, %and3A_286] : memref<313x128xf32, #tpu.memory_space<vmem>>[vector<16xi32>, vector<16xi32>], vector<16xf32>,
        %mul3A_288 = arith.mulf %gather3A_287, %get3A_251 : vector<16xf32>
        %shift_right_logical3A_289 = arith.constant 7 : i32
        %shift_right_logical3A_290 = vector.broadcast %shift_right_logical3A_289 : i32 to vector<16xi32>
        %shift_right_logical3A_291 = arith.shrui %add3A_280, %shift_right_logical3A_290 : vector<16xi32>
        %and3A_292 = arith.constant 127 : i32
        %and3A_293 = vector.broadcast %and3A_292 : i32 to vector<16xi32>
        %and3A_294 = arith.andi %add3A_280, %and3A_293 : vector<16xi32>
        tpu.vector_store_idx %arg8[%shift_right_logical3A_291, %and3A_294], %mul3A_288 {add = true} : memref<313x128xf32, #tpu.memory_space<vmem>>[vector<16xi32>, vector<16xi32>], vector<16xf32>,
        %add3A_295 = arith.constant 2 : i32
        %add3A_296 = vector.broadcast %add3A_295 : i32 to vector<16xi32>
        %add3A_297 = arith.addi %mul3A_254, %add3A_296 : vector<16xi32>
        %add3A_298 = arith.constant 2 : i32
        %add3A_299 = vector.broadcast %add3A_298 : i32 to vector<16xi32>
        %add3A_300 = arith.addi %mul3A_257, %add3A_299 : vector<16xi32>
        %shift_right_logical3A_301 = arith.constant 7 : i32
        %shift_right_logical3A_302 = vector.broadcast %shift_right_logical3A_301 : i32 to vector<16xi32>
        %shift_right_logical3A_303 = arith.shrui %add3A_297, %shift_right_logical3A_302 : vector<16xi32>
        %and3A_304 = arith.constant 127 : i32
        %and3A_305 = vector.broadcast %and3A_304 : i32 to vector<16xi32>
        %and3A_306 = arith.andi %add3A_297, %and3A_305 : vector<16xi32>
        %gather3A_307 = tpu.vector_load_idx %arg7[%shift_right_logical3A_303, %and3A_306] : memref<313x128xf32, #tpu.memory_space<vmem>>[vector<16xi32>, vector<16xi32>], vector<16xf32>,
        %mul3A_308 = arith.mulf %gather3A_307, %get3A_251 : vector<16xf32>
        %shift_right_logical3A_309 = arith.constant 7 : i32
        %shift_right_logical3A_310 = vector.broadcast %shift_right_logical3A_309 : i32 to vector<16xi32>
        %shift_right_logical3A_311 = arith.shrui %add3A_300, %shift_right_logical3A_310 : vector<16xi32>
        %and3A_312 = arith.constant 127 : i32
        %and3A_313 = vector.broadcast %and3A_312 : i32 to vector<16xi32>
        %and3A_314 = arith.andi %add3A_300, %and3A_313 : vector<16xi32>
        tpu.vector_store_idx %arg8[%shift_right_logical3A_311, %and3A_314], %mul3A_308 {add = true} : memref<313x128xf32, #tpu.memory_space<vmem>>[vector<16xi32>, vector<16xi32>], vector<16xf32>,
        %add3A_315 = arith.constant 3 : i32
        %add3A_316 = vector.broadcast %add3A_315 : i32 to vector<16xi32>
        %add3A_317 = arith.addi %mul3A_254, %add3A_316 : vector<16xi32>
        %add3A_318 = arith.constant 3 : i32
        %add3A_319 = vector.broadcast %add3A_318 : i32 to vector<16xi32>
        %add3A_320 = arith.addi %mul3A_257, %add3A_319 : vector<16xi32>
        %shift_right_logical3A_321 = arith.constant 7 : i32
        %shift_right_logical3A_322 = vector.broadcast %shift_right_logical3A_321 : i32 to vector<16xi32>
        %shift_right_logical3A_323 = arith.shrui %add3A_317, %shift_right_logical3A_322 : vector<16xi32>
        %and3A_324 = arith.constant 127 : i32
        %and3A_325 = vector.broadcast %and3A_324 : i32 to vector<16xi32>
        %and3A_326 = arith.andi %add3A_317, %and3A_325 : vector<16xi32>
        %gather3A_327 = tpu.vector_load_idx %arg7[%shift_right_logical3A_323, %and3A_326] : memref<313x128xf32, #tpu.memory_space<vmem>>[vector<16xi32>, vector<16xi32>], vector<16xf32>,
        %mul3A_328 = arith.mulf %gather3A_327, %get3A_251 : vector<16xf32>
        %shift_right_logical3A_329 = arith.constant 7 : i32
        %shift_right_logical3A_330 = vector.broadcast %shift_right_logical3A_329 : i32 to vector<16xi32>
        %shift_right_logical3A_331 = arith.shrui %add3A_320, %shift_right_logical3A_330 : vector<16xi32>
        %and3A_332 = arith.constant 127 : i32
        %and3A_333 = vector.broadcast %and3A_332 : i32 to vector<16xi32>
        %and3A_334 = arith.andi %add3A_320, %and3A_333 : vector<16xi32>
        tpu.vector_store_idx %arg8[%shift_right_logical3A_331, %and3A_334], %mul3A_328 {add = true} : memref<313x128xf32, #tpu.memory_space<vmem>>[vector<16xi32>, vector<16xi32>], vector<16xf32>,
        %get3A_335 = arith.index_cast %scan3A_243 : i32 to index
        %get3A_336 = arith.constant 16 : index
        %get3A_337 = tpu.vector_load %arg10[%get3A_335, %get3A_336] {strides = array<i32>} : memref<16x128xi32, #tpu.memory_space<vmem>>, vector<16xi32>,
        %get3A_338 = arith.index_cast %scan3A_243 : i32 to index
        %get3A_339 = arith.constant 16 : index
        %get3A_340 = tpu.vector_load %arg12[%get3A_338, %get3A_339] {strides = array<i32>} : memref<16x128xi32, #tpu.memory_space<vmem>>, vector<16xi32>,
        %get3A_341 = arith.index_cast %scan3A_243 : i32 to index
        %get3A_342 = arith.constant 16 : index
        %get3A_343 = tpu.vector_load %arg14[%get3A_341, %get3A_342] {strides = array<i32>} : memref<16x128xf32, #tpu.memory_space<vmem>>, vector<16xf32>,
        %mul3A_344 = arith.constant 4 : i32
        %mul3A_345 = vector.broadcast %mul3A_344 : i32 to vector<16xi32>
        %mul3A_346 = arith.muli %get3A_337, %mul3A_345 : vector<16xi32>
        %mul3A_347 = arith.constant 4 : i32
        %mul3A_348 = vector.broadcast %mul3A_347 : i32 to vector<16xi32>
        %mul3A_349 = arith.muli %get3A_340, %mul3A_348 : vector<16xi32>
        %add3A_350 = arith.constant 0 : i32
        %add3A_351 = vector.broadcast %add3A_350 : i32 to vector<16xi32>
        %add3A_352 = arith.addi %mul3A_346, %add3A_351 : vector<16xi32>
        %add3A_353 = arith.constant 0 : i32
        %add3A_354 = vector.broadcast %add3A_353 : i32 to vector<16xi32>
        %add3A_355 = arith.addi %mul3A_349, %add3A_354 : vector<16xi32>
        %shift_right_logical3A_356 = arith.constant 7 : i32
        %shift_right_logical3A_357 = vector.broadcast %shift_right_logical3A_356 : i32 to vector<16xi32>
        %shift_right_logical3A_358 = arith.shrui %add3A_352, %shift_right_logical3A_357 : vector<16xi32>
        %and3A_359 = arith.constant 127 : i32
        %and3A_360 = vector.broadcast %and3A_359 : i32 to vector<16xi32>
        %and3A_361 = arith.andi %add3A_352, %and3A_360 : vector<16xi32>
        %gather3A_362 = tpu.vector_load_idx %arg7[%shift_right_logical3A_358, %and3A_361] : memref<313x128xf32, #tpu.memory_space<vmem>>[vector<16xi32>, vector<16xi32>], vector<16xf32>,
        %mul3A_363 = arith.mulf %gather3A_362, %get3A_343 : vector<16xf32>
        %shift_right_logical3A_364 = arith.constant 7 : i32
        %shift_right_logical3A_365 = vector.broadcast %shift_right_logical3A_364 : i32 to vector<16xi32>
        %shift_right_logical3A_366 = arith.shrui %add3A_355, %shift_right_logical3A_365 : vector<16xi32>
        %and3A_367 = arith.constant 127 : i32
        %and3A_368 = vector.broadcast %and3A_367 : i32 to vector<16xi32>
        %and3A_369 = arith.andi %add3A_355, %and3A_368 : vector<16xi32>
        tpu.vector_store_idx %arg8[%shift_right_logical3A_366, %and3A_369], %mul3A_363 {add = true} : memref<313x128xf32, #tpu.memory_space<vmem>>[vector<16xi32>, vector<16xi32>], vector<16xf32>,
        %add3A_370 = arith.constant 1 : i32
        %add3A_371 = vector.broadcast %add3A_370 : i32 to vector<16xi32>
        %add3A_372 = arith.addi %mul3A_346, %add3A_371 : vector<16xi32>
        %add3A_373 = arith.constant 1 : i32
        %add3A_374 = vector.broadcast %add3A_373 : i32 to vector<16xi32>
        %add3A_375 = arith.addi %mul3A_349, %add3A_374 : vector<16xi32>
        %shift_right_logical3A_376 = arith.constant 7 : i32
        %shift_right_logical3A_377 = vector.broadcast %shift_right_logical3A_376 : i32 to vector<16xi32>
        %shift_right_logical3A_378 = arith.shrui %add3A_372, %shift_right_logical3A_377 : vector<16xi32>
        %and3A_379 = arith.constant 127 : i32
        %and3A_380 = vector.broadcast %and3A_379 : i32 to vector<16xi32>
        %and3A_381 = arith.andi %add3A_372, %and3A_380 : vector<16xi32>
        %gather3A_382 = tpu.vector_load_idx %arg7[%shift_right_logical3A_378, %and3A_381] : memref<313x128xf32, #tpu.memory_space<vmem>>[vector<16xi32>, vector<16xi32>], vector<16xf32>,
        %mul3A_383 = arith.mulf %gather3A_382, %get3A_343 : vector<16xf32>
        %shift_right_logical3A_384 = arith.constant 7 : i32
        %shift_right_logical3A_385 = vector.broadcast %shift_right_logical3A_384 : i32 to vector<16xi32>
        %shift_right_logical3A_386 = arith.shrui %add3A_375, %shift_right_logical3A_385 : vector<16xi32>
        %and3A_387 = arith.constant 127 : i32
        %and3A_388 = vector.broadcast %and3A_387 : i32 to vector<16xi32>
        %and3A_389 = arith.andi %add3A_375, %and3A_388 : vector<16xi32>
        tpu.vector_store_idx %arg8[%shift_right_logical3A_386, %and3A_389], %mul3A_383 {add = true} : memref<313x128xf32, #tpu.memory_space<vmem>>[vector<16xi32>, vector<16xi32>], vector<16xf32>,
        %add3A_390 = arith.constant 2 : i32
        %add3A_391 = vector.broadcast %add3A_390 : i32 to vector<16xi32>
        %add3A_392 = arith.addi %mul3A_346, %add3A_391 : vector<16xi32>
        %add3A_393 = arith.constant 2 : i32
        %add3A_394 = vector.broadcast %add3A_393 : i32 to vector<16xi32>
        %add3A_395 = arith.addi %mul3A_349, %add3A_394 : vector<16xi32>
        %shift_right_logical3A_396 = arith.constant 7 : i32
        %shift_right_logical3A_397 = vector.broadcast %shift_right_logical3A_396 : i32 to vector<16xi32>
        %shift_right_logical3A_398 = arith.shrui %add3A_392, %shift_right_logical3A_397 : vector<16xi32>
        %and3A_399 = arith.constant 127 : i32
        %and3A_400 = vector.broadcast %and3A_399 : i32 to vector<16xi32>
        %and3A_401 = arith.andi %add3A_392, %and3A_400 : vector<16xi32>
        %gather3A_402 = tpu.vector_load_idx %arg7[%shift_right_logical3A_398, %and3A_401] : memref<313x128xf32, #tpu.memory_space<vmem>>[vector<16xi32>, vector<16xi32>], vector<16xf32>,
        %mul3A_403 = arith.mulf %gather3A_402, %get3A_343 : vector<16xf32>
        %shift_right_logical3A_404 = arith.constant 7 : i32
        %shift_right_logical3A_405 = vector.broadcast %shift_right_logical3A_404 : i32 to vector<16xi32>
        %shift_right_logical3A_406 = arith.shrui %add3A_395, %shift_right_logical3A_405 : vector<16xi32>
        %and3A_407 = arith.constant 127 : i32
        %and3A_408 = vector.broadcast %and3A_407 : i32 to vector<16xi32>
        %and3A_409 = arith.andi %add3A_395, %and3A_408 : vector<16xi32>
        tpu.vector_store_idx %arg8[%shift_right_logical3A_406, %and3A_409], %mul3A_403 {add = true} : memref<313x128xf32, #tpu.memory_space<vmem>>[vector<16xi32>, vector<16xi32>], vector<16xf32>,
        %add3A_410 = arith.constant 3 : i32
        %add3A_411 = vector.broadcast %add3A_410 : i32 to vector<16xi32>
        %add3A_412 = arith.addi %mul3A_346, %add3A_411 : vector<16xi32>
        %add3A_413 = arith.constant 3 : i32
        %add3A_414 = vector.broadcast %add3A_413 : i32 to vector<16xi32>
        %add3A_415 = arith.addi %mul3A_349, %add3A_414 : vector<16xi32>
        %shift_right_logical3A_416 = arith.constant 7 : i32
        %shift_right_logical3A_417 = vector.broadcast %shift_right_logical3A_416 : i32 to vector<16xi32>
        %shift_right_logical3A_418 = arith.shrui %add3A_412, %shift_right_logical3A_417 : vector<16xi32>
        %and3A_419 = arith.constant 127 : i32
        %and3A_420 = vector.broadcast %and3A_419 : i32 to vector<16xi32>
        %and3A_421 = arith.andi %add3A_412, %and3A_420 : vector<16xi32>
        %gather3A_422 = tpu.vector_load_idx %arg7[%shift_right_logical3A_418, %and3A_421] : memref<313x128xf32, #tpu.memory_space<vmem>>[vector<16xi32>, vector<16xi32>], vector<16xf32>,
        %mul3A_423 = arith.mulf %gather3A_422, %get3A_343 : vector<16xf32>
        %shift_right_logical3A_424 = arith.constant 7 : i32
        %shift_right_logical3A_425 = vector.broadcast %shift_right_logical3A_424 : i32 to vector<16xi32>
        %shift_right_logical3A_426 = arith.shrui %add3A_415, %shift_right_logical3A_425 : vector<16xi32>
        %and3A_427 = arith.constant 127 : i32
        %and3A_428 = vector.broadcast %and3A_427 : i32 to vector<16xi32>
        %and3A_429 = arith.andi %add3A_415, %and3A_428 : vector<16xi32>
        tpu.vector_store_idx %arg8[%shift_right_logical3A_426, %and3A_429], %mul3A_423 {add = true} : memref<313x128xf32, #tpu.memory_space<vmem>>[vector<16xi32>, vector<16xi32>], vector<16xf32>,
        %get3A_430 = arith.index_cast %scan3A_243 : i32 to index
        %get3A_431 = arith.constant 32 : index
        %get3A_432 = tpu.vector_load %arg10[%get3A_430, %get3A_431] {strides = array<i32>} : memref<16x128xi32, #tpu.memory_space<vmem>>, vector<16xi32>,
        %get3A_433 = arith.index_cast %scan3A_243 : i32 to index
        %get3A_434 = arith.constant 32 : index
        %get3A_435 = tpu.vector_load %arg12[%get3A_433, %get3A_434] {strides = array<i32>} : memref<16x128xi32, #tpu.memory_space<vmem>>, vector<16xi32>,
        %get3A_436 = arith.index_cast %scan3A_243 : i32 to index
        %get3A_437 = arith.constant 32 : index
        %get3A_438 = tpu.vector_load %arg14[%get3A_436, %get3A_437] {strides = array<i32>} : memref<16x128xf32, #tpu.memory_space<vmem>>, vector<16xf32>,
        %mul3A_439 = arith.constant 4 : i32
        %mul3A_440 = vector.broadcast %mul3A_439 : i32 to vector<16xi32>
        %mul3A_441 = arith.muli %get3A_432, %mul3A_440 : vector<16xi32>
        %mul3A_442 = arith.constant 4 : i32
        %mul3A_443 = vector.broadcast %mul3A_442 : i32 to vector<16xi32>
        %mul3A_444 = arith.muli %get3A_435, %mul3A_443 : vector<16xi32>
        %add3A_445 = arith.constant 0 : i32
        %add3A_446 = vector.broadcast %add3A_445 : i32 to vector<16xi32>
        %add3A_447 = arith.addi %mul3A_441, %add3A_446 : vector<16xi32>
        %add3A_448 = arith.constant 0 : i32
        %add3A_449 = vector.broadcast %add3A_448 : i32 to vector<16xi32>
        %add3A_450 = arith.addi %mul3A_444, %add3A_449 : vector<16xi32>
        %shift_right_logical3A_451 = arith.constant 7 : i32
        %shift_right_logical3A_452 = vector.broadcast %shift_right_logical3A_451 : i32 to vector<16xi32>
        %shift_right_logical3A_453 = arith.shrui %add3A_447, %shift_right_logical3A_452 : vector<16xi32>
        %and3A_454 = arith.constant 127 : i32
        %and3A_455 = vector.broadcast %and3A_454 : i32 to vector<16xi32>
        %and3A_456 = arith.andi %add3A_447, %and3A_455 : vector<16xi32>
        %gather3A_457 = tpu.vector_load_idx %arg7[%shift_right_logical3A_453, %and3A_456] : memref<313x128xf32, #tpu.memory_space<vmem>>[vector<16xi32>, vector<16xi32>], vector<16xf32>,
        %mul3A_458 = arith.mulf %gather3A_457, %get3A_438 : vector<16xf32>
        %shift_right_logical3A_459 = arith.constant 7 : i32
        %shift_right_logical3A_460 = vector.broadcast %shift_right_logical3A_459 : i32 to vector<16xi32>
        %shift_right_logical3A_461 = arith.shrui %add3A_450, %shift_right_logical3A_460 : vector<16xi32>
        %and3A_462 = arith.constant 127 : i32
        %and3A_463 = vector.broadcast %and3A_462 : i32 to vector<16xi32>
        %and3A_464 = arith.andi %add3A_450, %and3A_463 : vector<16xi32>
        tpu.vector_store_idx %arg8[%shift_right_logical3A_461, %and3A_464], %mul3A_458 {add = true} : memref<313x128xf32, #tpu.memory_space<vmem>>[vector<16xi32>, vector<16xi32>], vector<16xf32>,
        %add3A_465 = arith.constant 1 : i32
        %add3A_466 = vector.broadcast %add3A_465 : i32 to vector<16xi32>
        %add3A_467 = arith.addi %mul3A_441, %add3A_466 : vector<16xi32>
        %add3A_468 = arith.constant 1 : i32
        %add3A_469 = vector.broadcast %add3A_468 : i32 to vector<16xi32>
        %add3A_470 = arith.addi %mul3A_444, %add3A_469 : vector<16xi32>
        %shift_right_logical3A_471 = arith.constant 7 : i32
        %shift_right_logical3A_472 = vector.broadcast %shift_right_logical3A_471 : i32 to vector<16xi32>
        %shift_right_logical3A_473 = arith.shrui %add3A_467, %shift_right_logical3A_472 : vector<16xi32>
        %and3A_474 = arith.constant 127 : i32
        %and3A_475 = vector.broadcast %and3A_474 : i32 to vector<16xi32>
        %and3A_476 = arith.andi %add3A_467, %and3A_475 : vector<16xi32>
        %gather3A_477 = tpu.vector_load_idx %arg7[%shift_right_logical3A_473, %and3A_476] : memref<313x128xf32, #tpu.memory_space<vmem>>[vector<16xi32>, vector<16xi32>], vector<16xf32>,
        %mul3A_478 = arith.mulf %gather3A_477, %get3A_438 : vector<16xf32>
        %shift_right_logical3A_479 = arith.constant 7 : i32
        %shift_right_logical3A_480 = vector.broadcast %shift_right_logical3A_479 : i32 to vector<16xi32>
        %shift_right_logical3A_481 = arith.shrui %add3A_470, %shift_right_logical3A_480 : vector<16xi32>
        %and3A_482 = arith.constant 127 : i32
        %and3A_483 = vector.broadcast %and3A_482 : i32 to vector<16xi32>
        %and3A_484 = arith.andi %add3A_470, %and3A_483 : vector<16xi32>
        tpu.vector_store_idx %arg8[%shift_right_logical3A_481, %and3A_484], %mul3A_478 {add = true} : memref<313x128xf32, #tpu.memory_space<vmem>>[vector<16xi32>, vector<16xi32>], vector<16xf32>,
        %add3A_485 = arith.constant 2 : i32
        %add3A_486 = vector.broadcast %add3A_485 : i32 to vector<16xi32>
        %add3A_487 = arith.addi %mul3A_441, %add3A_486 : vector<16xi32>
        %add3A_488 = arith.constant 2 : i32
        %add3A_489 = vector.broadcast %add3A_488 : i32 to vector<16xi32>
        %add3A_490 = arith.addi %mul3A_444, %add3A_489 : vector<16xi32>
        %shift_right_logical3A_491 = arith.constant 7 : i32
        %shift_right_logical3A_492 = vector.broadcast %shift_right_logical3A_491 : i32 to vector<16xi32>
        %shift_right_logical3A_493 = arith.shrui %add3A_487, %shift_right_logical3A_492 : vector<16xi32>
        %and3A_494 = arith.constant 127 : i32
        %and3A_495 = vector.broadcast %and3A_494 : i32 to vector<16xi32>
        %and3A_496 = arith.andi %add3A_487, %and3A_495 : vector<16xi32>
        %gather3A_497 = tpu.vector_load_idx %arg7[%shift_right_logical3A_493, %and3A_496] : memref<313x128xf32, #tpu.memory_space<vmem>>[vector<16xi32>, vector<16xi32>], vector<16xf32>,
        %mul3A_498 = arith.mulf %gather3A_497, %get3A_438 : vector<16xf32>
        %shift_right_logical3A_499 = arith.constant 7 : i32
        %shift_right_logical3A_500 = vector.broadcast %shift_right_logical3A_499 : i32 to vector<16xi32>
        %shift_right_logical3A_501 = arith.shrui %add3A_490, %shift_right_logical3A_500 : vector<16xi32>
        %and3A_502 = arith.constant 127 : i32
        %and3A_503 = vector.broadcast %and3A_502 : i32 to vector<16xi32>
        %and3A_504 = arith.andi %add3A_490, %and3A_503 : vector<16xi32>
        tpu.vector_store_idx %arg8[%shift_right_logical3A_501, %and3A_504], %mul3A_498 {add = true} : memref<313x128xf32, #tpu.memory_space<vmem>>[vector<16xi32>, vector<16xi32>], vector<16xf32>,
        %add3A_505 = arith.constant 3 : i32
        %add3A_506 = vector.broadcast %add3A_505 : i32 to vector<16xi32>
        %add3A_507 = arith.addi %mul3A_441, %add3A_506 : vector<16xi32>
        %add3A_508 = arith.constant 3 : i32
        %add3A_509 = vector.broadcast %add3A_508 : i32 to vector<16xi32>
        %add3A_510 = arith.addi %mul3A_444, %add3A_509 : vector<16xi32>
        %shift_right_logical3A_511 = arith.constant 7 : i32
        %shift_right_logical3A_512 = vector.broadcast %shift_right_logical3A_511 : i32 to vector<16xi32>
        %shift_right_logical3A_513 = arith.shrui %add3A_507, %shift_right_logical3A_512 : vector<16xi32>
        %and3A_514 = arith.constant 127 : i32
        %and3A_515 = vector.broadcast %and3A_514 : i32 to vector<16xi32>
        %and3A_516 = arith.andi %add3A_507, %and3A_515 : vector<16xi32>
        %gather3A_517 = tpu.vector_load_idx %arg7[%shift_right_logical3A_513, %and3A_516] : memref<313x128xf32, #tpu.memory_space<vmem>>[vector<16xi32>, vector<16xi32>], vector<16xf32>,
        %mul3A_518 = arith.mulf %gather3A_517, %get3A_438 : vector<16xf32>
        %shift_right_logical3A_519 = arith.constant 7 : i32
        %shift_right_logical3A_520 = vector.broadcast %shift_right_logical3A_519 : i32 to vector<16xi32>
        %shift_right_logical3A_521 = arith.shrui %add3A_510, %shift_right_logical3A_520 : vector<16xi32>
        %and3A_522 = arith.constant 127 : i32
        %and3A_523 = vector.broadcast %and3A_522 : i32 to vector<16xi32>
        %and3A_524 = arith.andi %add3A_510, %and3A_523 : vector<16xi32>
        tpu.vector_store_idx %arg8[%shift_right_logical3A_521, %and3A_524], %mul3A_518 {add = true} : memref<313x128xf32, #tpu.memory_space<vmem>>[vector<16xi32>, vector<16xi32>], vector<16xf32>,
        %get3A_525 = arith.index_cast %scan3A_243 : i32 to index
        %get3A_526 = arith.constant 48 : index
        %get3A_527 = tpu.vector_load %arg10[%get3A_525, %get3A_526] {strides = array<i32>} : memref<16x128xi32, #tpu.memory_space<vmem>>, vector<16xi32>,
        %get3A_528 = arith.index_cast %scan3A_243 : i32 to index
        %get3A_529 = arith.constant 48 : index
        %get3A_530 = tpu.vector_load %arg12[%get3A_528, %get3A_529] {strides = array<i32>} : memref<16x128xi32, #tpu.memory_space<vmem>>, vector<16xi32>,
        %get3A_531 = arith.index_cast %scan3A_243 : i32 to index
        %get3A_532 = arith.constant 48 : index
        %get3A_533 = tpu.vector_load %arg14[%get3A_531, %get3A_532] {strides = array<i32>} : memref<16x128xf32, #tpu.memory_space<vmem>>, vector<16xf32>,
        %mul3A_534 = arith.constant 4 : i32
        %mul3A_535 = vector.broadcast %mul3A_534 : i32 to vector<16xi32>
        %mul3A_536 = arith.muli %get3A_527, %mul3A_535 : vector<16xi32>
        %mul3A_537 = arith.constant 4 : i32
        %mul3A_538 = vector.broadcast %mul3A_537 : i32 to vector<16xi32>
        %mul3A_539 = arith.muli %get3A_530, %mul3A_538 : vector<16xi32>
        %add3A_540 = arith.constant 0 : i32
        %add3A_541 = vector.broadcast %add3A_540 : i32 to vector<16xi32>
        %add3A_542 = arith.addi %mul3A_536, %add3A_541 : vector<16xi32>
        %add3A_543 = arith.constant 0 : i32
        %add3A_544 = vector.broadcast %add3A_543 : i32 to vector<16xi32>
        %add3A_545 = arith.addi %mul3A_539, %add3A_544 : vector<16xi32>
        %shift_right_logical3A_546 = arith.constant 7 : i32
        %shift_right_logical3A_547 = vector.broadcast %shift_right_logical3A_546 : i32 to vector<16xi32>
        %shift_right_logical3A_548 = arith.shrui %add3A_542, %shift_right_logical3A_547 : vector<16xi32>
        %and3A_549 = arith.constant 127 : i32
        %and3A_550 = vector.broadcast %and3A_549 : i32 to vector<16xi32>
        %and3A_551 = arith.andi %add3A_542, %and3A_550 : vector<16xi32>
        %gather3A_552 = tpu.vector_load_idx %arg7[%shift_right_logical3A_548, %and3A_551] : memref<313x128xf32, #tpu.memory_space<vmem>>[vector<16xi32>, vector<16xi32>], vector<16xf32>,
        %mul3A_553 = arith.mulf %gather3A_552, %get3A_533 : vector<16xf32>
        %shift_right_logical3A_554 = arith.constant 7 : i32
        %shift_right_logical3A_555 = vector.broadcast %shift_right_logical3A_554 : i32 to vector<16xi32>
        %shift_right_logical3A_556 = arith.shrui %add3A_545, %shift_right_logical3A_555 : vector<16xi32>
        %and3A_557 = arith.constant 127 : i32
        %and3A_558 = vector.broadcast %and3A_557 : i32 to vector<16xi32>
        %and3A_559 = arith.andi %add3A_545, %and3A_558 : vector<16xi32>
        tpu.vector_store_idx %arg8[%shift_right_logical3A_556, %and3A_559], %mul3A_553 {add = true} : memref<313x128xf32, #tpu.memory_space<vmem>>[vector<16xi32>, vector<16xi32>], vector<16xf32>,
        %add3A_560 = arith.constant 1 : i32
        %add3A_561 = vector.broadcast %add3A_560 : i32 to vector<16xi32>
        %add3A_562 = arith.addi %mul3A_536, %add3A_561 : vector<16xi32>
        %add3A_563 = arith.constant 1 : i32
        %add3A_564 = vector.broadcast %add3A_563 : i32 to vector<16xi32>
        %add3A_565 = arith.addi %mul3A_539, %add3A_564 : vector<16xi32>
        %shift_right_logical3A_566 = arith.constant 7 : i32
        %shift_right_logical3A_567 = vector.broadcast %shift_right_logical3A_566 : i32 to vector<16xi32>
        %shift_right_logical3A_568 = arith.shrui %add3A_562, %shift_right_logical3A_567 : vector<16xi32>
        %and3A_569 = arith.constant 127 : i32
        %and3A_570 = vector.broadcast %and3A_569 : i32 to vector<16xi32>
        %and3A_571 = arith.andi %add3A_562, %and3A_570 : vector<16xi32>
        %gather3A_572 = tpu.vector_load_idx %arg7[%shift_right_logical3A_568, %and3A_571] : memref<313x128xf32, #tpu.memory_space<vmem>>[vector<16xi32>, vector<16xi32>], vector<16xf32>,
        %mul3A_573 = arith.mulf %gather3A_572, %get3A_533 : vector<16xf32>
        %shift_right_logical3A_574 = arith.constant 7 : i32
        %shift_right_logical3A_575 = vector.broadcast %shift_right_logical3A_574 : i32 to vector<16xi32>
        %shift_right_logical3A_576 = arith.shrui %add3A_565, %shift_right_logical3A_575 : vector<16xi32>
        %and3A_577 = arith.constant 127 : i32
        %and3A_578 = vector.broadcast %and3A_577 : i32 to vector<16xi32>
        %and3A_579 = arith.andi %add3A_565, %and3A_578 : vector<16xi32>
        tpu.vector_store_idx %arg8[%shift_right_logical3A_576, %and3A_579], %mul3A_573 {add = true} : memref<313x128xf32, #tpu.memory_space<vmem>>[vector<16xi32>, vector<16xi32>], vector<16xf32>,
        %add3A_580 = arith.constant 2 : i32
        %add3A_581 = vector.broadcast %add3A_580 : i32 to vector<16xi32>
        %add3A_582 = arith.addi %mul3A_536, %add3A_581 : vector<16xi32>
        %add3A_583 = arith.constant 2 : i32
        %add3A_584 = vector.broadcast %add3A_583 : i32 to vector<16xi32>
        %add3A_585 = arith.addi %mul3A_539, %add3A_584 : vector<16xi32>
        %shift_right_logical3A_586 = arith.constant 7 : i32
        %shift_right_logical3A_587 = vector.broadcast %shift_right_logical3A_586 : i32 to vector<16xi32>
        %shift_right_logical3A_588 = arith.shrui %add3A_582, %shift_right_logical3A_587 : vector<16xi32>
        %and3A_589 = arith.constant 127 : i32
        %and3A_590 = vector.broadcast %and3A_589 : i32 to vector<16xi32>
        %and3A_591 = arith.andi %add3A_582, %and3A_590 : vector<16xi32>
        %gather3A_592 = tpu.vector_load_idx %arg7[%shift_right_logical3A_588, %and3A_591] : memref<313x128xf32, #tpu.memory_space<vmem>>[vector<16xi32>, vector<16xi32>], vector<16xf32>,
        %mul3A_593 = arith.mulf %gather3A_592, %get3A_533 : vector<16xf32>
        %shift_right_logical3A_594 = arith.constant 7 : i32
        %shift_right_logical3A_595 = vector.broadcast %shift_right_logical3A_594 : i32 to vector<16xi32>
        %shift_right_logical3A_596 = arith.shrui %add3A_585, %shift_right_logical3A_595 : vector<16xi32>
        %and3A_597 = arith.constant 127 : i32
        %and3A_598 = vector.broadcast %and3A_597 : i32 to vector<16xi32>
        %and3A_599 = arith.andi %add3A_585, %and3A_598 : vector<16xi32>
        tpu.vector_store_idx %arg8[%shift_right_logical3A_596, %and3A_599], %mul3A_593 {add = true} : memref<313x128xf32, #tpu.memory_space<vmem>>[vector<16xi32>, vector<16xi32>], vector<16xf32>,
        %add3A_600 = arith.constant 3 : i32
        %add3A_601 = vector.broadcast %add3A_600 : i32 to vector<16xi32>
        %add3A_602 = arith.addi %mul3A_536, %add3A_601 : vector<16xi32>
        %add3A_603 = arith.constant 3 : i32
        %add3A_604 = vector.broadcast %add3A_603 : i32 to vector<16xi32>
        %add3A_605 = arith.addi %mul3A_539, %add3A_604 : vector<16xi32>
        %shift_right_logical3A_606 = arith.constant 7 : i32
        %shift_right_logical3A_607 = vector.broadcast %shift_right_logical3A_606 : i32 to vector<16xi32>
        %shift_right_logical3A_608 = arith.shrui %add3A_602, %shift_right_logical3A_607 : vector<16xi32>
        %and3A_609 = arith.constant 127 : i32
        %and3A_610 = vector.broadcast %and3A_609 : i32 to vector<16xi32>
        %and3A_611 = arith.andi %add3A_602, %and3A_610 : vector<16xi32>
        %gather3A_612 = tpu.vector_load_idx %arg7[%shift_right_logical3A_608, %and3A_611] : memref<313x128xf32, #tpu.memory_space<vmem>>[vector<16xi32>, vector<16xi32>], vector<16xf32>,
        %mul3A_613 = arith.mulf %gather3A_612, %get3A_533 : vector<16xf32>
        %shift_right_logical3A_614 = arith.constant 7 : i32
        %shift_right_logical3A_615 = vector.broadcast %shift_right_logical3A_614 : i32 to vector<16xi32>
        %shift_right_logical3A_616 = arith.shrui %add3A_605, %shift_right_logical3A_615 : vector<16xi32>
        %and3A_617 = arith.constant 127 : i32
        %and3A_618 = vector.broadcast %and3A_617 : i32 to vector<16xi32>
        %and3A_619 = arith.andi %add3A_605, %and3A_618 : vector<16xi32>
        tpu.vector_store_idx %arg8[%shift_right_logical3A_616, %and3A_619], %mul3A_613 {add = true} : memref<313x128xf32, #tpu.memory_space<vmem>>[vector<16xi32>, vector<16xi32>], vector<16xf32>,
        %get3A_620 = arith.index_cast %scan3A_243 : i32 to index
        %get3A_621 = arith.constant 64 : index
        %get3A_622 = tpu.vector_load %arg10[%get3A_620, %get3A_621] {strides = array<i32>} : memref<16x128xi32, #tpu.memory_space<vmem>>, vector<16xi32>,
        %get3A_623 = arith.index_cast %scan3A_243 : i32 to index
        %get3A_624 = arith.constant 64 : index
        %get3A_625 = tpu.vector_load %arg12[%get3A_623, %get3A_624] {strides = array<i32>} : memref<16x128xi32, #tpu.memory_space<vmem>>, vector<16xi32>,
        %get3A_626 = arith.index_cast %scan3A_243 : i32 to index
        %get3A_627 = arith.constant 64 : index
        %get3A_628 = tpu.vector_load %arg14[%get3A_626, %get3A_627] {strides = array<i32>} : memref<16x128xf32, #tpu.memory_space<vmem>>, vector<16xf32>,
        %mul3A_629 = arith.constant 4 : i32
        %mul3A_630 = vector.broadcast %mul3A_629 : i32 to vector<16xi32>
        %mul3A_631 = arith.muli %get3A_622, %mul3A_630 : vector<16xi32>
        %mul3A_632 = arith.constant 4 : i32
        %mul3A_633 = vector.broadcast %mul3A_632 : i32 to vector<16xi32>
        %mul3A_634 = arith.muli %get3A_625, %mul3A_633 : vector<16xi32>
        %add3A_635 = arith.constant 0 : i32
        %add3A_636 = vector.broadcast %add3A_635 : i32 to vector<16xi32>
        %add3A_637 = arith.addi %mul3A_631, %add3A_636 : vector<16xi32>
        %add3A_638 = arith.constant 0 : i32
        %add3A_639 = vector.broadcast %add3A_638 : i32 to vector<16xi32>
        %add3A_640 = arith.addi %mul3A_634, %add3A_639 : vector<16xi32>
        %shift_right_logical3A_641 = arith.constant 7 : i32
        %shift_right_logical3A_642 = vector.broadcast %shift_right_logical3A_641 : i32 to vector<16xi32>
        %shift_right_logical3A_643 = arith.shrui %add3A_637, %shift_right_logical3A_642 : vector<16xi32>
        %and3A_644 = arith.constant 127 : i32
        %and3A_645 = vector.broadcast %and3A_644 : i32 to vector<16xi32>
        %and3A_646 = arith.andi %add3A_637, %and3A_645 : vector<16xi32>
        %gather3A_647 = tpu.vector_load_idx %arg7[%shift_right_logical3A_643, %and3A_646] : memref<313x128xf32, #tpu.memory_space<vmem>>[vector<16xi32>, vector<16xi32>], vector<16xf32>,
        %mul3A_648 = arith.mulf %gather3A_647, %get3A_628 : vector<16xf32>
        %shift_right_logical3A_649 = arith.constant 7 : i32
        %shift_right_logical3A_650 = vector.broadcast %shift_right_logical3A_649 : i32 to vector<16xi32>
        %shift_right_logical3A_651 = arith.shrui %add3A_640, %shift_right_logical3A_650 : vector<16xi32>
        %and3A_652 = arith.constant 127 : i32
        %and3A_653 = vector.broadcast %and3A_652 : i32 to vector<16xi32>
        %and3A_654 = arith.andi %add3A_640, %and3A_653 : vector<16xi32>
        tpu.vector_store_idx %arg8[%shift_right_logical3A_651, %and3A_654], %mul3A_648 {add = true} : memref<313x128xf32, #tpu.memory_space<vmem>>[vector<16xi32>, vector<16xi32>], vector<16xf32>,
        %add3A_655 = arith.constant 1 : i32
        %add3A_656 = vector.broadcast %add3A_655 : i32 to vector<16xi32>
        %add3A_657 = arith.addi %mul3A_631, %add3A_656 : vector<16xi32>
        %add3A_658 = arith.constant 1 : i32
        %add3A_659 = vector.broadcast %add3A_658 : i32 to vector<16xi32>
        %add3A_660 = arith.addi %mul3A_634, %add3A_659 : vector<16xi32>
        %shift_right_logical3A_661 = arith.constant 7 : i32
        %shift_right_logical3A_662 = vector.broadcast %shift_right_logical3A_661 : i32 to vector<16xi32>
        %shift_right_logical3A_663 = arith.shrui %add3A_657, %shift_right_logical3A_662 : vector<16xi32>
        %and3A_664 = arith.constant 127 : i32
        %and3A_665 = vector.broadcast %and3A_664 : i32 to vector<16xi32>
        %and3A_666 = arith.andi %add3A_657, %and3A_665 : vector<16xi32>
        %gather3A_667 = tpu.vector_load_idx %arg7[%shift_right_logical3A_663, %and3A_666] : memref<313x128xf32, #tpu.memory_space<vmem>>[vector<16xi32>, vector<16xi32>], vector<16xf32>,
        %mul3A_668 = arith.mulf %gather3A_667, %get3A_628 : vector<16xf32>
        %shift_right_logical3A_669 = arith.constant 7 : i32
        %shift_right_logical3A_670 = vector.broadcast %shift_right_logical3A_669 : i32 to vector<16xi32>
        %shift_right_logical3A_671 = arith.shrui %add3A_660, %shift_right_logical3A_670 : vector<16xi32>
        %and3A_672 = arith.constant 127 : i32
        %and3A_673 = vector.broadcast %and3A_672 : i32 to vector<16xi32>
        %and3A_674 = arith.andi %add3A_660, %and3A_673 : vector<16xi32>
        tpu.vector_store_idx %arg8[%shift_right_logical3A_671, %and3A_674], %mul3A_668 {add = true} : memref<313x128xf32, #tpu.memory_space<vmem>>[vector<16xi32>, vector<16xi32>], vector<16xf32>,
        %add3A_675 = arith.constant 2 : i32
        %add3A_676 = vector.broadcast %add3A_675 : i32 to vector<16xi32>
        %add3A_677 = arith.addi %mul3A_631, %add3A_676 : vector<16xi32>
        %add3A_678 = arith.constant 2 : i32
        %add3A_679 = vector.broadcast %add3A_678 : i32 to vector<16xi32>
        %add3A_680 = arith.addi %mul3A_634, %add3A_679 : vector<16xi32>
        %shift_right_logical3A_681 = arith.constant 7 : i32
        %shift_right_logical3A_682 = vector.broadcast %shift_right_logical3A_681 : i32 to vector<16xi32>
        %shift_right_logical3A_683 = arith.shrui %add3A_677, %shift_right_logical3A_682 : vector<16xi32>
        %and3A_684 = arith.constant 127 : i32
        %and3A_685 = vector.broadcast %and3A_684 : i32 to vector<16xi32>
        %and3A_686 = arith.andi %add3A_677, %and3A_685 : vector<16xi32>
        %gather3A_687 = tpu.vector_load_idx %arg7[%shift_right_logical3A_683, %and3A_686] : memref<313x128xf32, #tpu.memory_space<vmem>>[vector<16xi32>, vector<16xi32>], vector<16xf32>,
        %mul3A_688 = arith.mulf %gather3A_687, %get3A_628 : vector<16xf32>
        %shift_right_logical3A_689 = arith.constant 7 : i32
        %shift_right_logical3A_690 = vector.broadcast %shift_right_logical3A_689 : i32 to vector<16xi32>
        %shift_right_logical3A_691 = arith.shrui %add3A_680, %shift_right_logical3A_690 : vector<16xi32>
        %and3A_692 = arith.constant 127 : i32
        %and3A_693 = vector.broadcast %and3A_692 : i32 to vector<16xi32>
        %and3A_694 = arith.andi %add3A_680, %and3A_693 : vector<16xi32>
        tpu.vector_store_idx %arg8[%shift_right_logical3A_691, %and3A_694], %mul3A_688 {add = true} : memref<313x128xf32, #tpu.memory_space<vmem>>[vector<16xi32>, vector<16xi32>], vector<16xf32>,
        %add3A_695 = arith.constant 3 : i32
        %add3A_696 = vector.broadcast %add3A_695 : i32 to vector<16xi32>
        %add3A_697 = arith.addi %mul3A_631, %add3A_696 : vector<16xi32>
        %add3A_698 = arith.constant 3 : i32
        %add3A_699 = vector.broadcast %add3A_698 : i32 to vector<16xi32>
        %add3A_700 = arith.addi %mul3A_634, %add3A_699 : vector<16xi32>
        %shift_right_logical3A_701 = arith.constant 7 : i32
        %shift_right_logical3A_702 = vector.broadcast %shift_right_logical3A_701 : i32 to vector<16xi32>
        %shift_right_logical3A_703 = arith.shrui %add3A_697, %shift_right_logical3A_702 : vector<16xi32>
        %and3A_704 = arith.constant 127 : i32
        %and3A_705 = vector.broadcast %and3A_704 : i32 to vector<16xi32>
        %and3A_706 = arith.andi %add3A_697, %and3A_705 : vector<16xi32>
        %gather3A_707 = tpu.vector_load_idx %arg7[%shift_right_logical3A_703, %and3A_706] : memref<313x128xf32, #tpu.memory_space<vmem>>[vector<16xi32>, vector<16xi32>], vector<16xf32>,
        %mul3A_708 = arith.mulf %gather3A_707, %get3A_628 : vector<16xf32>
        %shift_right_logical3A_709 = arith.constant 7 : i32
        %shift_right_logical3A_710 = vector.broadcast %shift_right_logical3A_709 : i32 to vector<16xi32>
        %shift_right_logical3A_711 = arith.shrui %add3A_700, %shift_right_logical3A_710 : vector<16xi32>
        %and3A_712 = arith.constant 127 : i32
        %and3A_713 = vector.broadcast %and3A_712 : i32 to vector<16xi32>
        %and3A_714 = arith.andi %add3A_700, %and3A_713 : vector<16xi32>
        tpu.vector_store_idx %arg8[%shift_right_logical3A_711, %and3A_714], %mul3A_708 {add = true} : memref<313x128xf32, #tpu.memory_space<vmem>>[vector<16xi32>, vector<16xi32>], vector<16xf32>,
        %get3A_715 = arith.index_cast %scan3A_243 : i32 to index
        %get3A_716 = arith.constant 80 : index
        %get3A_717 = tpu.vector_load %arg10[%get3A_715, %get3A_716] {strides = array<i32>} : memref<16x128xi32, #tpu.memory_space<vmem>>, vector<16xi32>,
        %get3A_718 = arith.index_cast %scan3A_243 : i32 to index
        %get3A_719 = arith.constant 80 : index
        %get3A_720 = tpu.vector_load %arg12[%get3A_718, %get3A_719] {strides = array<i32>} : memref<16x128xi32, #tpu.memory_space<vmem>>, vector<16xi32>,
        %get3A_721 = arith.index_cast %scan3A_243 : i32 to index
        %get3A_722 = arith.constant 80 : index
        %get3A_723 = tpu.vector_load %arg14[%get3A_721, %get3A_722] {strides = array<i32>} : memref<16x128xf32, #tpu.memory_space<vmem>>, vector<16xf32>,
        %mul3A_724 = arith.constant 4 : i32
        %mul3A_725 = vector.broadcast %mul3A_724 : i32 to vector<16xi32>
        %mul3A_726 = arith.muli %get3A_717, %mul3A_725 : vector<16xi32>
        %mul3A_727 = arith.constant 4 : i32
        %mul3A_728 = vector.broadcast %mul3A_727 : i32 to vector<16xi32>
        %mul3A_729 = arith.muli %get3A_720, %mul3A_728 : vector<16xi32>
        %add3A_730 = arith.constant 0 : i32
        %add3A_731 = vector.broadcast %add3A_730 : i32 to vector<16xi32>
        %add3A_732 = arith.addi %mul3A_726, %add3A_731 : vector<16xi32>
        %add3A_733 = arith.constant 0 : i32
        %add3A_734 = vector.broadcast %add3A_733 : i32 to vector<16xi32>
        %add3A_735 = arith.addi %mul3A_729, %add3A_734 : vector<16xi32>
        %shift_right_logical3A_736 = arith.constant 7 : i32
        %shift_right_logical3A_737 = vector.broadcast %shift_right_logical3A_736 : i32 to vector<16xi32>
        %shift_right_logical3A_738 = arith.shrui %add3A_732, %shift_right_logical3A_737 : vector<16xi32>
        %and3A_739 = arith.constant 127 : i32
        %and3A_740 = vector.broadcast %and3A_739 : i32 to vector<16xi32>
        %and3A_741 = arith.andi %add3A_732, %and3A_740 : vector<16xi32>
        %gather3A_742 = tpu.vector_load_idx %arg7[%shift_right_logical3A_738, %and3A_741] : memref<313x128xf32, #tpu.memory_space<vmem>>[vector<16xi32>, vector<16xi32>], vector<16xf32>,
        %mul3A_743 = arith.mulf %gather3A_742, %get3A_723 : vector<16xf32>
        %shift_right_logical3A_744 = arith.constant 7 : i32
        %shift_right_logical3A_745 = vector.broadcast %shift_right_logical3A_744 : i32 to vector<16xi32>
        %shift_right_logical3A_746 = arith.shrui %add3A_735, %shift_right_logical3A_745 : vector<16xi32>
        %and3A_747 = arith.constant 127 : i32
        %and3A_748 = vector.broadcast %and3A_747 : i32 to vector<16xi32>
        %and3A_749 = arith.andi %add3A_735, %and3A_748 : vector<16xi32>
        tpu.vector_store_idx %arg8[%shift_right_logical3A_746, %and3A_749], %mul3A_743 {add = true} : memref<313x128xf32, #tpu.memory_space<vmem>>[vector<16xi32>, vector<16xi32>], vector<16xf32>,
        %add3A_750 = arith.constant 1 : i32
        %add3A_751 = vector.broadcast %add3A_750 : i32 to vector<16xi32>
        %add3A_752 = arith.addi %mul3A_726, %add3A_751 : vector<16xi32>
        %add3A_753 = arith.constant 1 : i32
        %add3A_754 = vector.broadcast %add3A_753 : i32 to vector<16xi32>
        %add3A_755 = arith.addi %mul3A_729, %add3A_754 : vector<16xi32>
        %shift_right_logical3A_756 = arith.constant 7 : i32
        %shift_right_logical3A_757 = vector.broadcast %shift_right_logical3A_756 : i32 to vector<16xi32>
        %shift_right_logical3A_758 = arith.shrui %add3A_752, %shift_right_logical3A_757 : vector<16xi32>
        %and3A_759 = arith.constant 127 : i32
        %and3A_760 = vector.broadcast %and3A_759 : i32 to vector<16xi32>
        %and3A_761 = arith.andi %add3A_752, %and3A_760 : vector<16xi32>
        %gather3A_762 = tpu.vector_load_idx %arg7[%shift_right_logical3A_758, %and3A_761] : memref<313x128xf32, #tpu.memory_space<vmem>>[vector<16xi32>, vector<16xi32>], vector<16xf32>,
        %mul3A_763 = arith.mulf %gather3A_762, %get3A_723 : vector<16xf32>
        %shift_right_logical3A_764 = arith.constant 7 : i32
        %shift_right_logical3A_765 = vector.broadcast %shift_right_logical3A_764 : i32 to vector<16xi32>
        %shift_right_logical3A_766 = arith.shrui %add3A_755, %shift_right_logical3A_765 : vector<16xi32>
        %and3A_767 = arith.constant 127 : i32
        %and3A_768 = vector.broadcast %and3A_767 : i32 to vector<16xi32>
        %and3A_769 = arith.andi %add3A_755, %and3A_768 : vector<16xi32>
        tpu.vector_store_idx %arg8[%shift_right_logical3A_766, %and3A_769], %mul3A_763 {add = true} : memref<313x128xf32, #tpu.memory_space<vmem>>[vector<16xi32>, vector<16xi32>], vector<16xf32>,
        %add3A_770 = arith.constant 2 : i32
        %add3A_771 = vector.broadcast %add3A_770 : i32 to vector<16xi32>
        %add3A_772 = arith.addi %mul3A_726, %add3A_771 : vector<16xi32>
        %add3A_773 = arith.constant 2 : i32
        %add3A_774 = vector.broadcast %add3A_773 : i32 to vector<16xi32>
        %add3A_775 = arith.addi %mul3A_729, %add3A_774 : vector<16xi32>
        %shift_right_logical3A_776 = arith.constant 7 : i32
        %shift_right_logical3A_777 = vector.broadcast %shift_right_logical3A_776 : i32 to vector<16xi32>
        %shift_right_logical3A_778 = arith.shrui %add3A_772, %shift_right_logical3A_777 : vector<16xi32>
        %and3A_779 = arith.constant 127 : i32
        %and3A_780 = vector.broadcast %and3A_779 : i32 to vector<16xi32>
        %and3A_781 = arith.andi %add3A_772, %and3A_780 : vector<16xi32>
        %gather3A_782 = tpu.vector_load_idx %arg7[%shift_right_logical3A_778, %and3A_781] : memref<313x128xf32, #tpu.memory_space<vmem>>[vector<16xi32>, vector<16xi32>], vector<16xf32>,
        %mul3A_783 = arith.mulf %gather3A_782, %get3A_723 : vector<16xf32>
        %shift_right_logical3A_784 = arith.constant 7 : i32
        %shift_right_logical3A_785 = vector.broadcast %shift_right_logical3A_784 : i32 to vector<16xi32>
        %shift_right_logical3A_786 = arith.shrui %add3A_775, %shift_right_logical3A_785 : vector<16xi32>
        %and3A_787 = arith.constant 127 : i32
        %and3A_788 = vector.broadcast %and3A_787 : i32 to vector<16xi32>
        %and3A_789 = arith.andi %add3A_775, %and3A_788 : vector<16xi32>
        tpu.vector_store_idx %arg8[%shift_right_logical3A_786, %and3A_789], %mul3A_783 {add = true} : memref<313x128xf32, #tpu.memory_space<vmem>>[vector<16xi32>, vector<16xi32>], vector<16xf32>,
        %add3A_790 = arith.constant 3 : i32
        %add3A_791 = vector.broadcast %add3A_790 : i32 to vector<16xi32>
        %add3A_792 = arith.addi %mul3A_726, %add3A_791 : vector<16xi32>
        %add3A_793 = arith.constant 3 : i32
        %add3A_794 = vector.broadcast %add3A_793 : i32 to vector<16xi32>
        %add3A_795 = arith.addi %mul3A_729, %add3A_794 : vector<16xi32>
        %shift_right_logical3A_796 = arith.constant 7 : i32
        %shift_right_logical3A_797 = vector.broadcast %shift_right_logical3A_796 : i32 to vector<16xi32>
        %shift_right_logical3A_798 = arith.shrui %add3A_792, %shift_right_logical3A_797 : vector<16xi32>
        %and3A_799 = arith.constant 127 : i32
        %and3A_800 = vector.broadcast %and3A_799 : i32 to vector<16xi32>
        %and3A_801 = arith.andi %add3A_792, %and3A_800 : vector<16xi32>
        %gather3A_802 = tpu.vector_load_idx %arg7[%shift_right_logical3A_798, %and3A_801] : memref<313x128xf32, #tpu.memory_space<vmem>>[vector<16xi32>, vector<16xi32>], vector<16xf32>,
        %mul3A_803 = arith.mulf %gather3A_802, %get3A_723 : vector<16xf32>
        %shift_right_logical3A_804 = arith.constant 7 : i32
        %shift_right_logical3A_805 = vector.broadcast %shift_right_logical3A_804 : i32 to vector<16xi32>
        %shift_right_logical3A_806 = arith.shrui %add3A_795, %shift_right_logical3A_805 : vector<16xi32>
        %and3A_807 = arith.constant 127 : i32
        %and3A_808 = vector.broadcast %and3A_807 : i32 to vector<16xi32>
        %and3A_809 = arith.andi %add3A_795, %and3A_808 : vector<16xi32>
        tpu.vector_store_idx %arg8[%shift_right_logical3A_806, %and3A_809], %mul3A_803 {add = true} : memref<313x128xf32, #tpu.memory_space<vmem>>[vector<16xi32>, vector<16xi32>], vector<16xf32>,
        %get3A_810 = arith.index_cast %scan3A_243 : i32 to index
        %get3A_811 = arith.constant 96 : index
        %get3A_812 = tpu.vector_load %arg10[%get3A_810, %get3A_811] {strides = array<i32>} : memref<16x128xi32, #tpu.memory_space<vmem>>, vector<16xi32>,
        %get3A_813 = arith.index_cast %scan3A_243 : i32 to index
        %get3A_814 = arith.constant 96 : index
        %get3A_815 = tpu.vector_load %arg12[%get3A_813, %get3A_814] {strides = array<i32>} : memref<16x128xi32, #tpu.memory_space<vmem>>, vector<16xi32>,
        %get3A_816 = arith.index_cast %scan3A_243 : i32 to index
        %get3A_817 = arith.constant 96 : index
        %get3A_818 = tpu.vector_load %arg14[%get3A_816, %get3A_817] {strides = array<i32>} : memref<16x128xf32, #tpu.memory_space<vmem>>, vector<16xf32>,
        %mul3A_819 = arith.constant 4 : i32
        %mul3A_820 = vector.broadcast %mul3A_819 : i32 to vector<16xi32>
        %mul3A_821 = arith.muli %get3A_812, %mul3A_820 : vector<16xi32>
        %mul3A_822 = arith.constant 4 : i32
        %mul3A_823 = vector.broadcast %mul3A_822 : i32 to vector<16xi32>
        %mul3A_824 = arith.muli %get3A_815, %mul3A_823 : vector<16xi32>
        %add3A_825 = arith.constant 0 : i32
        %add3A_826 = vector.broadcast %add3A_825 : i32 to vector<16xi32>
        %add3A_827 = arith.addi %mul3A_821, %add3A_826 : vector<16xi32>
        %add3A_828 = arith.constant 0 : i32
        %add3A_829 = vector.broadcast %add3A_828 : i32 to vector<16xi32>
        %add3A_830 = arith.addi %mul3A_824, %add3A_829 : vector<16xi32>
        %shift_right_logical3A_831 = arith.constant 7 : i32
        %shift_right_logical3A_832 = vector.broadcast %shift_right_logical3A_831 : i32 to vector<16xi32>
        %shift_right_logical3A_833 = arith.shrui %add3A_827, %shift_right_logical3A_832 : vector<16xi32>
        %and3A_834 = arith.constant 127 : i32
        %and3A_835 = vector.broadcast %and3A_834 : i32 to vector<16xi32>
        %and3A_836 = arith.andi %add3A_827, %and3A_835 : vector<16xi32>
        %gather3A_837 = tpu.vector_load_idx %arg7[%shift_right_logical3A_833, %and3A_836] : memref<313x128xf32, #tpu.memory_space<vmem>>[vector<16xi32>, vector<16xi32>], vector<16xf32>,
        %mul3A_838 = arith.mulf %gather3A_837, %get3A_818 : vector<16xf32>
        %shift_right_logical3A_839 = arith.constant 7 : i32
        %shift_right_logical3A_840 = vector.broadcast %shift_right_logical3A_839 : i32 to vector<16xi32>
        %shift_right_logical3A_841 = arith.shrui %add3A_830, %shift_right_logical3A_840 : vector<16xi32>
        %and3A_842 = arith.constant 127 : i32
        %and3A_843 = vector.broadcast %and3A_842 : i32 to vector<16xi32>
        %and3A_844 = arith.andi %add3A_830, %and3A_843 : vector<16xi32>
        tpu.vector_store_idx %arg8[%shift_right_logical3A_841, %and3A_844], %mul3A_838 {add = true} : memref<313x128xf32, #tpu.memory_space<vmem>>[vector<16xi32>, vector<16xi32>], vector<16xf32>,
        %add3A_845 = arith.constant 1 : i32
        %add3A_846 = vector.broadcast %add3A_845 : i32 to vector<16xi32>
        %add3A_847 = arith.addi %mul3A_821, %add3A_846 : vector<16xi32>
        %add3A_848 = arith.constant 1 : i32
        %add3A_849 = vector.broadcast %add3A_848 : i32 to vector<16xi32>
        %add3A_850 = arith.addi %mul3A_824, %add3A_849 : vector<16xi32>
        %shift_right_logical3A_851 = arith.constant 7 : i32
        %shift_right_logical3A_852 = vector.broadcast %shift_right_logical3A_851 : i32 to vector<16xi32>
        %shift_right_logical3A_853 = arith.shrui %add3A_847, %shift_right_logical3A_852 : vector<16xi32>
        %and3A_854 = arith.constant 127 : i32
        %and3A_855 = vector.broadcast %and3A_854 : i32 to vector<16xi32>
        %and3A_856 = arith.andi %add3A_847, %and3A_855 : vector<16xi32>
        %gather3A_857 = tpu.vector_load_idx %arg7[%shift_right_logical3A_853, %and3A_856] : memref<313x128xf32, #tpu.memory_space<vmem>>[vector<16xi32>, vector<16xi32>], vector<16xf32>,
        %mul3A_858 = arith.mulf %gather3A_857, %get3A_818 : vector<16xf32>
        %shift_right_logical3A_859 = arith.constant 7 : i32
        %shift_right_logical3A_860 = vector.broadcast %shift_right_logical3A_859 : i32 to vector<16xi32>
        %shift_right_logical3A_861 = arith.shrui %add3A_850, %shift_right_logical3A_860 : vector<16xi32>
        %and3A_862 = arith.constant 127 : i32
        %and3A_863 = vector.broadcast %and3A_862 : i32 to vector<16xi32>
        %and3A_864 = arith.andi %add3A_850, %and3A_863 : vector<16xi32>
        tpu.vector_store_idx %arg8[%shift_right_logical3A_861, %and3A_864], %mul3A_858 {add = true} : memref<313x128xf32, #tpu.memory_space<vmem>>[vector<16xi32>, vector<16xi32>], vector<16xf32>,
        %add3A_865 = arith.constant 2 : i32
        %add3A_866 = vector.broadcast %add3A_865 : i32 to vector<16xi32>
        %add3A_867 = arith.addi %mul3A_821, %add3A_866 : vector<16xi32>
        %add3A_868 = arith.constant 2 : i32
        %add3A_869 = vector.broadcast %add3A_868 : i32 to vector<16xi32>
        %add3A_870 = arith.addi %mul3A_824, %add3A_869 : vector<16xi32>
        %shift_right_logical3A_871 = arith.constant 7 : i32
        %shift_right_logical3A_872 = vector.broadcast %shift_right_logical3A_871 : i32 to vector<16xi32>
        %shift_right_logical3A_873 = arith.shrui %add3A_867, %shift_right_logical3A_872 : vector<16xi32>
        %and3A_874 = arith.constant 127 : i32
        %and3A_875 = vector.broadcast %and3A_874 : i32 to vector<16xi32>
        %and3A_876 = arith.andi %add3A_867, %and3A_875 : vector<16xi32>
        %gather3A_877 = tpu.vector_load_idx %arg7[%shift_right_logical3A_873, %and3A_876] : memref<313x128xf32, #tpu.memory_space<vmem>>[vector<16xi32>, vector<16xi32>], vector<16xf32>,
        %mul3A_878 = arith.mulf %gather3A_877, %get3A_818 : vector<16xf32>
        %shift_right_logical3A_879 = arith.constant 7 : i32
        %shift_right_logical3A_880 = vector.broadcast %shift_right_logical3A_879 : i32 to vector<16xi32>
        %shift_right_logical3A_881 = arith.shrui %add3A_870, %shift_right_logical3A_880 : vector<16xi32>
        %and3A_882 = arith.constant 127 : i32
        %and3A_883 = vector.broadcast %and3A_882 : i32 to vector<16xi32>
        %and3A_884 = arith.andi %add3A_870, %and3A_883 : vector<16xi32>
        tpu.vector_store_idx %arg8[%shift_right_logical3A_881, %and3A_884], %mul3A_878 {add = true} : memref<313x128xf32, #tpu.memory_space<vmem>>[vector<16xi32>, vector<16xi32>], vector<16xf32>,
        %add3A_885 = arith.constant 3 : i32
        %add3A_886 = vector.broadcast %add3A_885 : i32 to vector<16xi32>
        %add3A_887 = arith.addi %mul3A_821, %add3A_886 : vector<16xi32>
        %add3A_888 = arith.constant 3 : i32
        %add3A_889 = vector.broadcast %add3A_888 : i32 to vector<16xi32>
        %add3A_890 = arith.addi %mul3A_824, %add3A_889 : vector<16xi32>
        %shift_right_logical3A_891 = arith.constant 7 : i32
        %shift_right_logical3A_892 = vector.broadcast %shift_right_logical3A_891 : i32 to vector<16xi32>
        %shift_right_logical3A_893 = arith.shrui %add3A_887, %shift_right_logical3A_892 : vector<16xi32>
        %and3A_894 = arith.constant 127 : i32
        %and3A_895 = vector.broadcast %and3A_894 : i32 to vector<16xi32>
        %and3A_896 = arith.andi %add3A_887, %and3A_895 : vector<16xi32>
        %gather3A_897 = tpu.vector_load_idx %arg7[%shift_right_logical3A_893, %and3A_896] : memref<313x128xf32, #tpu.memory_space<vmem>>[vector<16xi32>, vector<16xi32>], vector<16xf32>,
        %mul3A_898 = arith.mulf %gather3A_897, %get3A_818 : vector<16xf32>
        %shift_right_logical3A_899 = arith.constant 7 : i32
        %shift_right_logical3A_900 = vector.broadcast %shift_right_logical3A_899 : i32 to vector<16xi32>
        %shift_right_logical3A_901 = arith.shrui %add3A_890, %shift_right_logical3A_900 : vector<16xi32>
        %and3A_902 = arith.constant 127 : i32
        %and3A_903 = vector.broadcast %and3A_902 : i32 to vector<16xi32>
        %and3A_904 = arith.andi %add3A_890, %and3A_903 : vector<16xi32>
        tpu.vector_store_idx %arg8[%shift_right_logical3A_901, %and3A_904], %mul3A_898 {add = true} : memref<313x128xf32, #tpu.memory_space<vmem>>[vector<16xi32>, vector<16xi32>], vector<16xf32>,
        %get3A_905 = arith.index_cast %scan3A_243 : i32 to index
        %get3A_906 = arith.constant 112 : index
        %get3A_907 = tpu.vector_load %arg10[%get3A_905, %get3A_906] {strides = array<i32>} : memref<16x128xi32, #tpu.memory_space<vmem>>, vector<16xi32>,
        %get3A_908 = arith.index_cast %scan3A_243 : i32 to index
        %get3A_909 = arith.constant 112 : index
        %get3A_910 = tpu.vector_load %arg12[%get3A_908, %get3A_909] {strides = array<i32>} : memref<16x128xi32, #tpu.memory_space<vmem>>, vector<16xi32>,
        %get3A_911 = arith.index_cast %scan3A_243 : i32 to index
        %get3A_912 = arith.constant 112 : index
        %get3A_913 = tpu.vector_load %arg14[%get3A_911, %get3A_912] {strides = array<i32>} : memref<16x128xf32, #tpu.memory_space<vmem>>, vector<16xf32>,
        %mul3A_914 = arith.constant 4 : i32
        %mul3A_915 = vector.broadcast %mul3A_914 : i32 to vector<16xi32>
        %mul3A_916 = arith.muli %get3A_907, %mul3A_915 : vector<16xi32>
        %mul3A_917 = arith.constant 4 : i32
        %mul3A_918 = vector.broadcast %mul3A_917 : i32 to vector<16xi32>
        %mul3A_919 = arith.muli %get3A_910, %mul3A_918 : vector<16xi32>
        %add3A_920 = arith.constant 0 : i32
        %add3A_921 = vector.broadcast %add3A_920 : i32 to vector<16xi32>
        %add3A_922 = arith.addi %mul3A_916, %add3A_921 : vector<16xi32>
        %add3A_923 = arith.constant 0 : i32
        %add3A_924 = vector.broadcast %add3A_923 : i32 to vector<16xi32>
        %add3A_925 = arith.addi %mul3A_919, %add3A_924 : vector<16xi32>
        %shift_right_logical3A_926 = arith.constant 7 : i32
        %shift_right_logical3A_927 = vector.broadcast %shift_right_logical3A_926 : i32 to vector<16xi32>
        %shift_right_logical3A_928 = arith.shrui %add3A_922, %shift_right_logical3A_927 : vector<16xi32>
        %and3A_929 = arith.constant 127 : i32
        %and3A_930 = vector.broadcast %and3A_929 : i32 to vector<16xi32>
        %and3A_931 = arith.andi %add3A_922, %and3A_930 : vector<16xi32>
        %gather3A_932 = tpu.vector_load_idx %arg7[%shift_right_logical3A_928, %and3A_931] : memref<313x128xf32, #tpu.memory_space<vmem>>[vector<16xi32>, vector<16xi32>], vector<16xf32>,
        %mul3A_933 = arith.mulf %gather3A_932, %get3A_913 : vector<16xf32>
        %shift_right_logical3A_934 = arith.constant 7 : i32
        %shift_right_logical3A_935 = vector.broadcast %shift_right_logical3A_934 : i32 to vector<16xi32>
        %shift_right_logical3A_936 = arith.shrui %add3A_925, %shift_right_logical3A_935 : vector<16xi32>
        %and3A_937 = arith.constant 127 : i32
        %and3A_938 = vector.broadcast %and3A_937 : i32 to vector<16xi32>
        %and3A_939 = arith.andi %add3A_925, %and3A_938 : vector<16xi32>
        tpu.vector_store_idx %arg8[%shift_right_logical3A_936, %and3A_939], %mul3A_933 {add = true} : memref<313x128xf32, #tpu.memory_space<vmem>>[vector<16xi32>, vector<16xi32>], vector<16xf32>,
        %add3A_940 = arith.constant 1 : i32
        %add3A_941 = vector.broadcast %add3A_940 : i32 to vector<16xi32>
        %add3A_942 = arith.addi %mul3A_916, %add3A_941 : vector<16xi32>
        %add3A_943 = arith.constant 1 : i32
        %add3A_944 = vector.broadcast %add3A_943 : i32 to vector<16xi32>
        %add3A_945 = arith.addi %mul3A_919, %add3A_944 : vector<16xi32>
        %shift_right_logical3A_946 = arith.constant 7 : i32
        %shift_right_logical3A_947 = vector.broadcast %shift_right_logical3A_946 : i32 to vector<16xi32>
        %shift_right_logical3A_948 = arith.shrui %add3A_942, %shift_right_logical3A_947 : vector<16xi32>
        %and3A_949 = arith.constant 127 : i32
        %and3A_950 = vector.broadcast %and3A_949 : i32 to vector<16xi32>
        %and3A_951 = arith.andi %add3A_942, %and3A_950 : vector<16xi32>
        %gather3A_952 = tpu.vector_load_idx %arg7[%shift_right_logical3A_948, %and3A_951] : memref<313x128xf32, #tpu.memory_space<vmem>>[vector<16xi32>, vector<16xi32>], vector<16xf32>,
        %mul3A_953 = arith.mulf %gather3A_952, %get3A_913 : vector<16xf32>
        %shift_right_logical3A_954 = arith.constant 7 : i32
        %shift_right_logical3A_955 = vector.broadcast %shift_right_logical3A_954 : i32 to vector<16xi32>
        %shift_right_logical3A_956 = arith.shrui %add3A_945, %shift_right_logical3A_955 : vector<16xi32>
        %and3A_957 = arith.constant 127 : i32
        %and3A_958 = vector.broadcast %and3A_957 : i32 to vector<16xi32>
        %and3A_959 = arith.andi %add3A_945, %and3A_958 : vector<16xi32>
        tpu.vector_store_idx %arg8[%shift_right_logical3A_956, %and3A_959], %mul3A_953 {add = true} : memref<313x128xf32, #tpu.memory_space<vmem>>[vector<16xi32>, vector<16xi32>], vector<16xf32>,
        %add3A_960 = arith.constant 2 : i32
        %add3A_961 = vector.broadcast %add3A_960 : i32 to vector<16xi32>
        %add3A_962 = arith.addi %mul3A_916, %add3A_961 : vector<16xi32>
        %add3A_963 = arith.constant 2 : i32
        %add3A_964 = vector.broadcast %add3A_963 : i32 to vector<16xi32>
        %add3A_965 = arith.addi %mul3A_919, %add3A_964 : vector<16xi32>
        %shift_right_logical3A_966 = arith.constant 7 : i32
        %shift_right_logical3A_967 = vector.broadcast %shift_right_logical3A_966 : i32 to vector<16xi32>
        %shift_right_logical3A_968 = arith.shrui %add3A_962, %shift_right_logical3A_967 : vector<16xi32>
        %and3A_969 = arith.constant 127 : i32
        %and3A_970 = vector.broadcast %and3A_969 : i32 to vector<16xi32>
        %and3A_971 = arith.andi %add3A_962, %and3A_970 : vector<16xi32>
        %gather3A_972 = tpu.vector_load_idx %arg7[%shift_right_logical3A_968, %and3A_971] : memref<313x128xf32, #tpu.memory_space<vmem>>[vector<16xi32>, vector<16xi32>], vector<16xf32>,
        %mul3A_973 = arith.mulf %gather3A_972, %get3A_913 : vector<16xf32>
        %shift_right_logical3A_974 = arith.constant 7 : i32
        %shift_right_logical3A_975 = vector.broadcast %shift_right_logical3A_974 : i32 to vector<16xi32>
        %shift_right_logical3A_976 = arith.shrui %add3A_965, %shift_right_logical3A_975 : vector<16xi32>
        %and3A_977 = arith.constant 127 : i32
        %and3A_978 = vector.broadcast %and3A_977 : i32 to vector<16xi32>
        %and3A_979 = arith.andi %add3A_965, %and3A_978 : vector<16xi32>
        tpu.vector_store_idx %arg8[%shift_right_logical3A_976, %and3A_979], %mul3A_973 {add = true} : memref<313x128xf32, #tpu.memory_space<vmem>>[vector<16xi32>, vector<16xi32>], vector<16xf32>,
        %add3A_980 = arith.constant 3 : i32
        %add3A_981 = vector.broadcast %add3A_980 : i32 to vector<16xi32>
        %add3A_982 = arith.addi %mul3A_916, %add3A_981 : vector<16xi32>
        %add3A_983 = arith.constant 3 : i32
        %add3A_984 = vector.broadcast %add3A_983 : i32 to vector<16xi32>
        %add3A_985 = arith.addi %mul3A_919, %add3A_984 : vector<16xi32>
        %shift_right_logical3A_986 = arith.constant 7 : i32
        %shift_right_logical3A_987 = vector.broadcast %shift_right_logical3A_986 : i32 to vector<16xi32>
        %shift_right_logical3A_988 = arith.shrui %add3A_982, %shift_right_logical3A_987 : vector<16xi32>
        %and3A_989 = arith.constant 127 : i32
        %and3A_990 = vector.broadcast %and3A_989 : i32 to vector<16xi32>
        %and3A_991 = arith.andi %add3A_982, %and3A_990 : vector<16xi32>
        %gather3A_992 = tpu.vector_load_idx %arg7[%shift_right_logical3A_988, %and3A_991] : memref<313x128xf32, #tpu.memory_space<vmem>>[vector<16xi32>, vector<16xi32>], vector<16xf32>,
        %mul3A_993 = arith.mulf %gather3A_992, %get3A_913 : vector<16xf32>
        %shift_right_logical3A_994 = arith.constant 7 : i32
        %shift_right_logical3A_995 = vector.broadcast %shift_right_logical3A_994 : i32 to vector<16xi32>
        %shift_right_logical3A_996 = arith.shrui %add3A_985, %shift_right_logical3A_995 : vector<16xi32>
        %and3A_997 = arith.constant 127 : i32
        %and3A_998 = vector.broadcast %and3A_997 : i32 to vector<16xi32>
        %and3A_999 = arith.andi %add3A_985, %and3A_998 : vector<16xi32>
        tpu.vector_store_idx %arg8[%shift_right_logical3A_996, %and3A_999], %mul3A_993 {add = true} : memref<313x128xf32, #tpu.memory_space<vmem>>[vector<16xi32>, vector<16xi32>], vector<16xf32>,
      }
      %scan3A_212 = arith.constant 16 : i32
      %mul3A_213 = arith.constant 2 : i32
      %mul3A_214 = arith.muli %mul3A_213, %scan3A_118 : i32
      %add3A_215 = arith.constant 1 : i32
      %add3A_216 = arith.addi %mul3A_214, %add3A_215 : i32
      %add3A_217 = arith.constant 2 : i32
      %add3A_218 = arith.addi %add3A_216, %add3A_217 : i32
      %dma_start3A_219 = arith.constant 0 : i32
      %dma_start3A_220 = arith.constant 0 : i32
      %dma_start3A_221 = tpu.memref_slice %arg3[%add3A_218, %dma_start3A_219, %dma_start3A_220] : memref<162x16x128xi32, #tpu.memory_space<hbm>> -> memref<1x16x128xi32, #tpu.memory_space<hbm>>
      %dma_start3A_222 = tpu.memref_squeeze %dma_start3A_221 : memref<1x16x128xi32, #tpu.memory_space<hbm>> -> memref<16x128xi32, #tpu.memory_space<hbm>>
      %dma_start3A_223 = arith.constant 0 : i32
      %dma_start3A_224 = arith.constant 0 : i32
      %dma_start3A_225 = tpu.memref_slice %arg3[%add3A_218, %dma_start3A_223, %dma_start3A_224] : memref<162x16x128xi32, #tpu.memory_space<hbm>> -> memref<1x16x128xi32, #tpu.memory_space<hbm>>
      %dma_start3A_226 = tpu.memref_squeeze %dma_start3A_225 : memref<1x16x128xi32, #tpu.memory_space<hbm>> -> memref<16x128xi32, #tpu.memory_space<hbm>>
      tpu.enqueue_dma source(%dma_start3A_226 : memref<16x128xi32, #tpu.memory_space<hbm>>) target(%arg10 : memref<16x128xi32, #tpu.memory_space<vmem>>) target_semaphore(%arg16 : memref<!tpu.dma_semaphore, #tpu.memory_space<semaphore_mem>>)
      %dma_start3A_227 = arith.constant 0 : i32
      %dma_start3A_228 = arith.constant 0 : i32
      %dma_start3A_229 = tpu.memref_slice %arg4[%add3A_218, %dma_start3A_227, %dma_start3A_228] : memref<162x16x128xi32, #tpu.memory_space<hbm>> -> memref<1x16x128xi32, #tpu.memory_space<hbm>>
      %dma_start3A_230 = tpu.memref_squeeze %dma_start3A_229 : memref<1x16x128xi32, #tpu.memory_space<hbm>> -> memref<16x128xi32, #tpu.memory_space<hbm>>
      %dma_start3A_231 = arith.constant 0 : i32
      %dma_start3A_232 = arith.constant 0 : i32
      %dma_start3A_233 = tpu.memref_slice %arg4[%add3A_218, %dma_start3A_231, %dma_start3A_232] : memref<162x16x128xi32, #tpu.memory_space<hbm>> -> memref<1x16x128xi32, #tpu.memory_space<hbm>>
      %dma_start3A_234 = tpu.memref_squeeze %dma_start3A_233 : memref<1x16x128xi32, #tpu.memory_space<hbm>> -> memref<16x128xi32, #tpu.memory_space<hbm>>
      tpu.enqueue_dma source(%dma_start3A_234 : memref<16x128xi32, #tpu.memory_space<hbm>>) target(%arg12 : memref<16x128xi32, #tpu.memory_space<vmem>>) target_semaphore(%arg16 : memref<!tpu.dma_semaphore, #tpu.memory_space<semaphore_mem>>)
      %dma_start3A_235 = arith.constant 0 : i32
      %dma_start3A_236 = arith.constant 0 : i32
      %dma_start3A_237 = tpu.memref_slice %arg5[%add3A_218, %dma_start3A_235, %dma_start3A_236] : memref<162x16x128xf32, #tpu.memory_space<hbm>> -> memref<1x16x128xf32, #tpu.memory_space<hbm>>
      %dma_start3A_238 = tpu.memref_squeeze %dma_start3A_237 : memref<1x16x128xf32, #tpu.memory_space<hbm>> -> memref<16x128xf32, #tpu.memory_space<hbm>>
      %dma_start3A_239 = arith.constant 0 : i32
      %dma_start3A_240 = arith.constant 0 : i32
      %dma_start3A_241 = tpu.memref_slice %arg5[%add3A_218, %dma_start3A_239, %dma_start3A_240] : memref<162x16x128xf32, #tpu.memory_space<hbm>> -> memref<1x16x128xf32, #tpu.memory_space<hbm>>
      %dma_start3A_242 = tpu.memref_squeeze %dma_start3A_241 : memref<1x16x128xf32, #tpu.memory_space<hbm>> -> memref<16x128xf32, #tpu.memory_space<hbm>>
      tpu.enqueue_dma source(%dma_start3A_242 : memref<16x128xf32, #tpu.memory_space<hbm>>) target(%arg14 : memref<16x128xf32, #tpu.memory_space<vmem>>) target_semaphore(%arg16 : memref<!tpu.dma_semaphore, #tpu.memory_space<semaphore_mem>>)
    }
    %scan3A_64 = arith.constant 80 : i32
    %dma_wait3A = arith.constant 0 : i32
    %dma_wait3A_65 = arith.constant 0 : i32
    %dma_wait3A_66 = arith.constant 0 : i32
    %dma_wait3A_67 = tpu.memref_slice %arg3[%dma_wait3A, %dma_wait3A_65, %dma_wait3A_66] : memref<162x16x128xi32, #tpu.memory_space<hbm>> -> memref<1x16x128xi32, #tpu.memory_space<hbm>>
    %dma_wait3A_68 = tpu.memref_squeeze %dma_wait3A_67 : memref<1x16x128xi32, #tpu.memory_space<hbm>> -> memref<16x128xi32, #tpu.memory_space<hbm>>
    %dma_wait3A_69 = arith.constant 0 : i32
    %dma_wait3A_70 = arith.constant 0 : i32
    %dma_wait3A_71 = tpu.memref_slice %arg3[%dma_wait3A, %dma_wait3A_69, %dma_wait3A_70] : memref<162x16x128xi32, #tpu.memory_space<hbm>> -> memref<1x16x128xi32, #tpu.memory_space<hbm>>
    %dma_wait3A_72 = tpu.memref_squeeze %dma_wait3A_71 : memref<1x16x128xi32, #tpu.memory_space<hbm>> -> memref<16x128xi32, #tpu.memory_space<hbm>>
    tpu.wait_dma2 semaphore(%arg15 : memref<!tpu.dma_semaphore, #tpu.memory_space<semaphore_mem>>) src(%dma_wait3A_72 : memref<16x128xi32, #tpu.memory_space<hbm>>) dst(%arg9 : memref<16x128xi32, #tpu.memory_space<vmem>>)
    %dma_wait3A_73 = arith.constant 0 : i32
    %dma_wait3A_74 = arith.constant 0 : i32
    %dma_wait3A_75 = arith.constant 0 : i32
    %dma_wait3A_76 = tpu.memref_slice %arg4[%dma_wait3A_73, %dma_wait3A_74, %dma_wait3A_75] : memref<162x16x128xi32, #tpu.memory_space<hbm>> -> memref<1x16x128xi32, #tpu.memory_space<hbm>>
    %dma_wait3A_77 = tpu.memref_squeeze %dma_wait3A_76 : memref<1x16x128xi32, #tpu.memory_space<hbm>> -> memref<16x128xi32, #tpu.memory_space<hbm>>
    %dma_wait3A_78 = arith.constant 0 : i32
    %dma_wait3A_79 = arith.constant 0 : i32
    %dma_wait3A_80 = tpu.memref_slice %arg4[%dma_wait3A_73, %dma_wait3A_78, %dma_wait3A_79] : memref<162x16x128xi32, #tpu.memory_space<hbm>> -> memref<1x16x128xi32, #tpu.memory_space<hbm>>
    %dma_wait3A_81 = tpu.memref_squeeze %dma_wait3A_80 : memref<1x16x128xi32, #tpu.memory_space<hbm>> -> memref<16x128xi32, #tpu.memory_space<hbm>>
    tpu.wait_dma2 semaphore(%arg15 : memref<!tpu.dma_semaphore, #tpu.memory_space<semaphore_mem>>) src(%dma_wait3A_81 : memref<16x128xi32, #tpu.memory_space<hbm>>) dst(%arg11 : memref<16x128xi32, #tpu.memory_space<vmem>>)
    %dma_wait3A_82 = arith.constant 0 : i32
    %dma_wait3A_83 = arith.constant 0 : i32
    %dma_wait3A_84 = arith.constant 0 : i32
    %dma_wait3A_85 = tpu.memref_slice %arg5[%dma_wait3A_82, %dma_wait3A_83, %dma_wait3A_84] : memref<162x16x128xf32, #tpu.memory_space<hbm>> -> memref<1x16x128xf32, #tpu.memory_space<hbm>>
    %dma_wait3A_86 = tpu.memref_squeeze %dma_wait3A_85 : memref<1x16x128xf32, #tpu.memory_space<hbm>> -> memref<16x128xf32, #tpu.memory_space<hbm>>
    %dma_wait3A_87 = arith.constant 0 : i32
    %dma_wait3A_88 = arith.constant 0 : i32
    %dma_wait3A_89 = tpu.memref_slice %arg5[%dma_wait3A_82, %dma_wait3A_87, %dma_wait3A_88] : memref<162x16x128xf32, #tpu.memory_space<hbm>> -> memref<1x16x128xf32, #tpu.memory_space<hbm>>
    %dma_wait3A_90 = tpu.memref_squeeze %dma_wait3A_89 : memref<1x16x128xf32, #tpu.memory_space<hbm>> -> memref<16x128xf32, #tpu.memory_space<hbm>>
    tpu.wait_dma2 semaphore(%arg15 : memref<!tpu.dma_semaphore, #tpu.memory_space<semaphore_mem>>) src(%dma_wait3A_90 : memref<16x128xf32, #tpu.memory_space<hbm>>) dst(%arg13 : memref<16x128xf32, #tpu.memory_space<vmem>>)
    %dma_wait3A_91 = arith.constant 0 : i32
    %dma_wait3A_92 = arith.constant 0 : i32
    %dma_wait3A_93 = arith.constant 0 : i32
    %dma_wait3A_94 = tpu.memref_slice %arg3[%dma_wait3A_91, %dma_wait3A_92, %dma_wait3A_93] : memref<162x16x128xi32, #tpu.memory_space<hbm>> -> memref<1x16x128xi32, #tpu.memory_space<hbm>>
    %dma_wait3A_95 = tpu.memref_squeeze %dma_wait3A_94 : memref<1x16x128xi32, #tpu.memory_space<hbm>> -> memref<16x128xi32, #tpu.memory_space<hbm>>
    %dma_wait3A_96 = arith.constant 0 : i32
    %dma_wait3A_97 = arith.constant 0 : i32
    %dma_wait3A_98 = tpu.memref_slice %arg3[%dma_wait3A_91, %dma_wait3A_96, %dma_wait3A_97] : memref<162x16x128xi32, #tpu.memory_space<hbm>> -> memref<1x16x128xi32, #tpu.memory_space<hbm>>
    %dma_wait3A_99 = tpu.memref_squeeze %dma_wait3A_98 : memref<1x16x128xi32, #tpu.memory_space<hbm>> -> memref<16x128xi32, #tpu.memory_space<hbm>>
    tpu.wait_dma2 semaphore(%arg16 : memref<!tpu.dma_semaphore, #tpu.memory_space<semaphore_mem>>) src(%dma_wait3A_99 : memref<16x128xi32, #tpu.memory_space<hbm>>) dst(%arg10 : memref<16x128xi32, #tpu.memory_space<vmem>>)
    %dma_wait3A_100 = arith.constant 0 : i32
    %dma_wait3A_101 = arith.constant 0 : i32
    %dma_wait3A_102 = arith.constant 0 : i32
    %dma_wait3A_103 = tpu.memref_slice %arg4[%dma_wait3A_100, %dma_wait3A_101, %dma_wait3A_102] : memref<162x16x128xi32, #tpu.memory_space<hbm>> -> memref<1x16x128xi32, #tpu.memory_space<hbm>>
    %dma_wait3A_104 = tpu.memref_squeeze %dma_wait3A_103 : memref<1x16x128xi32, #tpu.memory_space<hbm>> -> memref<16x128xi32, #tpu.memory_space<hbm>>
    %dma_wait3A_105 = arith.constant 0 : i32
    %dma_wait3A_106 = arith.constant 0 : i32
    %dma_wait3A_107 = tpu.memref_slice %arg4[%dma_wait3A_100, %dma_wait3A_105, %dma_wait3A_106] : memref<162x16x128xi32, #tpu.memory_space<hbm>> -> memref<1x16x128xi32, #tpu.memory_space<hbm>>
    %dma_wait3A_108 = tpu.memref_squeeze %dma_wait3A_107 : memref<1x16x128xi32, #tpu.memory_space<hbm>> -> memref<16x128xi32, #tpu.memory_space<hbm>>
    tpu.wait_dma2 semaphore(%arg16 : memref<!tpu.dma_semaphore, #tpu.memory_space<semaphore_mem>>) src(%dma_wait3A_108 : memref<16x128xi32, #tpu.memory_space<hbm>>) dst(%arg12 : memref<16x128xi32, #tpu.memory_space<vmem>>)
    %dma_wait3A_109 = arith.constant 0 : i32
    %dma_wait3A_110 = arith.constant 0 : i32
    %dma_wait3A_111 = arith.constant 0 : i32
    %dma_wait3A_112 = tpu.memref_slice %arg5[%dma_wait3A_109, %dma_wait3A_110, %dma_wait3A_111] : memref<162x16x128xf32, #tpu.memory_space<hbm>> -> memref<1x16x128xf32, #tpu.memory_space<hbm>>
    %dma_wait3A_113 = tpu.memref_squeeze %dma_wait3A_112 : memref<1x16x128xf32, #tpu.memory_space<hbm>> -> memref<16x128xf32, #tpu.memory_space<hbm>>
    %dma_wait3A_114 = arith.constant 0 : i32
    %dma_wait3A_115 = arith.constant 0 : i32
    %dma_wait3A_116 = tpu.memref_slice %arg5[%dma_wait3A_109, %dma_wait3A_114, %dma_wait3A_115] : memref<162x16x128xf32, #tpu.memory_space<hbm>> -> memref<1x16x128xf32, #tpu.memory_space<hbm>>
    %dma_wait3A_117 = tpu.memref_squeeze %dma_wait3A_116 : memref<1x16x128xf32, #tpu.memory_space<hbm>> -> memref<16x128xf32, #tpu.memory_space<hbm>>
    tpu.wait_dma2 semaphore(%arg16 : memref<!tpu.dma_semaphore, #tpu.memory_space<semaphore_mem>>) src(%dma_wait3A_117 : memref<16x128xf32, #tpu.memory_space<hbm>>) dst(%arg14 : memref<16x128xf32, #tpu.memory_space<vmem>>)
    "tpu.region"() ({
      %run_scoped3A = tpu.sem_alloc : memref<!tpu.dma_semaphore, #tpu.memory_space<semaphore_mem>>
      %dma_start3A_118 = arith.constant 0 : i32
      %dma_start3A_119 = arith.constant 0 : i32
      %dma_start3A_120 = arith.constant 0 : i32
      %dma_start3A_121 = tpu.memref_slice %arg6[%arg0, %dma_start3A_118, %dma_start3A_119, %dma_start3A_120] : memref<2x16x313x128xf32, #tpu.memory_space<hbm>> -> memref<1x16x313x128xf32, #tpu.memory_space<hbm>>
      %dma_start3A_122 = tpu.memref_squeeze %dma_start3A_121 : memref<1x16x313x128xf32, #tpu.memory_space<hbm>> -> memref<16x313x128xf32, #tpu.memory_space<hbm>>
      %dma_start3A_123 = arith.constant 0 : i32
      %dma_start3A_124 = arith.constant 0 : i32
      %dma_start3A_125 = tpu.memref_slice %dma_start3A_122[%arg1, %dma_start3A_123, %dma_start3A_124] : memref<16x313x128xf32, #tpu.memory_space<hbm>> -> memref<1x313x128xf32, #tpu.memory_space<hbm>>
      %dma_start3A_126 = tpu.memref_squeeze %dma_start3A_125 : memref<1x313x128xf32, #tpu.memory_space<hbm>> -> memref<313x128xf32, #tpu.memory_space<hbm>>
      %dma_start3A_127 = arith.constant 0 : i32
      %dma_start3A_128 = arith.constant 0 : i32
      %dma_start3A_129 = arith.constant 0 : i32
      %dma_start3A_130 = tpu.memref_slice %arg6[%arg0, %dma_start3A_127, %dma_start3A_128, %dma_start3A_129] : memref<2x16x313x128xf32, #tpu.memory_space<hbm>> -> memref<1x16x313x128xf32, #tpu.memory_space<hbm>>
      %dma_start3A_131 = tpu.memref_squeeze %dma_start3A_130 : memref<1x16x313x128xf32, #tpu.memory_space<hbm>> -> memref<16x313x128xf32, #tpu.memory_space<hbm>>
      %dma_start3A_132 = arith.constant 0 : i32
      %dma_start3A_133 = arith.constant 0 : i32
      %dma_start3A_134 = tpu.memref_slice %dma_start3A_131[%arg1, %dma_start3A_132, %dma_start3A_133] : memref<16x313x128xf32, #tpu.memory_space<hbm>> -> memref<1x313x128xf32, #tpu.memory_space<hbm>>
      %dma_start3A_135 = tpu.memref_squeeze %dma_start3A_134 : memref<1x313x128xf32, #tpu.memory_space<hbm>> -> memref<313x128xf32, #tpu.memory_space<hbm>>
      tpu.enqueue_dma source(%arg8 : memref<313x128xf32, #tpu.memory_space<vmem>>) target(%dma_start3A_135 : memref<313x128xf32, #tpu.memory_space<hbm>>) target_semaphore(%run_scoped3A : memref<!tpu.dma_semaphore, #tpu.memory_space<semaphore_mem>>)
      %dma_wait3A_136 = arith.constant 0 : i32
      %dma_wait3A_137 = arith.constant 0 : i32
      %dma_wait3A_138 = arith.constant 0 : i32
      %dma_wait3A_139 = tpu.memref_slice %arg6[%arg0, %dma_wait3A_136, %dma_wait3A_137, %dma_wait3A_138] : memref<2x16x313x128xf32, #tpu.memory_space<hbm>> -> memref<1x16x313x128xf32, #tpu.memory_space<hbm>>
      %dma_wait3A_140 = tpu.memref_squeeze %dma_wait3A_139 : memref<1x16x313x128xf32, #tpu.memory_space<hbm>> -> memref<16x313x128xf32, #tpu.memory_space<hbm>>
      %dma_wait3A_141 = arith.constant 0 : i32
      %dma_wait3A_142 = arith.constant 0 : i32
      %dma_wait3A_143 = tpu.memref_slice %dma_wait3A_140[%arg1, %dma_wait3A_141, %dma_wait3A_142] : memref<16x313x128xf32, #tpu.memory_space<hbm>> -> memref<1x313x128xf32, #tpu.memory_space<hbm>>
      %dma_wait3A_144 = tpu.memref_squeeze %dma_wait3A_143 : memref<1x313x128xf32, #tpu.memory_space<hbm>> -> memref<313x128xf32, #tpu.memory_space<hbm>>
      %dma_wait3A_145 = arith.constant 0 : i32
      %dma_wait3A_146 = arith.constant 0 : i32
      %dma_wait3A_147 = arith.constant 0 : i32
      %dma_wait3A_148 = tpu.memref_slice %arg6[%arg0, %dma_wait3A_145, %dma_wait3A_146, %dma_wait3A_147] : memref<2x16x313x128xf32, #tpu.memory_space<hbm>> -> memref<1x16x313x128xf32, #tpu.memory_space<hbm>>
      %dma_wait3A_149 = tpu.memref_squeeze %dma_wait3A_148 : memref<1x16x313x128xf32, #tpu.memory_space<hbm>> -> memref<16x313x128xf32, #tpu.memory_space<hbm>>
      %dma_wait3A_150 = arith.constant 0 : i32
      %dma_wait3A_151 = arith.constant 0 : i32
      %dma_wait3A_152 = tpu.memref_slice %dma_wait3A_149[%arg1, %dma_wait3A_150, %dma_wait3A_151] : memref<16x313x128xf32, #tpu.memory_space<hbm>> -> memref<1x313x128xf32, #tpu.memory_space<hbm>>
      %dma_wait3A_153 = tpu.memref_squeeze %dma_wait3A_152 : memref<1x313x128xf32, #tpu.memory_space<hbm>> -> memref<313x128xf32, #tpu.memory_space<hbm>>
      tpu.wait_dma2 semaphore(%run_scoped3A : memref<!tpu.dma_semaphore, #tpu.memory_space<semaphore_mem>>) src(%arg8 : memref<313x128xf32, #tpu.memory_space<vmem>>) dst(%dma_wait3A_153 : memref<313x128xf32, #tpu.memory_space<hbm>>)
      tpu.yield
    }) : () -> ()
    return
  }
}

</mosaic_0001>

<sc_bundles>
// kernel: kernel.3.cloned.1.call-start
scs
__scs_entry_jumppad:
0x0: {  	(pc) =	sbr.rel $0x88, $3  }
0x1: {  	(tag) =	ssettag $0x0;
	lr =	simm.s32 $0x1  }
0x2: {  	[smem:$0x3F9E] =	sst lr;
	_ =	strace $0xD0000000  }
0x3: {  	_ = 	snop  }
0x4: {  	_ = 	snop  }
0x5: {  	_ = 	snop  }
0x6: {  	_ = 	snop  }
0x7: {  	_ = 	snop  }
__scs_overlays_trampoline_lowered:
0x8: {  	[smem:$0x3FAD] =	sst s0  }
0x9: {  	[smem:$0x3FAE] =	sst s1  }
0xa: {  	[smem:$0x3FAF] =	sst s2  }
0xb: {  	[smem:$0x3FB0] =	sst s3  }
0xc: {  	[smem:$0x3FB1] =	sst s4  }
0xd: {  	[smem:$0x3FB2] =	sst s5  }
0xe: {  	[smem:$0x3FB3] =	sst s6  }
0xf: {  	[smem:$0x3FB4] =	sst s7  }
0x10: {  	[smem:$0x3FB5] =	sst s8  }
0x11: {  	[smem:$0x3FB6] =	sst s9;
	s0 =	simm.s32 @!p0 $0x0  }
0x12: {  	s1 =	sld [smem:$0x3F9C];
	s0 =	simm.s32 @p0 $0x1  }
0x13: {  	[smem:$0x3FB7] =	sst s0;
	s0 =	simm.s32 @!p1 $0x0  }
0x14: {  	s2 =	sld [smem:$0x3F9B];
	s0 =	simm.s32 @p1 $0x1  }
0x15: {  	[smem:$0x3FB8] =	sst s0;
	s0 =	simm.s32 @!p2 $0x0  }
0x16: {  	s3 =	sld [smem:$0x3FDB];
	s0 =	simm.s32 @p2 $0x1  }
0x17: {  	s4 =	simm.s32 $0x1BF5;
	[smem:$0x3FBA] =	sst s0  }
0x18: {  	s0 =	sld [smem:$0x3F9D];
	_ =	swait.ge [sflag:s4], $0x0  }
0x19: {  	s7 =	sld [smem:$0x3F9E]  }
0x1a: {  	s8 =	sadd.s32 $0xFFFFE003, lr  }
0x1b: {  	s9 =	sadd.s32 $0xFFFFFEF7, lr;
	s5 =	simm.s32 $0xFFFFFFFF;
	p2 =	slt.u32 s8, $0xFFFFF086  }
0x1c: {  	p1 =	slt.u32 s9, $0xF7A;
	s5 =	simm.s32 @!p2 $0x0  }
0x1d: {  	s5 =	simm.s32 @p1 $0x1;
	p0 =	seq.s32 s7, s2  }
0x1e: {  	s7 =	smul.u32 @!p0 $0xF7A, s2;
	p2 =	seq.s32 @!p0 s5, $0x0  }
0x1f: {  	s9 =	smul.u32 $0xF7A, s1;
	s8 =	simm.s32 @!p0 $0x1BF5;
	p2 =	por !p2, p0  }
0x20: {  	[sflag:s8] =	ssyncset.s32 @!p0 $0xFFFFF086;
	s6 =	sadd.s32 @!p0 s3, s7;
	s7 =	simm.s32 @!p0 $0x108  }
0x21: {  	s3 =	sadd.s32 s3, s9;
	s6 =	sadd.s32 @!p0 $0x88, s6;
	s7 =	simm.s32 @p2 $0x1082  }
0x22: {  	[simem:s7], [sflag:s8] =	dma.local @!p0 [hbm:s6], $0xF7A  }
0x23: {  	s9 =	sor.u32 $0xD0000000, s2;
	s6 =	simm.s32 $0x108;
	_ =	swait.ge @!p0 [sflag:s8], $0x0  }
0x24: {  	s3 =	sadd.s32 $0x88, s3;
	s6 =	simm.s32 @!p1 $0x1082;
	[sflag:s4] =	ssyncset.s32 $0xFFFFF086  }
0x25: {  	[simem:s6], [sflag:s4] =	dma.local [hbm:s3], $0xF7A  }
0x26: {  	[smem:$0x3F9E] =	sst s1;
	(tag) =	ssettag s2;
	_ =	strace s9  }
0x27: {  	s1 =	sld [smem:$0x3FAE]  }
0x28: {  	s2 =	sld [smem:$0x3FAF]  }
0x29: {  	s4 =	sld [smem:$0x3FB1]  }
0x2a: {  	p0 =	seq.s32 s5, $0x0;
	s5 =	sld [smem:$0x3FB2]  }
0x2b: {  	s6 =	sld [smem:$0x3FB3]  }
0x2c: {  	s7 =	sld [smem:$0x3FB4]  }
0x2d: {  	s3 =	simm.s32 $0x108;
	s8 =	sld [smem:$0x3FB5]  }
0x2e: {  	s3 =	simm.s32 @!p0 $0x1082;
	s9 =	sld [smem:$0x3FB6]  }
0x2f: {  	lr =	sadd.s32 s0, s3;
	s0 =	sld [smem:$0x3FAD]  }
0x30: {  	s3 =	sld [smem:$0x3FB0]  }
0x31: {  	[smem:$0x3FB9] =	sst s10  }
0x32: {  	s10 =	sld [smem:$0x3FB7];
	_ =	sdelay $0x3  }
0x33: {  	p0 =	seq.s32 s10, $0x1;
	s10 =	sld [smem:$0x3FB9];
	_ =	sdelay $0x3  }
0x34: {  	[smem:$0x3FB9] =	sst s10  }
0x35: {  	s10 =	sld [smem:$0x3FB8];
	_ =	sdelay $0x3  }
0x36: {  	p1 =	seq.s32 s10, $0x1;
	s10 =	sld [smem:$0x3FB9];
	_ =	sdelay $0x3  }
0x37: {  	[smem:$0x3FB9] =	sst s10  }
0x38: {  	s10 =	sld [smem:$0x3FBA]  }
0x39: {  	_ = 	snop;
	(pc) =	sbr.ind lr, $3  }
0x3a: {  	_ = 	snop  }
0x3b: {  	_ = 	snop  }
0x3c: {  	p2 =	seq.s32 s10, $0x1;
	s10 =	sld [smem:$0x3FB9]  }
0x3d: {  	_ =	shalt  }
0x3e: {  	_ =	shalt  }
0x3f: {  	_ =	shalt  }
0x40: {  	_ =	shalt  }
0x41: {  	_ =	shalt  }
0x42: {  	_ =	shalt  }
0x43: {  	_ =	shalt  }
0x44: {  	_ =	shalt  }
0x45: {  	_ =	shalt  }
0x46: {  	_ =	shalt  }
0x47: {  	_ =	shalt  }
0x48: {  	_ =	shalt  }
0x49: {  	_ =	shalt  }
0x4a: {  	_ =	shalt  }
0x4b: {  	_ =	shalt  }
0x4c: {  	_ =	shalt  }
0x4d: {  	_ =	shalt  }
0x4e: {  	_ =	shalt  }
0x4f: {  	_ =	shalt  }
0x50: {  	_ =	shalt  }
0x51: {  	_ =	shalt  }
0x52: {  	_ =	shalt  }
0x53: {  	_ =	shalt  }
0x54: {  	_ =	shalt  }
0x55: {  	_ =	shalt  }
0x56: {  	_ =	shalt  }
0x57: {  	_ =	shalt  }
0x58: {  	_ =	shalt  }
0x59: {  	_ =	shalt  }
0x5a: {  	_ =	shalt  }
0x5b: {  	_ =	shalt  }
0x5c: {  	_ =	shalt  }
0x5d: {  	_ =	shalt  }
0x5e: {  	_ =	shalt  }
0x5f: {  	_ =	shalt  }
0x60: {  	_ =	shalt  }
0x61: {  	_ =	shalt  }
0x62: {  	_ =	shalt  }
0x63: {  	_ =	shalt  }
0x64: {  	_ =	shalt  }
0x65: {  	_ =	shalt  }
0x66: {  	_ =	shalt  }
0x67: {  	_ =	shalt  }
0x68: {  	_ =	shalt  }
0x69: {  	_ =	shalt  }
0x6a: {  	_ =	shalt  }
0x6b: {  	_ =	shalt  }
0x6c: {  	_ =	shalt  }
0x6d: {  	_ =	shalt  }
0x6e: {  	_ =	shalt  }
0x6f: {  	_ =	shalt  }
0x70: {  	_ =	shalt  }
0x71: {  	_ =	shalt  }
0x72: {  	_ =	shalt  }
0x73: {  	_ =	shalt  }
0x74: {  	_ =	shalt  }
0x75: {  	_ =	shalt  }
0x76: {  	_ =	shalt  }
0x77: {  	_ =	shalt  }
0x78: {  	_ =	shalt  }
0x79: {  	_ =	shalt  }
0x7a: {  	_ =	shalt  }
0x7b: {  	_ =	shalt  }
0x7c: {  	_ =	shalt  }
0x7d: {  	_ =	shalt  }
0x7e: {  	_ =	shalt  }
0x7f: {  	_ =	shalt  }
0x80: {  	_ =	shalt  }
0x81: {  	_ =	shalt  }
0x82: {  	_ =	shalt  }
0x83: {  	_ =	shalt  }
0x84: {  	_ =	shalt  }
0x85: {  	_ =	shalt  }
0x86: {  	_ =	shalt  }
0x87: {  	_ =	shalt  }
.Lfunc_end0:
.L_simem_size_0:
called_computation_lowered:
.L_overlay_start_0:
0x88: {  	s2 =	sld [smem:$0x3FD9]  }
0x89: {  	s3 =	sld [smem:$0x3FFE];
	_ =	sdelay $0x1  }
0x8a: {  	s1 =	srdreg.scid  }
0x8b: {  	s0 =	sand.u32 $0x1, s1  }
0x8c: {  	s17 =	sshll.u32 s0, $0xA;
	s2 =	sadd.s32 s3, s2  }
0x8d: {  	s2 =	sadd.s32 s2, s17  }
0x8e: {  	[smem:$0x3FC5] =	sst s2  }
0x8f: {  	_ = 	snop  }
0x90: {  	s2 =	sld [smem:$0x3FD0];
	(tm) =	ssettm $0x1  }
0x91: {  	s18 =	sld [smem:$0x3FFB];
	_ =	sdelay $0x3  }
0x92: {  	_ =	strace s18  }
0x93: {  	s3 =	sld [smem:$0x3FFC];
	_ =	sdelay $0x3  }
0x94: {  	_ =	strace s3  }
0x95: {  	s3 =	sld [smem:$0x3FFD];
	_ =	sdelay $0x3  }
0x96: {  	_ =	strace s3  }
0x97: {  	_ =	strace $0x8FFFFFFF  }
0x98: {  	s19 =	sld [smem:$0x3FDB];
	_ =	sdelay $0x1  }
0x99: {  	s4 =	simm.s32 $_scs_section_size  }
0x9a: {  	s5 =	simm.s32 $_size__tile_overlayer_lowered;
	s6 =	simm.s32 $_tile_overlayer_lowered  }
0x9b: {  	s22 =	simm.s32 $0x1BFF;
	s21 =	sshll.u32 s6, $0x1;
	s3 =	sadd.s32 s4, s19  }
0x9c: {  	s7 =	simm.s32 $0x0;
	s20 =	sshll.u32 s5, $0x1;
	s5 =	sadd.s32 s21, s3  }
0x9d: {  	[timem:s7], [sflag:s22] =	dma.local [hbm:s5], s20  }
0x9e: {  	_ =	swait.ge [sflag:s22], s20  }
0x9f: {  	s4 =	ssub.s32 $0x0, s20;
	[sflag:s22] =	ssyncset.done $0x0  }
0xa0: {  	[sflag:s22] =	ssyncadd.s32 s4;
	_ =	sdelay $0x1  }
0xa1: {  	s23 =	simm.s32 $0x1B8B  }
0xa2: {  	_ =	swait.ge [sflag:s23], $0x1  }
0xa3: {  	[sflag:s23] =	ssyncset.done $0x0  }
0xa4: {  	s25 =	simm.s32 $0x1B8E;
	s24 =	sld [smem:$0x3FFE];
	[sflag:s23] =	ssyncadd.s32 $0xFFFFFFFF  }
0xa5: {  	s26 =	simm.s32 $execute0_lowered;
	[smem:$0x3FD2] =	sst s25  }
0xa6: {  	s5 =	sshll.u32 s26, $0x1;
	_ =	strace $0x80000046;
	[dreg:$0x1] =	wrdreg $0xFFFFFFFF  }
0xa7: {  	s28 =	simm.s32 $_size_execute0_lowered;
	s3 =	sadd.s32 s3, s5;
	[dreg:$0x0] =	wrdreg $0x0  }
0xa8: {  	s5 =	sshll.u32 s28, $0x1;
	[dreg:$0x2] =	wrdreg s3  }
0xa9: {  	[dreg:$0x3] =	wrdreg s5  }
0xaa: {  	[dreg:$0x4] =	wrdreg $0xC0  }
0xab: {  	_ =	task [dreg:s7], $0x5FFFF  }
0xac: {  	[dreg:$0x1] =	wrdreg $0xFFFFFFFF  }
0xad: {  	[dreg:$0x0] =	wrdreg $0x60  }
0xae: {  	[dreg:$0x2] =	wrdreg s24  }
0xaf: {  	[dreg:$0x3] =	wrdreg s2  }
0xb0: {  	[dreg:$0x4] =	wrdreg $0x9  }
0xb1: {  	_ =	task.clear_ibuf [dreg:s7], $0x5FFFF;
	_ =	strace $0x90000046  }
0xb2: {  	s29 =	simm.s32 $0x9;
	_ =	strace $0x80000048  }
0xb3: {  	_ =	swait.ge [sflag:s29], $0x1  }
0xb4: {  	[sflag:s29] =	ssyncadd.s32 $0xFFFFFFFF  }
0xb5: {  	_ =	strace $0x90000048  }
0xb6: {  	_ =	sfence  }
0xb7: {  	s30 =	sld [smem:$0x0];
	_ =	sdelay $0x2  }
0xb8: {  	s31 =	sshll.u32 s1, $0xD;
	s1 =	sshrl.u32 s1, $0x2  }
0xb9: {  	s3 =	sand.u32 $0x4000, s31;
	s1 =	sadd.s32 s1, s30  }
0xba: {  	s0 =	sor.u32 s3, s0;
	s1 =	sshll.u32 s1, $0x11  }
0xbb: {  	s0 =	sor.u32 s1, s0  }
0xbc: {  	s0 =	sadd.s32 $0x8F2B, s0  }
0xbd: {  	[sflag:s0] =	ssyncadd.remote.s32 $0x1  }
0xbe: {  	_ =	sfence.sel $0xFFFF  }
0xbf: {  	[dreg:$0x0] =	wrdreg $0xFFFFFFFF;
	(pc) =	sbr.abs _section_cstart, $3  }
0xc0: {  	[dreg:$0x1] =	wrdreg $0xFFFFFFFF  }
0xc1: {  	_ =	task.clear_ibuf [dreg:s7], $0x2FFFF;
	_ =	strace $0x9FFFFFFF  }
0xc2: {  	(tm) =	ssettm $0x7FFFFFFF  }
0xc3: {  	_ =	shalt  }
tec
execute0_lowered:
.L_overlay_start_1:
0x0: {  	(tag) =	ssettag $0x1  }
0x1: {  	s9 =	rddreg [dreg:$0x0]  }
0x2: {  	s1 =	rddreg [dreg:$0x1]  }
0x3: {  	s0 =	rddreg [dreg:$0x2];
	s2 =	simm.s32 $0x0;
	s3 =	srdreg.scid  }
0x4: {  	s12 =	simm.s32 $0x14000;
	s13 =	simm.s32 $0x15000;
	s14 =	simm.s32 $0x16000  }
0x5: {  	s15 =	simm.s32 $0x14800;
	s16 =	simm.s32 $0x15800;
	s17 =	simm.s32 $0x16800  }
0x6: {  	s18 =	simm.s32 $0x1;
	s19 =	simm.s32 $0xA000;
	s20 =	simm.s32 $0x2  }
0x7: {  	[smem:$0x7FF] =	sst s2;
	s4 =	sand.u32 $0x1, s3;
	s3 =	stileid.u32  }
0x8: {  	s5 =	sadd.s32 $0x32200, s9;
	s6 =	ssub.s32 $0x2, s4;
	s7 =	smul.u32 $0x14000, s4  }
0x9: {  	_ =	strace $0x80000047;
	s4 =	sadd.s32 $0x28000, s9;
	s8 =	sshrl.u32 s6, $0x1  }
0xa: {  	s21 =	smul.u32 $0x1400, s3;
	s10 =	ssub.s32 s6, s8;
	s11 =	sadd.s32 s9, s7  }
0xb: {  	s7 =	sadd.s32 $0x100, s1;
	s8 =	sadd.s32 $0x28100, s9;
	s9 =	sadd.s32 $0x32300, s9  }
0xc: {  	s6 =	sadd.s32 s21, s11;
	s22 =	sadd.s32 $0x3C400, s11;
	s10 =	smax.u32 s10, $0x1  }
0xd: {  	v0 =	vimm.f32 $0.0e+00;
	s11 =	simm.s32 $0x3;
	s21 =	sadd.s32 s21, s22;
	s22 =	simm.s32 $0x0  }
.LBB2_1:
0xe: {  	[tilespmem:s2], [sflag:$0x3] =	stream.linear.gather [hbm4b:s6+s2], $0x9C80, $0x38;
	[tilespmem:$0x17000] =	vst v63  }
0xf: {  	_ =	swait.ge [sflag:s11], $0x9C80  }
0x10: {  	[sflag:s11] =	ssyncset.done $0x0  }
0x11: {  	s23 =	simm.s32 $0x0;
	s24 =	simm.s32 $0x200;
	[sflag:s11] =	ssyncadd.s32 $0xFFFF6380  }
.LBB2_2:
0x12: {  	p0 =	sne.s32 s24, $0x27000;
	[tilespmem:s23+$0xA070] =	vst v0  }
0x13: {  	[tilespmem:s23+$0xA000] =	vst v0  }
0x14: {  	[tilespmem:s23+$0xA010] =	vst v0  }
.Ltmp0:
0x15: {  	[tilespmem:s23+$0xA020] =	vst v0;
	(pc) =	sbr.rel @p0 .LBB2_2-.Ltmp0, $4  }
0x16: {  	[tilespmem:s23+$0xA030] =	vst v0  }
0x17: {  	[tilespmem:s23+$0xA040] =	vst v0  }
0x18: {  	[tilespmem:s23+$0xA050] =	vst v0  }
0x19: {  	[tilespmem:s23+$0xA060] =	vst v0;
	s23 =	sshra.s32 s24, $0x2;
	s24 =	sadd.s32 $0x200, s24  }
0x1a: {  	[tilespmem:s23+$0xA070] =	vst v0  }
0x1b: {  	[tilespmem:s23+$0xA000] =	vst v0  }
0x1c: {  	[tilespmem:s23+$0xA010] =	vst v0  }
0x1d: {  	[tilespmem:s23+$0xA020] =	vst v0  }
0x1e: {  	[tilespmem:s23+$0xA030] =	vst v0  }
0x1f: {  	[tilespmem:s23+$0xA040] =	vst v0  }
0x20: {  	[tilespmem:s23+$0xA050] =	vst v0  }
0x21: {  	[tilespmem:s23+$0xA060] =	vst v0;
	s23 =	simm.s32 $0x0  }
0x22: {  	[tilespmem:s12], [sflag:$0x1] =	stream.linear.gather [hbm4b:s1+s23], $0x800, $0x38;
	[tilespmem:$0x17000] =	vst v63  }
0x23: {  	_ = 	snop  }
0x24: {  	[tilespmem:s13], [sflag:$0x1] =	stream.linear.gather [hbm4b:s4+s23], $0x800, $0x38;
	[tilespmem:$0x17000] =	vst v63  }
0x25: {  	_ = 	snop  }
0x26: {  	[tilespmem:s14], [sflag:$0x1] =	stream.linear.gather [hbm4b:s5+s23], $0x800, $0x38;
	[tilespmem:$0x17000] =	vst v63  }
0x27: {  	_ = 	snop  }
0x28: {  	[tilespmem:s15], [sflag:$0x2] =	stream.linear.gather [hbm4b:s7+s23], $0x800, $0x38;
	[tilespmem:$0x17000] =	vst v63  }
0x29: {  	_ = 	snop  }
0x2a: {  	[tilespmem:s16], [sflag:$0x2] =	stream.linear.gather [hbm4b:s8+s23], $0x800, $0x38;
	[tilespmem:$0x17000] =	vst v63  }
0x2b: {  	_ = 	snop  }
0x2c: {  	[tilespmem:s17], [sflag:$0x2] =	stream.linear.gather [hbm4b:s9+s23], $0x800, $0x38;
	[tilespmem:$0x17000] =	vst v63  }
.LBB2_4:
0x2d: {  	_ =	swait.ge [sflag:s18], $0x800  }
0x2e: {  	[sflag:s18] =	ssyncset.done $0x0  }
0x2f: {  	[sflag:s18] =	ssyncadd.s32 $0xFFFFF800  }
0x30: {  	_ =	swait.ge [sflag:s18], $0x800  }
0x31: {  	[sflag:s18] =	ssyncset.done $0x0  }
0x32: {  	[sflag:s18] =	ssyncadd.s32 $0xFFFFF800  }
0x33: {  	_ =	swait.ge [sflag:s18], $0x800  }
0x34: {  	[sflag:s18] =	ssyncset.done $0x0  }
0x35: {  	s24 =	simm.s32 $0x0;
	[sflag:s18] =	ssyncadd.s32 $0xFFFFF800  }
.LBB2_5:
0x36: {  	s25 =	sshra.s32 s24, $0x2  }
0x37: {  	v1 =	vld [tilespmem:s25+$0x14000];
	_ =	sdelay $0x4  }
0x38: {  	v1 =	vshll.u32 v1, $0x2;
	_ =	sdelay $0x1  }
0x39: {  	v2 =	vld [tilespmem:s25+$0x15000];
	_ =	sdelay $0x1  }
0x3a: {  	v3 =	vld [tilespmem:s25+$0x16000]  }
0x3b: {  	v4 =	vld.idx.msk [tilespmem:v1+s2+$0x0], $0xffff;
	_ =	sdelay $0x1  }
0x3c: {  	v2 =	vshll.u32 v2, $0x2  }
0x3d: {  	v5 =	vor.u32 $0x1, v1;
	_ =	sdelay $0x1  }
0x3e: {  	v4 =	vmul.f32 v4, v3;
	_ =	sdelay $0x1  }
0x3f: {  	[tilespmem:v2+s19+$0x0] =	vst.idx.add.f32.msk $0xffff, v4  }
0x40: {  	v4 =	vld.idx.msk [tilespmem:v5+s2+$0x0], $0xffff;
	_ =	sdelay $0x1  }
0x41: {  	v34 =	vor.u32 $0x1, v2  }
0x42: {  	v6 =	vor.u32 $0x2, v1;
	_ =	sdelay $0x1  }
0x43: {  	v4 =	vmul.f32 v4, v3;
	_ =	sdelay $0x1  }
0x44: {  	[tilespmem:v34+s19+$0x0] =	vst.idx.add.f32.msk $0xffff, v4  }
0x45: {  	v4 =	vld.idx.msk [tilespmem:v6+s2+$0x0], $0xffff;
	_ =	sdelay $0x1  }
0x46: {  	v35 =	vor.u32 $0x2, v2  }
0x47: {  	v1 =	vor.u32 $0x3, v1;
	_ =	sdelay $0x1  }
0x48: {  	v4 =	vmul.f32 v4, v3;
	_ =	sdelay $0x1  }
0x49: {  	[tilespmem:v35+s19+$0x0] =	vst.idx.add.f32.msk $0xffff, v4  }
0x4a: {  	v1 =	vld.idx.msk [tilespmem:v1+s2+$0x0], $0xffff;
	_ =	sdelay $0x1  }
0x4b: {  	v2 =	vor.u32 $0x3, v2;
	_ =	sdelay $0x2  }
0x4c: {  	v1 =	vmul.f32 v1, v3;
	_ =	sdelay $0x1  }
0x4d: {  	[tilespmem:v2+s19+$0x0] =	vst.idx.add.f32.msk $0xffff, v1  }
0x4e: {  	v1 =	vld [tilespmem:s25+$0x14010];
	_ =	sdelay $0x4  }
0x4f: {  	v1 =	vshll.u32 v1, $0x2;
	_ =	sdelay $0x1  }
0x50: {  	v2 =	vld [tilespmem:s25+$0x15010];
	_ =	sdelay $0x1  }
0x51: {  	v3 =	vld [tilespmem:s25+$0x16010]  }
0x52: {  	v4 =	vld.idx.msk [tilespmem:v1+s2+$0x0], $0xffff;
	_ =	sdelay $0x1  }
0x53: {  	v2 =	vshll.u32 v2, $0x2  }
0x54: {  	v36 =	vor.u32 $0x1, v1;
	_ =	sdelay $0x1  }
0x55: {  	v4 =	vmul.f32 v4, v3;
	_ =	sdelay $0x1  }
0x56: {  	[tilespmem:v2+s19+$0x0] =	vst.idx.add.f32.msk $0xffff, v4  }
0x57: {  	v4 =	vld.idx.msk [tilespmem:v36+s2+$0x0], $0xffff;
	_ =	sdelay $0x1  }
0x58: {  	v37 =	vor.u32 $0x1, v2  }
0x59: {  	v38 =	vor.u32 $0x2, v1;
	_ =	sdelay $0x1  }
0x5a: {  	v4 =	vmul.f32 v4, v3;
	_ =	sdelay $0x1  }
0x5b: {  	[tilespmem:v37+s19+$0x0] =	vst.idx.add.f32.msk $0xffff, v4  }
0x5c: {  	v4 =	vld.idx.msk [tilespmem:v38+s2+$0x0], $0xffff;
	_ =	sdelay $0x1  }
0x5d: {  	v39 =	vor.u32 $0x2, v2  }
0x5e: {  	v1 =	vor.u32 $0x3, v1;
	_ =	sdelay $0x1  }
0x5f: {  	v4 =	vmul.f32 v4, v3;
	_ =	sdelay $0x1  }
0x60: {  	[tilespmem:v39+s19+$0x0] =	vst.idx.add.f32.msk $0xffff, v4  }
0x61: {  	v1 =	vld.idx.msk [tilespmem:v1+s2+$0x0], $0xffff;
	_ =	sdelay $0x1  }
0x62: {  	v2 =	vor.u32 $0x3, v2;
	_ =	sdelay $0x2  }
0x63: {  	v1 =	vmul.f32 v1, v3;
	_ =	sdelay $0x1  }
0x64: {  	[tilespmem:v2+s19+$0x0] =	vst.idx.add.f32.msk $0xffff, v1  }
0x65: {  	v1 =	vld [tilespmem:s25+$0x14020];
	_ =	sdelay $0x4  }
0x66: {  	v1 =	vshll.u32 v1, $0x2;
	_ =	sdelay $0x1  }
0x67: {  	v2 =	vld [tilespmem:s25+$0x15020];
	_ =	sdelay $0x1  }
0x68: {  	v3 =	vld [tilespmem:s25+$0x16020]  }
0x69: {  	v4 =	vld.idx.msk [tilespmem:v1+s2+$0x0], $0xffff;
	_ =	sdelay $0x1  }
0x6a: {  	v2 =	vshll.u32 v2, $0x2  }
0x6b: {  	v40 =	vor.u32 $0x1, v1;
	_ =	sdelay $0x1  }
0x6c: {  	v4 =	vmul.f32 v4, v3;
	_ =	sdelay $0x1  }
0x6d: {  	[tilespmem:v2+s19+$0x0] =	vst.idx.add.f32.msk $0xffff, v4  }
0x6e: {  	v4 =	vld.idx.msk [tilespmem:v40+s2+$0x0], $0xffff;
	_ =	sdelay $0x1  }
0x6f: {  	v41 =	vor.u32 $0x1, v2  }
0x70: {  	v42 =	vor.u32 $0x2, v1;
	_ =	sdelay $0x1  }
0x71: {  	v4 =	vmul.f32 v4, v3;
	_ =	sdelay $0x1  }
0x72: {  	[tilespmem:v41+s19+$0x0] =	vst.idx.add.f32.msk $0xffff, v4  }
0x73: {  	v4 =	vld.idx.msk [tilespmem:v42+s2+$0x0], $0xffff;
	_ =	sdelay $0x1  }
0x74: {  	v43 =	vor.u32 $0x2, v2  }
0x75: {  	v1 =	vor.u32 $0x3, v1;
	_ =	sdelay $0x1  }
0x76: {  	v4 =	vmul.f32 v4, v3;
	_ =	sdelay $0x1  }
0x77: {  	[tilespmem:v43+s19+$0x0] =	vst.idx.add.f32.msk $0xffff, v4  }
0x78: {  	v1 =	vld.idx.msk [tilespmem:v1+s2+$0x0], $0xffff;
	_ =	sdelay $0x1  }
0x79: {  	v2 =	vor.u32 $0x3, v2;
	_ =	sdelay $0x2  }
0x7a: {  	v1 =	vmul.f32 v1, v3;
	_ =	sdelay $0x1  }
0x7b: {  	[tilespmem:v2+s19+$0x0] =	vst.idx.add.f32.msk $0xffff, v1  }
0x7c: {  	v1 =	vld [tilespmem:s25+$0x14030];
	_ =	sdelay $0x4  }
0x7d: {  	v1 =	vshll.u32 v1, $0x2;
	_ =	sdelay $0x1  }
0x7e: {  	v2 =	vld [tilespmem:s25+$0x15030];
	_ =	sdelay $0x1  }
0x7f: {  	v3 =	vld [tilespmem:s25+$0x16030]  }
0x80: {  	v4 =	vld.idx.msk [tilespmem:v1+s2+$0x0], $0xffff;
	_ =	sdelay $0x1  }
0x81: {  	v2 =	vshll.u32 v2, $0x2  }
0x82: {  	v44 =	vor.u32 $0x1, v1;
	_ =	sdelay $0x1  }
0x83: {  	v4 =	vmul.f32 v4, v3;
	_ =	sdelay $0x1  }
0x84: {  	[tilespmem:v2+s19+$0x0] =	vst.idx.add.f32.msk $0xffff, v4  }
0x85: {  	v4 =	vld.idx.msk [tilespmem:v44+s2+$0x0], $0xffff;
	_ =	sdelay $0x1  }
0x86: {  	v45 =	vor.u32 $0x1, v2  }
0x87: {  	v46 =	vor.u32 $0x2, v1;
	_ =	sdelay $0x1  }
0x88: {  	v4 =	vmul.f32 v4, v3;
	_ =	sdelay $0x1  }
0x89: {  	[tilespmem:v45+s19+$0x0] =	vst.idx.add.f32.msk $0xffff, v4  }
0x8a: {  	v4 =	vld.idx.msk [tilespmem:v46+s2+$0x0], $0xffff;
	_ =	sdelay $0x1  }
0x8b: {  	v47 =	vor.u32 $0x2, v2  }
0x8c: {  	v1 =	vor.u32 $0x3, v1;
	_ =	sdelay $0x1  }
0x8d: {  	v4 =	vmul.f32 v4, v3;
	_ =	sdelay $0x1  }
0x8e: {  	[tilespmem:v47+s19+$0x0] =	vst.idx.add.f32.msk $0xffff, v4  }
0x8f: {  	v1 =	vld.idx.msk [tilespmem:v1+s2+$0x0], $0xffff;
	_ =	sdelay $0x1  }
0x90: {  	v2 =	vor.u32 $0x3, v2;
	_ =	sdelay $0x2  }
0x91: {  	v1 =	vmul.f32 v1, v3;
	_ =	sdelay $0x1  }
0x92: {  	[tilespmem:v2+s19+$0x0] =	vst.idx.add.f32.msk $0xffff, v1  }
0x93: {  	v1 =	vld [tilespmem:s25+$0x14040];
	_ =	sdelay $0x4  }
0x94: {  	v1 =	vshll.u32 v1, $0x2;
	_ =	sdelay $0x1  }
0x95: {  	v2 =	vld [tilespmem:s25+$0x15040];
	_ =	sdelay $0x1  }
0x96: {  	v3 =	vld [tilespmem:s25+$0x16040]  }
0x97: {  	v4 =	vld.idx.msk [tilespmem:v1+s2+$0x0], $0xffff;
	_ =	sdelay $0x1  }
0x98: {  	v2 =	vshll.u32 v2, $0x2  }
0x99: {  	v48 =	vor.u32 $0x1, v1;
	_ =	sdelay $0x1  }
0x9a: {  	v4 =	vmul.f32 v4, v3;
	_ =	sdelay $0x1  }
0x9b: {  	[tilespmem:v2+s19+$0x0] =	vst.idx.add.f32.msk $0xffff, v4  }
0x9c: {  	v4 =	vld.idx.msk [tilespmem:v48+s2+$0x0], $0xffff;
	_ =	sdelay $0x1  }
0x9d: {  	v49 =	vor.u32 $0x1, v2  }
0x9e: {  	v50 =	vor.u32 $0x2, v1;
	_ =	sdelay $0x1  }
0x9f: {  	v4 =	vmul.f32 v4, v3;
	_ =	sdelay $0x1  }
0xa0: {  	[tilespmem:v49+s19+$0x0] =	vst.idx.add.f32.msk $0xffff, v4  }
0xa1: {  	v4 =	vld.idx.msk [tilespmem:v50+s2+$0x0], $0xffff;
	_ =	sdelay $0x1  }
0xa2: {  	v51 =	vor.u32 $0x2, v2  }
0xa3: {  	v1 =	vor.u32 $0x3, v1;
	_ =	sdelay $0x1  }
0xa4: {  	v4 =	vmul.f32 v4, v3;
	_ =	sdelay $0x1  }
0xa5: {  	[tilespmem:v51+s19+$0x0] =	vst.idx.add.f32.msk $0xffff, v4  }
0xa6: {  	v1 =	vld.idx.msk [tilespmem:v1+s2+$0x0], $0xffff;
	_ =	sdelay $0x1  }
0xa7: {  	v2 =	vor.u32 $0x3, v2;
	_ =	sdelay $0x2  }
0xa8: {  	v1 =	vmul.f32 v1, v3;
	_ =	sdelay $0x1  }
0xa9: {  	[tilespmem:v2+s19+$0x0] =	vst.idx.add.f32.msk $0xffff, v1  }
0xaa: {  	v1 =	vld [tilespmem:s25+$0x14050];
	_ =	sdelay $0x4  }
0xab: {  	v1 =	vshll.u32 v1, $0x2;
	_ =	sdelay $0x1  }
0xac: {  	v2 =	vld [tilespmem:s25+$0x15050];
	_ =	sdelay $0x1  }
0xad: {  	v3 =	vld [tilespmem:s25+$0x16050]  }
0xae: {  	v4 =	vld.idx.msk [tilespmem:v1+s2+$0x0], $0xffff;
	_ =	sdelay $0x1  }
0xaf: {  	v2 =	vshll.u32 v2, $0x2  }
0xb0: {  	v52 =	vor.u32 $0x1, v1;
	_ =	sdelay $0x1  }
0xb1: {  	v4 =	vmul.f32 v4, v3;
	_ =	sdelay $0x1  }
0xb2: {  	[tilespmem:v2+s19+$0x0] =	vst.idx.add.f32.msk $0xffff, v4  }
0xb3: {  	v4 =	vld.idx.msk [tilespmem:v52+s2+$0x0], $0xffff;
	_ =	sdelay $0x1  }
0xb4: {  	v53 =	vor.u32 $0x1, v2  }
0xb5: {  	v54 =	vor.u32 $0x2, v1;
	_ =	sdelay $0x1  }
0xb6: {  	v4 =	vmul.f32 v4, v3;
	_ =	sdelay $0x1  }
0xb7: {  	[tilespmem:v53+s19+$0x0] =	vst.idx.add.f32.msk $0xffff, v4  }
0xb8: {  	v4 =	vld.idx.msk [tilespmem:v54+s2+$0x0], $0xffff;
	_ =	sdelay $0x1  }
0xb9: {  	v55 =	vor.u32 $0x2, v2  }
0xba: {  	v1 =	vor.u32 $0x3, v1;
	_ =	sdelay $0x1  }
0xbb: {  	v4 =	vmul.f32 v4, v3;
	_ =	sdelay $0x1  }
0xbc: {  	[tilespmem:v55+s19+$0x0] =	vst.idx.add.f32.msk $0xffff, v4  }
0xbd: {  	v1 =	vld.idx.msk [tilespmem:v1+s2+$0x0], $0xffff;
	_ =	sdelay $0x1  }
0xbe: {  	v2 =	vor.u32 $0x3, v2;
	_ =	sdelay $0x2  }
0xbf: {  	v1 =	vmul.f32 v1, v3;
	_ =	sdelay $0x1  }
0xc0: {  	[tilespmem:v2+s19+$0x0] =	vst.idx.add.f32.msk $0xffff, v1  }
0xc1: {  	v1 =	vld [tilespmem:s25+$0x14060];
	_ =	sdelay $0x4  }
0xc2: {  	v1 =	vshll.u32 v1, $0x2;
	_ =	sdelay $0x1  }
0xc3: {  	v2 =	vld [tilespmem:s25+$0x15060];
	_ =	sdelay $0x1  }
0xc4: {  	v3 =	vld [tilespmem:s25+$0x16060]  }
0xc5: {  	v4 =	vld.idx.msk [tilespmem:v1+s2+$0x0], $0xffff;
	_ =	sdelay $0x1  }
0xc6: {  	v2 =	vshll.u32 v2, $0x2  }
0xc7: {  	v56 =	vor.u32 $0x1, v1;
	_ =	sdelay $0x1  }
0xc8: {  	v4 =	vmul.f32 v4, v3;
	_ =	sdelay $0x1  }
0xc9: {  	[tilespmem:v2+s19+$0x0] =	vst.idx.add.f32.msk $0xffff, v4  }
0xca: {  	v4 =	vld.idx.msk [tilespmem:v56+s2+$0x0], $0xffff;
	_ =	sdelay $0x1  }
0xcb: {  	v57 =	vor.u32 $0x1, v2  }
0xcc: {  	v58 =	vor.u32 $0x2, v1;
	_ =	sdelay $0x1  }
0xcd: {  	v4 =	vmul.f32 v4, v3;
	_ =	sdelay $0x1  }
0xce: {  	[tilespmem:v57+s19+$0x0] =	vst.idx.add.f32.msk $0xffff, v4  }
0xcf: {  	v4 =	vld.idx.msk [tilespmem:v58+s2+$0x0], $0xffff;
	_ =	sdelay $0x1  }
0xd0: {  	v59 =	vor.u32 $0x2, v2  }
0xd1: {  	v1 =	vor.u32 $0x3, v1;
	_ =	sdelay $0x1  }
0xd2: {  	v4 =	vmul.f32 v4, v3;
	_ =	sdelay $0x1  }
0xd3: {  	[tilespmem:v59+s19+$0x0] =	vst.idx.add.f32.msk $0xffff, v4  }
0xd4: {  	v1 =	vld.idx.msk [tilespmem:v1+s2+$0x0], $0xffff;
	_ =	sdelay $0x1  }
0xd5: {  	v2 =	vor.u32 $0x3, v2;
	_ =	sdelay $0x2  }
0xd6: {  	v1 =	vmul.f32 v1, v3;
	_ =	sdelay $0x1  }
0xd7: {  	[tilespmem:v2+s19+$0x0] =	vst.idx.add.f32.msk $0xffff, v1  }
0xd8: {  	v1 =	vld [tilespmem:s25+$0x14070];
	_ =	sdelay $0x4  }
0xd9: {  	v1 =	vshll.u32 v1, $0x2;
	_ =	sdelay $0x1  }
0xda: {  	v2 =	vld [tilespmem:s25+$0x15070];
	_ =	sdelay $0x1  }
0xdb: {  	v3 =	vld [tilespmem:s25+$0x16070]  }
0xdc: {  	v4 =	vld.idx.msk [tilespmem:v1+s2+$0x0], $0xffff;
	_ =	sdelay $0x1  }
0xdd: {  	v2 =	vshll.u32 v2, $0x2  }
0xde: {  	v60 =	vor.u32 $0x1, v1;
	_ =	sdelay $0x1  }
0xdf: {  	v4 =	vmul.f32 v4, v3;
	_ =	sdelay $0x1  }
0xe0: {  	[tilespmem:v2+s19+$0x0] =	vst.idx.add.f32.msk $0xffff, v4  }
0xe1: {  	v4 =	vld.idx.msk [tilespmem:v60+s2+$0x0], $0xffff;
	_ =	sdelay $0x1  }
0xe2: {  	v61 =	vor.u32 $0x1, v2  }
0xe3: {  	v62 =	vor.u32 $0x2, v1;
	_ =	sdelay $0x1  }
0xe4: {  	v4 =	vmul.f32 v4, v3;
	_ =	sdelay $0x1  }
0xe5: {  	[tilespmem:v61+s19+$0x0] =	vst.idx.add.f32.msk $0xffff, v4  }
0xe6: {  	v4 =	vld.idx.msk [tilespmem:v62+s2+$0x0], $0xffff;
	_ =	sdelay $0x1  }
0xe7: {  	v63 =	vor.u32 $0x2, v2  }
0xe8: {  	v1 =	vor.u32 $0x3, v1;
	_ =	sdelay $0x1  }
0xe9: {  	v4 =	vmul.f32 v4, v3;
	_ =	sdelay $0x1  }
0xea: {  	[tilespmem:v63+s19+$0x0] =	vst.idx.add.f32.msk $0xffff, v4  }
0xeb: {  	v1 =	vld.idx.msk [tilespmem:v1+s2+$0x0], $0xffff;
	_ =	sdelay $0x1  }
0xec: {  	p0 =	sne.s32 s24, $0x1E00;
	v2 =	vor.u32 $0x3, v2  }
.Ltmp1:
0xed: {  	_ = 	snop;
	(pc) =	sbr.rel @p0 .LBB2_5-.Ltmp1, $3  }
0xee: {  	_ = 	snop  }
0xef: {  	v1 =	vmul.f32 v1, v3;
	_ =	sdelay $0x1  }
0xf0: {  	s24 =	sadd.s32 $0x200, s24;
	[tilespmem:v2+s19+$0x0] =	vst.idx.add.f32.msk $0xffff, v1  }
0xf1: {  	s24 =	sshll.u32 s23, $0x9  }
0xf2: {  	s26 =	sadd.s32 $0x200, s24  }
0xf3: {  	s25 =	simm.s32 $0x0;
	s28 =	sadd.s32 s1, s26  }
0xf4: {  	[tilespmem:s12], [sflag:$0x1] =	stream.linear.gather [hbm4b:s28+s25], $0x800, $0x38;
	[tilespmem:$0x17000] =	vst v63  }
0xf5: {  	s31 =	sadd.s32 s4, s26  }
0xf6: {  	[tilespmem:s13], [sflag:$0x1] =	stream.linear.gather [hbm4b:s31+s25], $0x800, $0x38;
	[tilespmem:$0x17000] =	vst v63  }
0xf7: {  	s26 =	sadd.s32 s5, s26  }
0xf8: {  	[tilespmem:s14], [sflag:$0x1] =	stream.linear.gather [hbm4b:s26+s25], $0x800, $0x38;
	[tilespmem:$0x17000] =	vst v63  }
0xf9: {  	_ =	swait.ge [sflag:s20], $0x800  }
0xfa: {  	[sflag:s20] =	ssyncset.done $0x0  }
0xfb: {  	[sflag:s20] =	ssyncadd.s32 $0xFFFFF800  }
0xfc: {  	_ =	swait.ge [sflag:s20], $0x800  }
0xfd: {  	[sflag:s20] =	ssyncset.done $0x0  }
0xfe: {  	[sflag:s20] =	ssyncadd.s32 $0xFFFFF800  }
0xff: {  	_ =	swait.ge [sflag:s20], $0x800  }
0x100: {  	[sflag:s20] =	ssyncset.done $0x0  }
0x101: {  	[sflag:s20] =	ssyncadd.s32 $0xFFFFF800  }
.LBB2_7:
0x102: {  	s26 =	sshra.s32 s25, $0x2  }
0x103: {  	v1 =	vld [tilespmem:s26+$0x14800];
	_ =	sdelay $0x4  }
0x104: {  	v1 =	vshll.u32 v1, $0x2;
	_ =	sdelay $0x1  }
0x105: {  	v2 =	vld [tilespmem:s26+$0x15800];
	_ =	sdelay $0x1  }
0x106: {  	v3 =	vld [tilespmem:s26+$0x16800]  }
0x107: {  	v4 =	vld.idx.msk [tilespmem:v1+s2+$0x0], $0xffff;
	_ =	sdelay $0x1  }
0x108: {  	v2 =	vshll.u32 v2, $0x2  }
0x109: {  	v5 =	vor.u32 $0x1, v1;
	_ =	sdelay $0x1  }
0x10a: {  	v4 =	vmul.f32 v4, v3;
	_ =	sdelay $0x1  }
0x10b: {  	[tilespmem:v2+s19+$0x0] =	vst.idx.add.f32.msk $0xffff, v4  }
0x10c: {  	v4 =	vld.idx.msk [tilespmem:v5+s2+$0x0], $0xffff;
	_ =	sdelay $0x1  }
0x10d: {  	v34 =	vor.u32 $0x1, v2  }
0x10e: {  	v6 =	vor.u32 $0x2, v1;
	_ =	sdelay $0x1  }
0x10f: {  	v4 =	vmul.f32 v4, v3;
	_ =	sdelay $0x1  }
0x110: {  	[tilespmem:v34+s19+$0x0] =	vst.idx.add.f32.msk $0xffff, v4  }
0x111: {  	v4 =	vld.idx.msk [tilespmem:v6+s2+$0x0], $0xffff;
	_ =	sdelay $0x1  }
0x112: {  	v35 =	vor.u32 $0x2, v2  }
0x113: {  	v1 =	vor.u32 $0x3, v1;
	_ =	sdelay $0x1  }
0x114: {  	v4 =	vmul.f32 v4, v3;
	_ =	sdelay $0x1  }
0x115: {  	[tilespmem:v35+s19+$0x0] =	vst.idx.add.f32.msk $0xffff, v4  }
0x116: {  	v1 =	vld.idx.msk [tilespmem:v1+s2+$0x0], $0xffff;
	_ =	sdelay $0x1  }
0x117: {  	v2 =	vor.u32 $0x3, v2;
	_ =	sdelay $0x2  }
0x118: {  	v1 =	vmul.f32 v1, v3;
	_ =	sdelay $0x1  }
0x119: {  	[tilespmem:v2+s19+$0x0] =	vst.idx.add.f32.msk $0xffff, v1  }
0x11a: {  	v1 =	vld [tilespmem:s26+$0x14810];
	_ =	sdelay $0x4  }
0x11b: {  	v1 =	vshll.u32 v1, $0x2;
	_ =	sdelay $0x1  }
0x11c: {  	v2 =	vld [tilespmem:s26+$0x15810];
	_ =	sdelay $0x1  }
0x11d: {  	v3 =	vld [tilespmem:s26+$0x16810]  }
0x11e: {  	v4 =	vld.idx.msk [tilespmem:v1+s2+$0x0], $0xffff;
	_ =	sdelay $0x1  }
0x11f: {  	v2 =	vshll.u32 v2, $0x2  }
0x120: {  	v36 =	vor.u32 $0x1, v1;
	_ =	sdelay $0x1  }
0x121: {  	v4 =	vmul.f32 v4, v3;
	_ =	sdelay $0x1  }
0x122: {  	[tilespmem:v2+s19+$0x0] =	vst.idx.add.f32.msk $0xffff, v4  }
0x123: {  	v4 =	vld.idx.msk [tilespmem:v36+s2+$0x0], $0xffff;
	_ =	sdelay $0x1  }
0x124: {  	v37 =	vor.u32 $0x1, v2  }
0x125: {  	v38 =	vor.u32 $0x2, v1;
	_ =	sdelay $0x1  }
0x126: {  	v4 =	vmul.f32 v4, v3;
	_ =	sdelay $0x1  }
0x127: {  	[tilespmem:v37+s19+$0x0] =	vst.idx.add.f32.msk $0xffff, v4  }
0x128: {  	v4 =	vld.idx.msk [tilespmem:v38+s2+$0x0], $0xffff;
	_ =	sdelay $0x1  }
0x129: {  	v39 =	vor.u32 $0x2, v2  }
0x12a: {  	v1 =	vor.u32 $0x3, v1;
	_ =	sdelay $0x1  }
0x12b: {  	v4 =	vmul.f32 v4, v3;
	_ =	sdelay $0x1  }
0x12c: {  	[tilespmem:v39+s19+$0x0] =	vst.idx.add.f32.msk $0xffff, v4  }
0x12d: {  	v1 =	vld.idx.msk [tilespmem:v1+s2+$0x0], $0xffff;
	_ =	sdelay $0x1  }
0x12e: {  	v2 =	vor.u32 $0x3, v2;
	_ =	sdelay $0x2  }
0x12f: {  	v1 =	vmul.f32 v1, v3;
	_ =	sdelay $0x1  }
0x130: {  	[tilespmem:v2+s19+$0x0] =	vst.idx.add.f32.msk $0xffff, v1  }
0x131: {  	v1 =	vld [tilespmem:s26+$0x14820];
	_ =	sdelay $0x4  }
0x132: {  	v1 =	vshll.u32 v1, $0x2;
	_ =	sdelay $0x1  }
0x133: {  	v2 =	vld [tilespmem:s26+$0x15820];
	_ =	sdelay $0x1  }
0x134: {  	v3 =	vld [tilespmem:s26+$0x16820]  }
0x135: {  	v4 =	vld.idx.msk [tilespmem:v1+s2+$0x0], $0xffff;
	_ =	sdelay $0x1  }
0x136: {  	v2 =	vshll.u32 v2, $0x2  }
0x137: {  	v40 =	vor.u32 $0x1, v1;
	_ =	sdelay $0x1  }
0x138: {  	v4 =	vmul.f32 v4, v3;
	_ =	sdelay $0x1  }
0x139: {  	[tilespmem:v2+s19+$0x0] =	vst.idx.add.f32.msk $0xffff, v4  }
0x13a: {  	v4 =	vld.idx.msk [tilespmem:v40+s2+$0x0], $0xffff;
	_ =	sdelay $0x1  }
0x13b: {  	v41 =	vor.u32 $0x1, v2  }
0x13c: {  	v42 =	vor.u32 $0x2, v1;
	_ =	sdelay $0x1  }
0x13d: {  	v4 =	vmul.f32 v4, v3;
	_ =	sdelay $0x1  }
0x13e: {  	[tilespmem:v41+s19+$0x0] =	vst.idx.add.f32.msk $0xffff, v4  }
0x13f: {  	v4 =	vld.idx.msk [tilespmem:v42+s2+$0x0], $0xffff;
	_ =	sdelay $0x1  }
0x140: {  	v43 =	vor.u32 $0x2, v2  }
0x141: {  	v1 =	vor.u32 $0x3, v1;
	_ =	sdelay $0x1  }
0x142: {  	v4 =	vmul.f32 v4, v3;
	_ =	sdelay $0x1  }
0x143: {  	[tilespmem:v43+s19+$0x0] =	vst.idx.add.f32.msk $0xffff, v4  }
0x144: {  	v1 =	vld.idx.msk [tilespmem:v1+s2+$0x0], $0xffff;
	_ =	sdelay $0x1  }
0x145: {  	v2 =	vor.u32 $0x3, v2;
	_ =	sdelay $0x2  }
0x146: {  	v1 =	vmul.f32 v1, v3;
	_ =	sdelay $0x1  }
0x147: {  	[tilespmem:v2+s19+$0x0] =	vst.idx.add.f32.msk $0xffff, v1  }
0x148: {  	v1 =	vld [tilespmem:s26+$0x14830];
	_ =	sdelay $0x4  }
0x149: {  	v1 =	vshll.u32 v1, $0x2;
	_ =	sdelay $0x1  }
0x14a: {  	v2 =	vld [tilespmem:s26+$0x15830];
	_ =	sdelay $0x1  }
0x14b: {  	v3 =	vld [tilespmem:s26+$0x16830]  }
0x14c: {  	v4 =	vld.idx.msk [tilespmem:v1+s2+$0x0], $0xffff;
	_ =	sdelay $0x1  }
0x14d: {  	v2 =	vshll.u32 v2, $0x2  }
0x14e: {  	v44 =	vor.u32 $0x1, v1;
	_ =	sdelay $0x1  }
0x14f: {  	v4 =	vmul.f32 v4, v3;
	_ =	sdelay $0x1  }
0x150: {  	[tilespmem:v2+s19+$0x0] =	vst.idx.add.f32.msk $0xffff, v4  }
0x151: {  	v4 =	vld.idx.msk [tilespmem:v44+s2+$0x0], $0xffff;
	_ =	sdelay $0x1  }
0x152: {  	v45 =	vor.u32 $0x1, v2  }
0x153: {  	v46 =	vor.u32 $0x2, v1;
	_ =	sdelay $0x1  }
0x154: {  	v4 =	vmul.f32 v4, v3;
	_ =	sdelay $0x1  }
0x155: {  	[tilespmem:v45+s19+$0x0] =	vst.idx.add.f32.msk $0xffff, v4  }
0x156: {  	v4 =	vld.idx.msk [tilespmem:v46+s2+$0x0], $0xffff;
	_ =	sdelay $0x1  }
0x157: {  	v47 =	vor.u32 $0x2, v2  }
0x158: {  	v1 =	vor.u32 $0x3, v1;
	_ =	sdelay $0x1  }
0x159: {  	v4 =	vmul.f32 v4, v3;
	_ =	sdelay $0x1  }
0x15a: {  	[tilespmem:v47+s19+$0x0] =	vst.idx.add.f32.msk $0xffff, v4  }
0x15b: {  	v1 =	vld.idx.msk [tilespmem:v1+s2+$0x0], $0xffff;
	_ =	sdelay $0x1  }
0x15c: {  	v2 =	vor.u32 $0x3, v2;
	_ =	sdelay $0x2  }
0x15d: {  	v1 =	vmul.f32 v1, v3;
	_ =	sdelay $0x1  }
0x15e: {  	[tilespmem:v2+s19+$0x0] =	vst.idx.add.f32.msk $0xffff, v1  }
0x15f: {  	v1 =	vld [tilespmem:s26+$0x14840];
	_ =	sdelay $0x4  }
0x160: {  	v1 =	vshll.u32 v1, $0x2;
	_ =	sdelay $0x1  }
0x161: {  	v2 =	vld [tilespmem:s26+$0x15840];
	_ =	sdelay $0x1  }
0x162: {  	v3 =	vld [tilespmem:s26+$0x16840]  }
0x163: {  	v4 =	vld.idx.msk [tilespmem:v1+s2+$0x0], $0xffff;
	_ =	sdelay $0x1  }
0x164: {  	v2 =	vshll.u32 v2, $0x2  }
0x165: {  	v48 =	vor.u32 $0x1, v1;
	_ =	sdelay $0x1  }
0x166: {  	v4 =	vmul.f32 v4, v3;
	_ =	sdelay $0x1  }
0x167: {  	[tilespmem:v2+s19+$0x0] =	vst.idx.add.f32.msk $0xffff, v4  }
0x168: {  	v4 =	vld.idx.msk [tilespmem:v48+s2+$0x0], $0xffff;
	_ =	sdelay $0x1  }
0x169: {  	v49 =	vor.u32 $0x1, v2  }
0x16a: {  	v50 =	vor.u32 $0x2, v1;
	_ =	sdelay $0x1  }
0x16b: {  	v4 =	vmul.f32 v4, v3;
	_ =	sdelay $0x1  }
0x16c: {  	[tilespmem:v49+s19+$0x0] =	vst.idx.add.f32.msk $0xffff, v4  }
0x16d: {  	v4 =	vld.idx.msk [tilespmem:v50+s2+$0x0], $0xffff;
	_ =	sdelay $0x1  }
0x16e: {  	v51 =	vor.u32 $0x2, v2  }
0x16f: {  	v1 =	vor.u32 $0x3, v1;
	_ =	sdelay $0x1  }
0x170: {  	v4 =	vmul.f32 v4, v3;
	_ =	sdelay $0x1  }
0x171: {  	[tilespmem:v51+s19+$0x0] =	vst.idx.add.f32.msk $0xffff, v4  }
0x172: {  	v1 =	vld.idx.msk [tilespmem:v1+s2+$0x0], $0xffff;
	_ =	sdelay $0x1  }
0x173: {  	v2 =	vor.u32 $0x3, v2;
	_ =	sdelay $0x2  }
0x174: {  	v1 =	vmul.f32 v1, v3;
	_ =	sdelay $0x1  }
0x175: {  	[tilespmem:v2+s19+$0x0] =	vst.idx.add.f32.msk $0xffff, v1  }
0x176: {  	v1 =	vld [tilespmem:s26+$0x14850];
	_ =	sdelay $0x4  }
0x177: {  	v1 =	vshll.u32 v1, $0x2;
	_ =	sdelay $0x1  }
0x178: {  	v2 =	vld [tilespmem:s26+$0x15850];
	_ =	sdelay $0x1  }
0x179: {  	v3 =	vld [tilespmem:s26+$0x16850]  }
0x17a: {  	v4 =	vld.idx.msk [tilespmem:v1+s2+$0x0], $0xffff;
	_ =	sdelay $0x1  }
0x17b: {  	v2 =	vshll.u32 v2, $0x2  }
0x17c: {  	v52 =	vor.u32 $0x1, v1;
	_ =	sdelay $0x1  }
0x17d: {  	v4 =	vmul.f32 v4, v3;
	_ =	sdelay $0x1  }
0x17e: {  	[tilespmem:v2+s19+$0x0] =	vst.idx.add.f32.msk $0xffff, v4  }
0x17f: {  	v4 =	vld.idx.msk [tilespmem:v52+s2+$0x0], $0xffff;
	_ =	sdelay $0x1  }
0x180: {  	v53 =	vor.u32 $0x1, v2  }
0x181: {  	v54 =	vor.u32 $0x2, v1;
	_ =	sdelay $0x1  }
0x182: {  	v4 =	vmul.f32 v4, v3;
	_ =	sdelay $0x1  }
0x183: {  	[tilespmem:v53+s19+$0x0] =	vst.idx.add.f32.msk $0xffff, v4  }
0x184: {  	v4 =	vld.idx.msk [tilespmem:v54+s2+$0x0], $0xffff;
	_ =	sdelay $0x1  }
0x185: {  	v55 =	vor.u32 $0x2, v2  }
0x186: {  	v1 =	vor.u32 $0x3, v1;
	_ =	sdelay $0x1  }
0x187: {  	v4 =	vmul.f32 v4, v3;
	_ =	sdelay $0x1  }
0x188: {  	[tilespmem:v55+s19+$0x0] =	vst.idx.add.f32.msk $0xffff, v4  }
0x189: {  	v1 =	vld.idx.msk [tilespmem:v1+s2+$0x0], $0xffff;
	_ =	sdelay $0x1  }
0x18a: {  	v2 =	vor.u32 $0x3, v2;
	_ =	sdelay $0x2  }
0x18b: {  	v1 =	vmul.f32 v1, v3;
	_ =	sdelay $0x1  }
0x18c: {  	[tilespmem:v2+s19+$0x0] =	vst.idx.add.f32.msk $0xffff, v1  }
0x18d: {  	v1 =	vld [tilespmem:s26+$0x14860];
	_ =	sdelay $0x4  }
0x18e: {  	v1 =	vshll.u32 v1, $0x2;
	_ =	sdelay $0x1  }
0x18f: {  	v2 =	vld [tilespmem:s26+$0x15860];
	_ =	sdelay $0x1  }
0x190: {  	v3 =	vld [tilespmem:s26+$0x16860]  }
0x191: {  	v4 =	vld.idx.msk [tilespmem:v1+s2+$0x0], $0xffff;
	_ =	sdelay $0x1  }
0x192: {  	v2 =	vshll.u32 v2, $0x2  }
0x193: {  	v56 =	vor.u32 $0x1, v1;
	_ =	sdelay $0x1  }
0x194: {  	v4 =	vmul.f32 v4, v3;
	_ =	sdelay $0x1  }
0x195: {  	[tilespmem:v2+s19+$0x0] =	vst.idx.add.f32.msk $0xffff, v4  }
0x196: {  	v4 =	vld.idx.msk [tilespmem:v56+s2+$0x0], $0xffff;
	_ =	sdelay $0x1  }
0x197: {  	v57 =	vor.u32 $0x1, v2  }
0x198: {  	v58 =	vor.u32 $0x2, v1;
	_ =	sdelay $0x1  }
0x199: {  	v4 =	vmul.f32 v4, v3;
	_ =	sdelay $0x1  }
0x19a: {  	[tilespmem:v57+s19+$0x0] =	vst.idx.add.f32.msk $0xffff, v4  }
0x19b: {  	v4 =	vld.idx.msk [tilespmem:v58+s2+$0x0], $0xffff;
	_ =	sdelay $0x1  }
0x19c: {  	v59 =	vor.u32 $0x2, v2  }
0x19d: {  	v1 =	vor.u32 $0x3, v1;
	_ =	sdelay $0x1  }
0x19e: {  	v4 =	vmul.f32 v4, v3;
	_ =	sdelay $0x1  }
0x19f: {  	[tilespmem:v59+s19+$0x0] =	vst.idx.add.f32.msk $0xffff, v4  }
0x1a0: {  	v1 =	vld.idx.msk [tilespmem:v1+s2+$0x0], $0xffff;
	_ =	sdelay $0x1  }
0x1a1: {  	v2 =	vor.u32 $0x3, v2;
	_ =	sdelay $0x2  }
0x1a2: {  	v1 =	vmul.f32 v1, v3;
	_ =	sdelay $0x1  }
0x1a3: {  	[tilespmem:v2+s19+$0x0] =	vst.idx.add.f32.msk $0xffff, v1  }
0x1a4: {  	v1 =	vld [tilespmem:s26+$0x14870];
	_ =	sdelay $0x4  }
0x1a5: {  	v1 =	vshll.u32 v1, $0x2;
	_ =	sdelay $0x1  }
0x1a6: {  	v2 =	vld [tilespmem:s26+$0x15870];
	_ =	sdelay $0x1  }
0x1a7: {  	v3 =	vld [tilespmem:s26+$0x16870]  }
0x1a8: {  	v4 =	vld.idx.msk [tilespmem:v1+s2+$0x0], $0xffff;
	_ =	sdelay $0x1  }
0x1a9: {  	v2 =	vshll.u32 v2, $0x2  }
0x1aa: {  	v60 =	vor.u32 $0x1, v1;
	_ =	sdelay $0x1  }
0x1ab: {  	v4 =	vmul.f32 v4, v3;
	_ =	sdelay $0x1  }
0x1ac: {  	[tilespmem:v2+s19+$0x0] =	vst.idx.add.f32.msk $0xffff, v4  }
0x1ad: {  	v4 =	vld.idx.msk [tilespmem:v60+s2+$0x0], $0xffff;
	_ =	sdelay $0x1  }
0x1ae: {  	v61 =	vor.u32 $0x1, v2  }
0x1af: {  	v62 =	vor.u32 $0x2, v1;
	_ =	sdelay $0x1  }
0x1b0: {  	v4 =	vmul.f32 v4, v3;
	_ =	sdelay $0x1  }
0x1b1: {  	[tilespmem:v61+s19+$0x0] =	vst.idx.add.f32.msk $0xffff, v4  }
0x1b2: {  	v4 =	vld.idx.msk [tilespmem:v62+s2+$0x0], $0xffff;
	_ =	sdelay $0x1  }
0x1b3: {  	v63 =	vor.u32 $0x2, v2  }
0x1b4: {  	v1 =	vor.u32 $0x3, v1;
	_ =	sdelay $0x1  }
0x1b5: {  	v4 =	vmul.f32 v4, v3;
	_ =	sdelay $0x1  }
0x1b6: {  	[tilespmem:v63+s19+$0x0] =	vst.idx.add.f32.msk $0xffff, v4  }
0x1b7: {  	v1 =	vld.idx.msk [tilespmem:v1+s2+$0x0], $0xffff;
	_ =	sdelay $0x1  }
0x1b8: {  	p0 =	sne.s32 s25, $0x1E00;
	v2 =	vor.u32 $0x3, v2  }
.Ltmp2:
0x1b9: {  	_ = 	snop;
	(pc) =	sbr.rel @p0 .LBB2_7-.Ltmp2, $3  }
0x1ba: {  	_ = 	snop  }
0x1bb: {  	v1 =	vmul.f32 v1, v3;
	_ =	sdelay $0x1  }
0x1bc: {  	s25 =	sadd.s32 $0x200, s25;
	[tilespmem:v2+s19+$0x0] =	vst.idx.add.f32.msk $0xffff, v1  }
0x1bd: {  	s24 =	sadd.s32 $0x300, s24;
	s23 =	sadd.s32 $0x1, s23  }
0x1be: {  	s25 =	sadd.s32 s1, s24;
	p0 =	sne.s32 s23, $0x50  }
0x1bf: {  	[tilespmem:s15], [sflag:$0x2] =	stream.linear.gather [hbm4b:s25+s2], $0x800, $0x38;
	[tilespmem:$0x17000] =	vst v63  }
.Ltmp3:
0x1c0: {  	_ = 	snop;
	(pc) =	sbr.rel @p0 .LBB2_4-.Ltmp3, $4  }
0x1c1: {  	s31 =	sadd.s32 s4, s24  }
0x1c2: {  	[tilespmem:s16], [sflag:$0x2] =	stream.linear.gather [hbm4b:s31+s2], $0x800, $0x38;
	[tilespmem:$0x17000] =	vst v63  }
0x1c3: {  	s24 =	sadd.s32 s5, s24  }
0x1c4: {  	[tilespmem:s17], [sflag:$0x2] =	stream.linear.gather [hbm4b:s24+s2], $0x800, $0x38;
	[tilespmem:$0x17000] =	vst v63  }
0x1c5: {  	_ =	swait.ge [sflag:s18], $0x800  }
0x1c6: {  	[sflag:s18] =	ssyncset.done $0x0  }
0x1c7: {  	[sflag:s18] =	ssyncadd.s32 $0xFFFFF800  }
0x1c8: {  	_ =	swait.ge [sflag:s18], $0x800  }
0x1c9: {  	[sflag:s18] =	ssyncset.done $0x0  }
0x1ca: {  	[sflag:s18] =	ssyncadd.s32 $0xFFFFF800  }
0x1cb: {  	_ =	swait.ge [sflag:s18], $0x800  }
0x1cc: {  	[sflag:s18] =	ssyncset.done $0x0  }
0x1cd: {  	[sflag:s18] =	ssyncadd.s32 $0xFFFFF800  }
0x1ce: {  	_ =	swait.ge [sflag:s20], $0x800  }
0x1cf: {  	[sflag:s20] =	ssyncset.done $0x0  }
0x1d0: {  	[sflag:s20] =	ssyncadd.s32 $0xFFFFF800  }
0x1d1: {  	_ =	swait.ge [sflag:s20], $0x800  }
0x1d2: {  	[sflag:s20] =	ssyncset.done $0x0  }
0x1d3: {  	[sflag:s20] =	ssyncadd.s32 $0xFFFFF800  }
0x1d4: {  	s22 =	sadd.s32 $0x1, s22;
	_ =	swait.ge [sflag:s20], $0x800  }
0x1d5: {  	p0 =	sne.s32 s22, s10;
	[sflag:s20] =	ssyncset.done $0x0  }
.Ltmp4:
0x1d6: {  	[sflag:s20] =	ssyncadd.s32 $0xFFFFF800;
	(pc) =	sbr.rel @p0 .LBB2_1-.Ltmp4, $4  }
0x1d7: {  	[hbm4b:s21+s2] =	stream.linear.scatter [tilespmem:s19], [sflag:$0x3], $0x9C80, $0x38;
	[tilespmem:$0x17000] =	vst v63  }
0x1d8: {  	_ =	swait.ge [sflag:s11], $0x9C80  }
0x1d9: {  	[sflag:s11] =	ssyncset.done $0x0  }
0x1da: {  	[sflag:s11] =	ssyncadd.s32 $0xFFFF6380  }
0x1db: {  	_ =	sfence.sel $0x180000  }
0x1dc: {  	[bflag:$0x0] =	sbarrier.arrive $0xFFFF  }
0x1dd: {  	p0 =	sne.s32 s3, $0x0;
	_ =	strace $0x90000047  }
0x1de: {  	s0 =	sadd.s32 @!p0 $0x100000, s0;
	[bflag:$0x2] =	sbarrier.arrive $0xFFFF  }
0x1df: {  	[sflag:s0] =	ssyncadd.tile.s32 @!p0 $0x1;
	_ =	shalt  }
.Lfunc_end2:
_tile_overlayer_lowered:
.L_overlay_start_2:
0x1e0: {  	(tag) =	ssettag $0x2  }
0x1e1: {  	s0 =	rddreg [dreg:$0x0];
	s2 =	stileid.u32  }
0x1e2: {  	s1 =	rddreg [dreg:$0x1];
	p0 =	sne.s32 s2, $0x0  }
0x1e3: {  	s3 =	rddreg [dreg:$0x2];
	[bflag:$0x3] =	sbarrier.arrive $0xFFFF;
	s2 =	simm.s32 @!p0 $0x1C03  }
0x1e4: {  	[timem:s3], [sflag:s2] =	dma.local @!p0 [hbm:s0], s1  }
0x1e5: {  	s0 =	simm.s32 @!p0 $0x3  }
0x1e6: {  	_ =	swait.ge @!p0 [sflag:s0], s1  }
0x1e7: {  	s1 =	ssub.s32 @!p0 $0x0, s1;
	[sflag:s0] =	ssyncset.done @!p0 $0x0  }
0x1e8: {  	[sflag:s0] =	ssyncadd.s32 @!p0 s1  }
0x1e9: {  	[bflag:$0x3] =	sbarrier.arrive $0xFFFF  }
0x1ea: {  	_ =	shalt  }

</sc_bundles>
